<compile_context>
chip_gen: v7x
topology: tpu7x:2x2x1
jax: 0.10.2.dev20260603
libtpu: 0.0.44.dev20260713+nightly
codegen_flags: <defaults>
</compile_context>

<pallas_src>
import functools
import math

import jax
import jax.numpy as jnp
from jax import lax
from jax.experimental import pallas as pl
from jax.experimental.pallas import tpu as pltpu
from jax.experimental.pallas import tpu_sc as plsc

D_MODEL = 128
SCALE = math.sqrt(float(D_MODEL))

NC, NS = 2, 16
NW = NC * NS
W0 = 128
NBUF = 4
LEAD = 2


def _sc_embed(table, idx):
    n_rows, row_len = idx.shape
    d = table.shape[1]
    rows_per_w = n_rows // NW
    w1 = row_len - W0
    mesh = plsc.VectorSubcoreMesh(core_axis_name="core", subcore_axis_name="subcore")

    scratch = [pltpu.VMEM((rows_per_w, row_len), jnp.int32)]
    scratch += [pltpu.VMEM((row_len, d), jnp.float32) for _ in range(NBUF)]
    scratch += [pltpu.SemaphoreType.DMA for _ in range(2 * NBUF)]

    @functools.partial(
        pl.kernel,
        out_type=jax.ShapeDtypeStruct((n_rows * row_len, d), table.dtype),
        mesh=mesh,
        scratch_types=scratch,
    )
    def gather_scale(table_hbm, idx_hbm, out_hbm, idx_v, *rest):
        bufs = rest[:NBUF]
        sg = rest[NBUF:2 * NBUF]
        ss = rest[2 * NBUF:]
        wid = lax.axis_index("subcore") * NC + lax.axis_index("core")
        row0 = wid * rows_per_w

        pltpu.sync_copy(idx_hbm.at[pl.ds(row0, rows_per_w)], idx_v)

        def start_gather(k, b):
            pltpu.async_copy(
                table_hbm.at[idx_v.at[k, pl.ds(0, W0)]],
                bufs[b].at[pl.ds(0, W0)],
                sg[b],
            )
            pltpu.async_copy(
                table_hbm.at[idx_v.at[k, pl.ds(W0, w1)]],
                bufs[b].at[pl.ds(W0, w1)],
                sg[b],
            )

        def wait_gather(k, b):
            pltpu.make_async_copy(
                table_hbm.at[idx_v.at[k, pl.ds(0, W0)]],
                bufs[b].at[pl.ds(0, W0)],
                sg[b],
            ).wait()
            pltpu.make_async_copy(
                table_hbm.at[idx_v.at[k, pl.ds(W0, w1)]],
                bufs[b].at[pl.ds(W0, w1)],
                sg[b],
            ).wait()

        def start_store(k, b):
            pltpu.async_copy(
                bufs[b],
                out_hbm.at[pl.ds((row0 + k) * row_len, row_len)],
                ss[b],
            )

        def wait_store(b):
            pltpu.make_async_copy(
                bufs[b], out_hbm.at[pl.ds(0, row_len)], ss[b]
            ).wait()

        for b in range(LEAD):
            start_gather(b, b)

        @pl.loop(0, rows_per_w, step=NBUF)
        def _(k0):
            for i in range(NBUF):
                k = k0 + i
                b = i
                g = k + LEAD
                gb = (b + LEAD) % NBUF

                @pl.when(g < rows_per_w)
                def _():
                    @pl.when(g >= NBUF)
                    def _():
                        wait_store(gb)

                    start_gather(g, gb)

                wait_gather(k, b)

                @pl.loop(0, row_len, step=4)
                def _(r0):
                    for dr in range(4):
                        row = bufs[b].at[r0 + dr]
                        for c in range(0, d, 16):
                            row[pl.ds(c, 16)] = row[pl.ds(c, 16)] * SCALE

                start_store(k, b)

        for b in range(NBUF):
            wait_store(b)

    return gather_scale(table, idx)


def kernel(x, table):
    b, s = x.shape
    out = _sc_embed(table, x.astype(jnp.int32))
    return out.reshape(b, s, table.shape[1])

# --- scband reference (transcript-rebuilt; emitter-appended) ---
"""Pipeline reference for scband-input-embedding-65755949302249 (READ-ONLY COPY).

The authoritative reference and input builder live on the scoring server;
editing this copy changes nothing except your own understanding.
"""

import jax, jax.numpy as jnp
import numpy as np
import math

VOCAB_SIZE = 1000000
D_MODEL = 128

def setup_inputs(seed: int = 0) -> dict:
    key = jax.random.key(seed)
    k1, k2 = jax.random.split(key)
    x = jax.random.randint(k1, (1024, 200), 0, VOCAB_SIZE, dtype=jnp.int64) if jax.config.jax_enable_x64 else jax.random.randint(k1, (1024, 200), 0, VOCAB_SIZE, dtype=jnp.int32)
    # nn.Embedding default init: N(0, 1)
    table = jax.random.normal(k2, (VOCAB_SIZE, D_MODEL), dtype=jnp.float32)
    return {"x": x, "table": table}

def reference(x, table):
    # token embedding lookup scaled by sqrt(d_model); dropout is identity in eval mode
    emb = jnp.take(table, x, axis=0)
    out = emb * math.sqrt(D_MODEL)
    return out

if __name__ == "__main__":
    import jax
    _d = setup_inputs()
    print(jax.jit(kernel)(*tuple(_d.values())))

</pallas_src>

<mosaic_0001>
#map = affine_map<(d0, d1) -> (0, 0)>
module attributes {stable_mosaic.version = 14 : i64} {
  func.func @gather_scale(%arg0: i32, %arg1: i32, %arg2: memref<1000000x128xf32, #tpu.memory_space<hbm>>, %arg3: memref<1024x200xi32, #tpu.memory_space<hbm>>, %arg4: memref<204800x128xf32, #tpu.memory_space<hbm>>, %arg5: memref<32x200xi32, #tpu.memory_space<vmem>>, %arg6: memref<200x128xf32, #tpu.memory_space<vmem>>, %arg7: memref<200x128xf32, #tpu.memory_space<vmem>>, %arg8: memref<200x128xf32, #tpu.memory_space<vmem>>, %arg9: memref<200x128xf32, #tpu.memory_space<vmem>>, %arg10: memref<!tpu.dma_semaphore, #tpu.memory_space<semaphore_mem>>, %arg11: memref<!tpu.dma_semaphore, #tpu.memory_space<semaphore_mem>>, %arg12: memref<!tpu.dma_semaphore, #tpu.memory_space<semaphore_mem>>, %arg13: memref<!tpu.dma_semaphore, #tpu.memory_space<semaphore_mem>>, %arg14: memref<!tpu.dma_semaphore, #tpu.memory_space<semaphore_mem>>, %arg15: memref<!tpu.dma_semaphore, #tpu.memory_space<semaphore_mem>>, %arg16: memref<!tpu.dma_semaphore, #tpu.memory_space<semaphore_mem>>, %arg17: memref<!tpu.dma_semaphore, #tpu.memory_space<semaphore_mem>>) attributes {dimension_semantics = [#tpu.dimension_semantics<core_parallel>, #tpu.dimension_semantics<subcore_parallel>], iteration_bounds = array<i64: 2, 16>, scalar_prefetch = 0 : i64, scratch_operands = 13 : i64, tpu.core_type = #tpu.core_type<sc_vector_subcore>, window_params = [{transform_indices = #map}, {transform_indices = #map}, {transform_indices = #map}]} {
    %mul3A = arith.constant 2 : i32
    %mul3A_0 = arith.muli %arg1, %mul3A : i32
    %add3A = arith.addi %mul3A_0, %arg0 : i32
    %mul3A_1 = arith.constant 32 : i32
    %mul3A_2 = arith.muli %add3A, %mul3A_1 : i32
    "tpu.region"() ({
      %run_scoped3A = tpu.sem_alloc : memref<!tpu.dma_semaphore, #tpu.memory_space<semaphore_mem>>
      %dma_start3A_69 = arith.constant 0 : i32
      %dma_start3A_70 = tpu.memref_slice %arg3[%mul3A_2, %dma_start3A_69] : memref<1024x200xi32, #tpu.memory_space<hbm>> -> memref<32x200xi32, #tpu.memory_space<hbm>>
      %dma_start3A_71 = arith.constant 0 : i32
      %dma_start3A_72 = tpu.memref_slice %arg3[%mul3A_2, %dma_start3A_71] : memref<1024x200xi32, #tpu.memory_space<hbm>> -> memref<32x200xi32, #tpu.memory_space<hbm>>
      tpu.enqueue_dma source(%dma_start3A_72 : memref<32x200xi32, #tpu.memory_space<hbm>>) target(%arg5 : memref<32x200xi32, #tpu.memory_space<vmem>>) target_semaphore(%run_scoped3A : memref<!tpu.dma_semaphore, #tpu.memory_space<semaphore_mem>>)
      %dma_wait3A_73 = arith.constant 0 : i32
      %dma_wait3A_74 = tpu.memref_slice %arg3[%mul3A_2, %dma_wait3A_73] : memref<1024x200xi32, #tpu.memory_space<hbm>> -> memref<32x200xi32, #tpu.memory_space<hbm>>
      %dma_wait3A_75 = arith.constant 0 : i32
      %dma_wait3A_76 = tpu.memref_slice %arg3[%mul3A_2, %dma_wait3A_75] : memref<1024x200xi32, #tpu.memory_space<hbm>> -> memref<32x200xi32, #tpu.memory_space<hbm>>
      tpu.wait_dma2 semaphore(%run_scoped3A : memref<!tpu.dma_semaphore, #tpu.memory_space<semaphore_mem>>) src(%dma_wait3A_76 : memref<32x200xi32, #tpu.memory_space<hbm>>) dst(%arg5 : memref<32x200xi32, #tpu.memory_space<vmem>>)
      tpu.yield
    }) : () -> ()
    %dma_start3A = arith.constant 0 : i32
    %dma_start3A_3 = arith.constant 0 : i32
    %dma_start3A_4 = arith.constant 0 : i32
    %dma_start3A_5 = tpu.memref_slice %arg6[%dma_start3A_3, %dma_start3A_4] : memref<200x128xf32, #tpu.memory_space<vmem>> -> memref<128x128xf32, #tpu.memory_space<vmem>>
    %dma_start3A_6 = arith.constant 0 : i32
    %dma_start3A_7 = tpu.memref_slice %arg5[%dma_start3A, %dma_start3A_6] : memref<32x200xi32, #tpu.memory_space<vmem>> -> memref<1x128xi32, #tpu.memory_space<vmem>>
    %dma_start3A_8 = tpu.memref_squeeze %dma_start3A_7 : memref<1x128xi32, #tpu.memory_space<vmem>> -> memref<128xi32, #tpu.memory_space<vmem>>
    %dma_start3A_9 = arith.constant 0 : i32
    %dma_start3A_10 = arith.constant 0 : i32
    %dma_start3A_11 = tpu.memref_slice %arg2[%dma_start3A_9, %dma_start3A_10] : memref<1000000x128xf32, #tpu.memory_space<hbm>> -> memref<1000000x128xf32, #tpu.memory_space<hbm>>
    tpu.enqueue_indirect_dma source(%dma_start3A_11 : memref<1000000x128xf32, #tpu.memory_space<hbm>>) target(%dma_start3A_5 : memref<128x128xf32, #tpu.memory_space<vmem>>) offsets(%dma_start3A_8 : memref<128xi32, #tpu.memory_space<vmem>>) semaphore(%arg10 : memref<!tpu.dma_semaphore, #tpu.memory_space<semaphore_mem>>)
    %dma_start3A_12 = arith.constant 0 : i32
    %dma_start3A_13 = arith.constant 128 : i32
    %dma_start3A_14 = arith.constant 0 : i32
    %dma_start3A_15 = tpu.memref_slice %arg6[%dma_start3A_13, %dma_start3A_14] : memref<200x128xf32, #tpu.memory_space<vmem>> -> memref<72x128xf32, #tpu.memory_space<vmem>>
    %dma_start3A_16 = arith.constant 128 : i32
    %dma_start3A_17 = tpu.memref_slice %arg5[%dma_start3A_12, %dma_start3A_16] : memref<32x200xi32, #tpu.memory_space<vmem>> -> memref<1x72xi32, #tpu.memory_space<vmem>>
    %dma_start3A_18 = tpu.memref_squeeze %dma_start3A_17 : memref<1x72xi32, #tpu.memory_space<vmem>> -> memref<72xi32, #tpu.memory_space<vmem>>
    %dma_start3A_19 = arith.constant 0 : i32
    %dma_start3A_20 = arith.constant 0 : i32
    %dma_start3A_21 = tpu.memref_slice %arg2[%dma_start3A_19, %dma_start3A_20] : memref<1000000x128xf32, #tpu.memory_space<hbm>> -> memref<1000000x128xf32, #tpu.memory_space<hbm>>
    tpu.enqueue_indirect_dma source(%dma_start3A_21 : memref<1000000x128xf32, #tpu.memory_space<hbm>>) target(%dma_start3A_15 : memref<72x128xf32, #tpu.memory_space<vmem>>) offsets(%dma_start3A_18 : memref<72xi32, #tpu.memory_space<vmem>>) semaphore(%arg10 : memref<!tpu.dma_semaphore, #tpu.memory_space<semaphore_mem>>)
    %dma_start3A_22 = arith.constant 1 : i32
    %dma_start3A_23 = arith.constant 0 : i32
    %dma_start3A_24 = arith.constant 0 : i32
    %dma_start3A_25 = tpu.memref_slice %arg7[%dma_start3A_23, %dma_start3A_24] : memref<200x128xf32, #tpu.memory_space<vmem>> -> memref<128x128xf32, #tpu.memory_space<vmem>>
    %dma_start3A_26 = arith.constant 0 : i32
    %dma_start3A_27 = tpu.memref_slice %arg5[%dma_start3A_22, %dma_start3A_26] : memref<32x200xi32, #tpu.memory_space<vmem>> -> memref<1x128xi32, #tpu.memory_space<vmem>>
    %dma_start3A_28 = tpu.memref_squeeze %dma_start3A_27 : memref<1x128xi32, #tpu.memory_space<vmem>> -> memref<128xi32, #tpu.memory_space<vmem>>
    %dma_start3A_29 = arith.constant 0 : i32
    %dma_start3A_30 = arith.constant 0 : i32
    %dma_start3A_31 = tpu.memref_slice %arg2[%dma_start3A_29, %dma_start3A_30] : memref<1000000x128xf32, #tpu.memory_space<hbm>> -> memref<1000000x128xf32, #tpu.memory_space<hbm>>
    tpu.enqueue_indirect_dma source(%dma_start3A_31 : memref<1000000x128xf32, #tpu.memory_space<hbm>>) target(%dma_start3A_25 : memref<128x128xf32, #tpu.memory_space<vmem>>) offsets(%dma_start3A_28 : memref<128xi32, #tpu.memory_space<vmem>>) semaphore(%arg11 : memref<!tpu.dma_semaphore, #tpu.memory_space<semaphore_mem>>)
    %dma_start3A_32 = arith.constant 1 : i32
    %dma_start3A_33 = arith.constant 128 : i32
    %dma_start3A_34 = arith.constant 0 : i32
    %dma_start3A_35 = tpu.memref_slice %arg7[%dma_start3A_33, %dma_start3A_34] : memref<200x128xf32, #tpu.memory_space<vmem>> -> memref<72x128xf32, #tpu.memory_space<vmem>>
    %dma_start3A_36 = arith.constant 128 : i32
    %dma_start3A_37 = tpu.memref_slice %arg5[%dma_start3A_32, %dma_start3A_36] : memref<32x200xi32, #tpu.memory_space<vmem>> -> memref<1x72xi32, #tpu.memory_space<vmem>>
    %dma_start3A_38 = tpu.memref_squeeze %dma_start3A_37 : memref<1x72xi32, #tpu.memory_space<vmem>> -> memref<72xi32, #tpu.memory_space<vmem>>
    %dma_start3A_39 = arith.constant 0 : i32
    %dma_start3A_40 = arith.constant 0 : i32
    %dma_start3A_41 = tpu.memref_slice %arg2[%dma_start3A_39, %dma_start3A_40] : memref<1000000x128xf32, #tpu.memory_space<hbm>> -> memref<1000000x128xf32, #tpu.memory_space<hbm>>
    tpu.enqueue_indirect_dma source(%dma_start3A_41 : memref<1000000x128xf32, #tpu.memory_space<hbm>>) target(%dma_start3A_35 : memref<72x128xf32, #tpu.memory_space<vmem>>) offsets(%dma_start3A_38 : memref<72xi32, #tpu.memory_space<vmem>>) semaphore(%arg11 : memref<!tpu.dma_semaphore, #tpu.memory_space<semaphore_mem>>)
    %scan3A = arith.constant 0 : i32
    %scan3A_42 = arith.constant 8 : i32
    %scan3A_43 = arith.addi %scan3A, %scan3A_42 : i32
    %scan3A_44 = arith.constant 1 : i32
    scf.for %scan3A_69 = %scan3A to %scan3A_43 step %scan3A_44  : i32 {
      %mul3A_70 = arith.constant 4 : i32
      %mul3A_71 = arith.muli %scan3A_69, %mul3A_70 : i32
      %add3A_72 = arith.constant 0 : i32
      %add3A_73 = arith.addi %add3A_72, %mul3A_71 : i32
      %add3A_74 = arith.constant 0 : i32
      %add3A_75 = arith.addi %add3A_73, %add3A_74 : i32
      %add3A_76 = arith.constant 2 : i32
      %add3A_77 = arith.addi %add3A_75, %add3A_76 : i32
      %lt3A = arith.constant 32 : i32
      %lt3A_78 = arith.cmpi slt, %add3A_77, %lt3A : i32
      %convert_element_type3A = arith.extui %lt3A_78 : i1 to i32
      %cond3A = arith.constant 0 : i32
      %cond3A_79 = arith.cmpi ne, %convert_element_type3A, %cond3A : i32
      scf.if %cond3A_79 {
        %ge3A = arith.constant 4 : i32
        %ge3A_227 = arith.cmpi sge, %add3A_77, %ge3A : i32
        %convert_element_type3A_228 = arith.extui %ge3A_227 : i1 to i32
        %cond3A_229 = arith.constant 0 : i32
        %cond3A_230 = arith.cmpi ne, %convert_element_type3A_228, %cond3A_229 : i32
        scf.if %cond3A_230 {
          %dma_wait3A_249 = arith.constant 0 : i32
          %dma_wait3A_250 = arith.constant 0 : i32
          %dma_wait3A_251 = tpu.memref_slice %arg4[%dma_wait3A_249, %dma_wait3A_250] : memref<204800x128xf32, #tpu.memory_space<hbm>> -> memref<200x128xf32, #tpu.memory_space<hbm>>
          %dma_wait3A_252 = arith.constant 0 : i32
          %dma_wait3A_253 = arith.constant 0 : i32
          %dma_wait3A_254 = tpu.memref_slice %arg4[%dma_wait3A_252, %dma_wait3A_253] : memref<204800x128xf32, #tpu.memory_space<hbm>> -> memref<200x128xf32, #tpu.memory_space<hbm>>
          tpu.wait_dma2 semaphore(%arg16 : memref<!tpu.dma_semaphore, #tpu.memory_space<semaphore_mem>>) src(%arg8 : memref<200x128xf32, #tpu.memory_space<vmem>>) dst(%dma_wait3A_254 : memref<200x128xf32, #tpu.memory_space<hbm>>)
        } else {
        }
        %dma_start3A_231 = arith.constant 0 : i32
        %dma_start3A_232 = arith.constant 0 : i32
        %dma_start3A_233 = tpu.memref_slice %arg8[%dma_start3A_231, %dma_start3A_232] : memref<200x128xf32, #tpu.memory_space<vmem>> -> memref<128x128xf32, #tpu.memory_space<vmem>>
        %dma_start3A_234 = arith.constant 0 : i32
        %dma_start3A_235 = tpu.memref_slice %arg5[%add3A_77, %dma_start3A_234] : memref<32x200xi32, #tpu.memory_space<vmem>> -> memref<1x128xi32, #tpu.memory_space<vmem>>
        %dma_start3A_236 = tpu.memref_squeeze %dma_start3A_235 : memref<1x128xi32, #tpu.memory_space<vmem>> -> memref<128xi32, #tpu.memory_space<vmem>>
        %dma_start3A_237 = arith.constant 0 : i32
        %dma_start3A_238 = arith.constant 0 : i32
        %dma_start3A_239 = tpu.memref_slice %arg2[%dma_start3A_237, %dma_start3A_238] : memref<1000000x128xf32, #tpu.memory_space<hbm>> -> memref<1000000x128xf32, #tpu.memory_space<hbm>>
        tpu.enqueue_indirect_dma source(%dma_start3A_239 : memref<1000000x128xf32, #tpu.memory_space<hbm>>) target(%dma_start3A_233 : memref<128x128xf32, #tpu.memory_space<vmem>>) offsets(%dma_start3A_236 : memref<128xi32, #tpu.memory_space<vmem>>) semaphore(%arg12 : memref<!tpu.dma_semaphore, #tpu.memory_space<semaphore_mem>>)
        %dma_start3A_240 = arith.constant 128 : i32
        %dma_start3A_241 = arith.constant 0 : i32
        %dma_start3A_242 = tpu.memref_slice %arg8[%dma_start3A_240, %dma_start3A_241] : memref<200x128xf32, #tpu.memory_space<vmem>> -> memref<72x128xf32, #tpu.memory_space<vmem>>
        %dma_start3A_243 = arith.constant 128 : i32
        %dma_start3A_244 = tpu.memref_slice %arg5[%add3A_77, %dma_start3A_243] : memref<32x200xi32, #tpu.memory_space<vmem>> -> memref<1x72xi32, #tpu.memory_space<vmem>>
        %dma_start3A_245 = tpu.memref_squeeze %dma_start3A_244 : memref<1x72xi32, #tpu.memory_space<vmem>> -> memref<72xi32, #tpu.memory_space<vmem>>
        %dma_start3A_246 = arith.constant 0 : i32
        %dma_start3A_247 = arith.constant 0 : i32
        %dma_start3A_248 = tpu.memref_slice %arg2[%dma_start3A_246, %dma_start3A_247] : memref<1000000x128xf32, #tpu.memory_space<hbm>> -> memref<1000000x128xf32, #tpu.memory_space<hbm>>
        tpu.enqueue_indirect_dma source(%dma_start3A_248 : memref<1000000x128xf32, #tpu.memory_space<hbm>>) target(%dma_start3A_242 : memref<72x128xf32, #tpu.memory_space<vmem>>) offsets(%dma_start3A_245 : memref<72xi32, #tpu.memory_space<vmem>>) semaphore(%arg12 : memref<!tpu.dma_semaphore, #tpu.memory_space<semaphore_mem>>)
      } else {
      }
      %dma_wait3A_80 = arith.constant 0 : i32
      %dma_wait3A_81 = arith.constant 0 : i32
      %dma_wait3A_82 = tpu.memref_slice %arg6[%dma_wait3A_80, %dma_wait3A_81] : memref<200x128xf32, #tpu.memory_space<vmem>> -> memref<128x128xf32, #tpu.memory_space<vmem>>
      %dma_wait3A_83 = arith.constant 0 : i32
      %dma_wait3A_84 = tpu.memref_slice %arg5[%add3A_75, %dma_wait3A_83] : memref<32x200xi32, #tpu.memory_space<vmem>> -> memref<1x128xi32, #tpu.memory_space<vmem>>
      %dma_wait3A_85 = tpu.memref_squeeze %dma_wait3A_84 : memref<1x128xi32, #tpu.memory_space<vmem>> -> memref<128xi32, #tpu.memory_space<vmem>>
      %dma_wait3A_86 = arith.constant 0 : i32
      %dma_wait3A_87 = arith.constant 0 : i32
      %dma_wait3A_88 = tpu.memref_slice %arg2[%dma_wait3A_86, %dma_wait3A_87] : memref<1000000x128xf32, #tpu.memory_space<hbm>> -> memref<1000000x128xf32, #tpu.memory_space<hbm>>
      tpu.wait_indirect_dma semaphore(%arg10 : memref<!tpu.dma_semaphore, #tpu.memory_space<semaphore_mem>>) src(%dma_wait3A_88 : memref<1000000x128xf32, #tpu.memory_space<hbm>>) dst(%dma_wait3A_82 : memref<128x128xf32, #tpu.memory_space<vmem>>)
      %dma_wait3A_89 = arith.constant 128 : i32
      %dma_wait3A_90 = arith.constant 0 : i32
      %dma_wait3A_91 = tpu.memref_slice %arg6[%dma_wait3A_89, %dma_wait3A_90] : memref<200x128xf32, #tpu.memory_space<vmem>> -> memref<72x128xf32, #tpu.memory_space<vmem>>
      %dma_wait3A_92 = arith.constant 128 : i32
      %dma_wait3A_93 = tpu.memref_slice %arg5[%add3A_75, %dma_wait3A_92] : memref<32x200xi32, #tpu.memory_space<vmem>> -> memref<1x72xi32, #tpu.memory_space<vmem>>
      %dma_wait3A_94 = tpu.memref_squeeze %dma_wait3A_93 : memref<1x72xi32, #tpu.memory_space<vmem>> -> memref<72xi32, #tpu.memory_space<vmem>>
      %dma_wait3A_95 = arith.constant 0 : i32
      %dma_wait3A_96 = arith.constant 0 : i32
      %dma_wait3A_97 = tpu.memref_slice %arg2[%dma_wait3A_95, %dma_wait3A_96] : memref<1000000x128xf32, #tpu.memory_space<hbm>> -> memref<1000000x128xf32, #tpu.memory_space<hbm>>
      tpu.wait_indirect_dma semaphore(%arg10 : memref<!tpu.dma_semaphore, #tpu.memory_space<semaphore_mem>>) src(%dma_wait3A_97 : memref<1000000x128xf32, #tpu.memory_space<hbm>>) dst(%dma_wait3A_91 : memref<72x128xf32, #tpu.memory_space<vmem>>)
      %scan3A_98 = arith.constant 0 : i32
      %scan3A_99 = arith.constant 50 : i32
      %scan3A_100 = arith.addi %scan3A_98, %scan3A_99 : i32
      %scan3A_101 = arith.constant 1 : i32
      scf.for %scan3A_227 = %scan3A_98 to %scan3A_100 step %scan3A_101  : i32 {
        %mul3A_228 = arith.constant 4 : i32
        %mul3A_229 = arith.muli %scan3A_227, %mul3A_228 : i32
        %add3A_230 = arith.constant 0 : i32
        %add3A_231 = arith.addi %add3A_230, %mul3A_229 : i32
        %add3A_232 = arith.constant 0 : i32
        %add3A_233 = arith.addi %add3A_231, %add3A_232 : i32
        %get3A = arith.constant 0 : i32
        %get3A_234 = tpu.memref_slice %arg6[%add3A_233, %get3A] : memref<200x128xf32, #tpu.memory_space<vmem>> -> memref<1x128xf32, #tpu.memory_space<vmem>>
        %get3A_235 = tpu.memref_squeeze %get3A_234 : memref<1x128xf32, #tpu.memory_space<vmem>> -> memref<128xf32, #tpu.memory_space<vmem>>
        %get3A_236 = arith.constant 0 : index
        %get3A_237 = tpu.vector_load %get3A_235[%get3A_236] {strides = array<i32>} : memref<128xf32, #tpu.memory_space<vmem>>, vector<16xf32>,
        %get3A_238 = vector.shape_cast %get3A_237 : vector<16xf32> to vector<16xf32>
        %mul3A_239 = arith.constant 11.3137083 : f32
        %mul3A_240 = vector.broadcast %mul3A_239 : f32 to vector<16xf32>
        %mul3A_241 = arith.mulf %get3A_238, %mul3A_240 : vector<16xf32>
        %swap3A = arith.constant 0 : i32
        %swap3A_242 = tpu.memref_slice %arg6[%add3A_233, %swap3A] : memref<200x128xf32, #tpu.memory_space<vmem>> -> memref<1x128xf32, #tpu.memory_space<vmem>>
        %swap3A_243 = tpu.memref_squeeze %swap3A_242 : memref<1x128xf32, #tpu.memory_space<vmem>> -> memref<128xf32, #tpu.memory_space<vmem>>
        %swap3A_244 = arith.constant 0 : index
        %swap3A_245 = tpu.vector_load %swap3A_243[%swap3A_244] {strides = array<i32>} : memref<128xf32, #tpu.memory_space<vmem>>, vector<16xf32>,
        %swap3A_246 = vector.shape_cast %swap3A_245 : vector<16xf32> to vector<16xf32>
        %swap3A_247 = vector.shape_cast %mul3A_241 : vector<16xf32> to vector<16xf32>
        tpu.vector_store %swap3A_243[%swap3A_244], %swap3A_247 {strides = array<i32>} : memref<128xf32, #tpu.memory_space<vmem>>, vector<16xf32>,
        %get3A_248 = arith.constant 0 : i32
        %get3A_249 = tpu.memref_slice %arg6[%add3A_233, %get3A_248] : memref<200x128xf32, #tpu.memory_space<vmem>> -> memref<1x128xf32, #tpu.memory_space<vmem>>
        %get3A_250 = tpu.memref_squeeze %get3A_249 : memref<1x128xf32, #tpu.memory_space<vmem>> -> memref<128xf32, #tpu.memory_space<vmem>>
        %get3A_251 = arith.constant 16 : index
        %get3A_252 = tpu.vector_load %get3A_250[%get3A_251] {strides = array<i32>} : memref<128xf32, #tpu.memory_space<vmem>>, vector<16xf32>,
        %get3A_253 = vector.shape_cast %get3A_252 : vector<16xf32> to vector<16xf32>
        %mul3A_254 = arith.constant 11.3137083 : f32
        %mul3A_255 = vector.broadcast %mul3A_254 : f32 to vector<16xf32>
        %mul3A_256 = arith.mulf %get3A_253, %mul3A_255 : vector<16xf32>
        %swap3A_257 = arith.constant 0 : i32
        %swap3A_258 = tpu.memref_slice %arg6[%add3A_233, %swap3A_257] : memref<200x128xf32, #tpu.memory_space<vmem>> -> memref<1x128xf32, #tpu.memory_space<vmem>>
        %swap3A_259 = tpu.memref_squeeze %swap3A_258 : memref<1x128xf32, #tpu.memory_space<vmem>> -> memref<128xf32, #tpu.memory_space<vmem>>
        %swap3A_260 = arith.constant 16 : index
        %swap3A_261 = tpu.vector_load %swap3A_259[%swap3A_260] {strides = array<i32>} : memref<128xf32, #tpu.memory_space<vmem>>, vector<16xf32>,
        %swap3A_262 = vector.shape_cast %swap3A_261 : vector<16xf32> to vector<16xf32>
        %swap3A_263 = vector.shape_cast %mul3A_256 : vector<16xf32> to vector<16xf32>
        tpu.vector_store %swap3A_259[%swap3A_260], %swap3A_263 {strides = array<i32>} : memref<128xf32, #tpu.memory_space<vmem>>, vector<16xf32>,
        %get3A_264 = arith.constant 0 : i32
        %get3A_265 = tpu.memref_slice %arg6[%add3A_233, %get3A_264] : memref<200x128xf32, #tpu.memory_space<vmem>> -> memref<1x128xf32, #tpu.memory_space<vmem>>
        %get3A_266 = tpu.memref_squeeze %get3A_265 : memref<1x128xf32, #tpu.memory_space<vmem>> -> memref<128xf32, #tpu.memory_space<vmem>>
        %get3A_267 = arith.constant 32 : index
        %get3A_268 = tpu.vector_load %get3A_266[%get3A_267] {strides = array<i32>} : memref<128xf32, #tpu.memory_space<vmem>>, vector<16xf32>,
        %get3A_269 = vector.shape_cast %get3A_268 : vector<16xf32> to vector<16xf32>
        %mul3A_270 = arith.constant 11.3137083 : f32
        %mul3A_271 = vector.broadcast %mul3A_270 : f32 to vector<16xf32>
        %mul3A_272 = arith.mulf %get3A_269, %mul3A_271 : vector<16xf32>
        %swap3A_273 = arith.constant 0 : i32
        %swap3A_274 = tpu.memref_slice %arg6[%add3A_233, %swap3A_273] : memref<200x128xf32, #tpu.memory_space<vmem>> -> memref<1x128xf32, #tpu.memory_space<vmem>>
        %swap3A_275 = tpu.memref_squeeze %swap3A_274 : memref<1x128xf32, #tpu.memory_space<vmem>> -> memref<128xf32, #tpu.memory_space<vmem>>
        %swap3A_276 = arith.constant 32 : index
        %swap3A_277 = tpu.vector_load %swap3A_275[%swap3A_276] {strides = array<i32>} : memref<128xf32, #tpu.memory_space<vmem>>, vector<16xf32>,
        %swap3A_278 = vector.shape_cast %swap3A_277 : vector<16xf32> to vector<16xf32>
        %swap3A_279 = vector.shape_cast %mul3A_272 : vector<16xf32> to vector<16xf32>
        tpu.vector_store %swap3A_275[%swap3A_276], %swap3A_279 {strides = array<i32>} : memref<128xf32, #tpu.memory_space<vmem>>, vector<16xf32>,
        %get3A_280 = arith.constant 0 : i32
        %get3A_281 = tpu.memref_slice %arg6[%add3A_233, %get3A_280] : memref<200x128xf32, #tpu.memory_space<vmem>> -> memref<1x128xf32, #tpu.memory_space<vmem>>
        %get3A_282 = tpu.memref_squeeze %get3A_281 : memref<1x128xf32, #tpu.memory_space<vmem>> -> memref<128xf32, #tpu.memory_space<vmem>>
        %get3A_283 = arith.constant 48 : index
        %get3A_284 = tpu.vector_load %get3A_282[%get3A_283] {strides = array<i32>} : memref<128xf32, #tpu.memory_space<vmem>>, vector<16xf32>,
        %get3A_285 = vector.shape_cast %get3A_284 : vector<16xf32> to vector<16xf32>
        %mul3A_286 = arith.constant 11.3137083 : f32
        %mul3A_287 = vector.broadcast %mul3A_286 : f32 to vector<16xf32>
        %mul3A_288 = arith.mulf %get3A_285, %mul3A_287 : vector<16xf32>
        %swap3A_289 = arith.constant 0 : i32
        %swap3A_290 = tpu.memref_slice %arg6[%add3A_233, %swap3A_289] : memref<200x128xf32, #tpu.memory_space<vmem>> -> memref<1x128xf32, #tpu.memory_space<vmem>>
        %swap3A_291 = tpu.memref_squeeze %swap3A_290 : memref<1x128xf32, #tpu.memory_space<vmem>> -> memref<128xf32, #tpu.memory_space<vmem>>
        %swap3A_292 = arith.constant 48 : index
        %swap3A_293 = tpu.vector_load %swap3A_291[%swap3A_292] {strides = array<i32>} : memref<128xf32, #tpu.memory_space<vmem>>, vector<16xf32>,
        %swap3A_294 = vector.shape_cast %swap3A_293 : vector<16xf32> to vector<16xf32>
        %swap3A_295 = vector.shape_cast %mul3A_288 : vector<16xf32> to vector<16xf32>
        tpu.vector_store %swap3A_291[%swap3A_292], %swap3A_295 {strides = array<i32>} : memref<128xf32, #tpu.memory_space<vmem>>, vector<16xf32>,
        %get3A_296 = arith.constant 0 : i32
        %get3A_297 = tpu.memref_slice %arg6[%add3A_233, %get3A_296] : memref<200x128xf32, #tpu.memory_space<vmem>> -> memref<1x128xf32, #tpu.memory_space<vmem>>
        %get3A_298 = tpu.memref_squeeze %get3A_297 : memref<1x128xf32, #tpu.memory_space<vmem>> -> memref<128xf32, #tpu.memory_space<vmem>>
        %get3A_299 = arith.constant 64 : index
        %get3A_300 = tpu.vector_load %get3A_298[%get3A_299] {strides = array<i32>} : memref<128xf32, #tpu.memory_space<vmem>>, vector<16xf32>,
        %get3A_301 = vector.shape_cast %get3A_300 : vector<16xf32> to vector<16xf32>
        %mul3A_302 = arith.constant 11.3137083 : f32
        %mul3A_303 = vector.broadcast %mul3A_302 : f32 to vector<16xf32>
        %mul3A_304 = arith.mulf %get3A_301, %mul3A_303 : vector<16xf32>
        %swap3A_305 = arith.constant 0 : i32
        %swap3A_306 = tpu.memref_slice %arg6[%add3A_233, %swap3A_305] : memref<200x128xf32, #tpu.memory_space<vmem>> -> memref<1x128xf32, #tpu.memory_space<vmem>>
        %swap3A_307 = tpu.memref_squeeze %swap3A_306 : memref<1x128xf32, #tpu.memory_space<vmem>> -> memref<128xf32, #tpu.memory_space<vmem>>
        %swap3A_308 = arith.constant 64 : index
        %swap3A_309 = tpu.vector_load %swap3A_307[%swap3A_308] {strides = array<i32>} : memref<128xf32, #tpu.memory_space<vmem>>, vector<16xf32>,
        %swap3A_310 = vector.shape_cast %swap3A_309 : vector<16xf32> to vector<16xf32>
        %swap3A_311 = vector.shape_cast %mul3A_304 : vector<16xf32> to vector<16xf32>
        tpu.vector_store %swap3A_307[%swap3A_308], %swap3A_311 {strides = array<i32>} : memref<128xf32, #tpu.memory_space<vmem>>, vector<16xf32>,
        %get3A_312 = arith.constant 0 : i32
        %get3A_313 = tpu.memref_slice %arg6[%add3A_233, %get3A_312] : memref<200x128xf32, #tpu.memory_space<vmem>> -> memref<1x128xf32, #tpu.memory_space<vmem>>
        %get3A_314 = tpu.memref_squeeze %get3A_313 : memref<1x128xf32, #tpu.memory_space<vmem>> -> memref<128xf32, #tpu.memory_space<vmem>>
        %get3A_315 = arith.constant 80 : index
        %get3A_316 = tpu.vector_load %get3A_314[%get3A_315] {strides = array<i32>} : memref<128xf32, #tpu.memory_space<vmem>>, vector<16xf32>,
        %get3A_317 = vector.shape_cast %get3A_316 : vector<16xf32> to vector<16xf32>
        %mul3A_318 = arith.constant 11.3137083 : f32
        %mul3A_319 = vector.broadcast %mul3A_318 : f32 to vector<16xf32>
        %mul3A_320 = arith.mulf %get3A_317, %mul3A_319 : vector<16xf32>
        %swap3A_321 = arith.constant 0 : i32
        %swap3A_322 = tpu.memref_slice %arg6[%add3A_233, %swap3A_321] : memref<200x128xf32, #tpu.memory_space<vmem>> -> memref<1x128xf32, #tpu.memory_space<vmem>>
        %swap3A_323 = tpu.memref_squeeze %swap3A_322 : memref<1x128xf32, #tpu.memory_space<vmem>> -> memref<128xf32, #tpu.memory_space<vmem>>
        %swap3A_324 = arith.constant 80 : index
        %swap3A_325 = tpu.vector_load %swap3A_323[%swap3A_324] {strides = array<i32>} : memref<128xf32, #tpu.memory_space<vmem>>, vector<16xf32>,
        %swap3A_326 = vector.shape_cast %swap3A_325 : vector<16xf32> to vector<16xf32>
        %swap3A_327 = vector.shape_cast %mul3A_320 : vector<16xf32> to vector<16xf32>
        tpu.vector_store %swap3A_323[%swap3A_324], %swap3A_327 {strides = array<i32>} : memref<128xf32, #tpu.memory_space<vmem>>, vector<16xf32>,
        %get3A_328 = arith.constant 0 : i32
        %get3A_329 = tpu.memref_slice %arg6[%add3A_233, %get3A_328] : memref<200x128xf32, #tpu.memory_space<vmem>> -> memref<1x128xf32, #tpu.memory_space<vmem>>
        %get3A_330 = tpu.memref_squeeze %get3A_329 : memref<1x128xf32, #tpu.memory_space<vmem>> -> memref<128xf32, #tpu.memory_space<vmem>>
        %get3A_331 = arith.constant 96 : index
        %get3A_332 = tpu.vector_load %get3A_330[%get3A_331] {strides = array<i32>} : memref<128xf32, #tpu.memory_space<vmem>>, vector<16xf32>,
        %get3A_333 = vector.shape_cast %get3A_332 : vector<16xf32> to vector<16xf32>
        %mul3A_334 = arith.constant 11.3137083 : f32
        %mul3A_335 = vector.broadcast %mul3A_334 : f32 to vector<16xf32>
        %mul3A_336 = arith.mulf %get3A_333, %mul3A_335 : vector<16xf32>
        %swap3A_337 = arith.constant 0 : i32
        %swap3A_338 = tpu.memref_slice %arg6[%add3A_233, %swap3A_337] : memref<200x128xf32, #tpu.memory_space<vmem>> -> memref<1x128xf32, #tpu.memory_space<vmem>>
        %swap3A_339 = tpu.memref_squeeze %swap3A_338 : memref<1x128xf32, #tpu.memory_space<vmem>> -> memref<128xf32, #tpu.memory_space<vmem>>
        %swap3A_340 = arith.constant 96 : index
        %swap3A_341 = tpu.vector_load %swap3A_339[%swap3A_340] {strides = array<i32>} : memref<128xf32, #tpu.memory_space<vmem>>, vector<16xf32>,
        %swap3A_342 = vector.shape_cast %swap3A_341 : vector<16xf32> to vector<16xf32>
        %swap3A_343 = vector.shape_cast %mul3A_336 : vector<16xf32> to vector<16xf32>
        tpu.vector_store %swap3A_339[%swap3A_340], %swap3A_343 {strides = array<i32>} : memref<128xf32, #tpu.memory_space<vmem>>, vector<16xf32>,
        %get3A_344 = arith.constant 0 : i32
        %get3A_345 = tpu.memref_slice %arg6[%add3A_233, %get3A_344] : memref<200x128xf32, #tpu.memory_space<vmem>> -> memref<1x128xf32, #tpu.memory_space<vmem>>
        %get3A_346 = tpu.memref_squeeze %get3A_345 : memref<1x128xf32, #tpu.memory_space<vmem>> -> memref<128xf32, #tpu.memory_space<vmem>>
        %get3A_347 = arith.constant 112 : index
        %get3A_348 = tpu.vector_load %get3A_346[%get3A_347] {strides = array<i32>} : memref<128xf32, #tpu.memory_space<vmem>>, vector<16xf32>,
        %get3A_349 = vector.shape_cast %get3A_348 : vector<16xf32> to vector<16xf32>
        %mul3A_350 = arith.constant 11.3137083 : f32
        %mul3A_351 = vector.broadcast %mul3A_350 : f32 to vector<16xf32>
        %mul3A_352 = arith.mulf %get3A_349, %mul3A_351 : vector<16xf32>
        %swap3A_353 = arith.constant 0 : i32
        %swap3A_354 = tpu.memref_slice %arg6[%add3A_233, %swap3A_353] : memref<200x128xf32, #tpu.memory_space<vmem>> -> memref<1x128xf32, #tpu.memory_space<vmem>>
        %swap3A_355 = tpu.memref_squeeze %swap3A_354 : memref<1x128xf32, #tpu.memory_space<vmem>> -> memref<128xf32, #tpu.memory_space<vmem>>
        %swap3A_356 = arith.constant 112 : index
        %swap3A_357 = tpu.vector_load %swap3A_355[%swap3A_356] {strides = array<i32>} : memref<128xf32, #tpu.memory_space<vmem>>, vector<16xf32>,
        %swap3A_358 = vector.shape_cast %swap3A_357 : vector<16xf32> to vector<16xf32>
        %swap3A_359 = vector.shape_cast %mul3A_352 : vector<16xf32> to vector<16xf32>
        tpu.vector_store %swap3A_355[%swap3A_356], %swap3A_359 {strides = array<i32>} : memref<128xf32, #tpu.memory_space<vmem>>, vector<16xf32>,
        %add3A_360 = arith.constant 1 : i32
        %add3A_361 = arith.addi %add3A_231, %add3A_360 : i32
        %get3A_362 = arith.constant 0 : i32
        %get3A_363 = tpu.memref_slice %arg6[%add3A_361, %get3A_362] : memref<200x128xf32, #tpu.memory_space<vmem>> -> memref<1x128xf32, #tpu.memory_space<vmem>>
        %get3A_364 = tpu.memref_squeeze %get3A_363 : memref<1x128xf32, #tpu.memory_space<vmem>> -> memref<128xf32, #tpu.memory_space<vmem>>
        %get3A_365 = arith.constant 0 : index
        %get3A_366 = tpu.vector_load %get3A_364[%get3A_365] {strides = array<i32>} : memref<128xf32, #tpu.memory_space<vmem>>, vector<16xf32>,
        %get3A_367 = vector.shape_cast %get3A_366 : vector<16xf32> to vector<16xf32>
        %mul3A_368 = arith.constant 11.3137083 : f32
        %mul3A_369 = vector.broadcast %mul3A_368 : f32 to vector<16xf32>
        %mul3A_370 = arith.mulf %get3A_367, %mul3A_369 : vector<16xf32>
        %swap3A_371 = arith.constant 0 : i32
        %swap3A_372 = tpu.memref_slice %arg6[%add3A_361, %swap3A_371] : memref<200x128xf32, #tpu.memory_space<vmem>> -> memref<1x128xf32, #tpu.memory_space<vmem>>
        %swap3A_373 = tpu.memref_squeeze %swap3A_372 : memref<1x128xf32, #tpu.memory_space<vmem>> -> memref<128xf32, #tpu.memory_space<vmem>>
        %swap3A_374 = arith.constant 0 : index
        %swap3A_375 = tpu.vector_load %swap3A_373[%swap3A_374] {strides = array<i32>} : memref<128xf32, #tpu.memory_space<vmem>>, vector<16xf32>,
        %swap3A_376 = vector.shape_cast %swap3A_375 : vector<16xf32> to vector<16xf32>
        %swap3A_377 = vector.shape_cast %mul3A_370 : vector<16xf32> to vector<16xf32>
        tpu.vector_store %swap3A_373[%swap3A_374], %swap3A_377 {strides = array<i32>} : memref<128xf32, #tpu.memory_space<vmem>>, vector<16xf32>,
        %get3A_378 = arith.constant 0 : i32
        %get3A_379 = tpu.memref_slice %arg6[%add3A_361, %get3A_378] : memref<200x128xf32, #tpu.memory_space<vmem>> -> memref<1x128xf32, #tpu.memory_space<vmem>>
        %get3A_380 = tpu.memref_squeeze %get3A_379 : memref<1x128xf32, #tpu.memory_space<vmem>> -> memref<128xf32, #tpu.memory_space<vmem>>
        %get3A_381 = arith.constant 16 : index
        %get3A_382 = tpu.vector_load %get3A_380[%get3A_381] {strides = array<i32>} : memref<128xf32, #tpu.memory_space<vmem>>, vector<16xf32>,
        %get3A_383 = vector.shape_cast %get3A_382 : vector<16xf32> to vector<16xf32>
        %mul3A_384 = arith.constant 11.3137083 : f32
        %mul3A_385 = vector.broadcast %mul3A_384 : f32 to vector<16xf32>
        %mul3A_386 = arith.mulf %get3A_383, %mul3A_385 : vector<16xf32>
        %swap3A_387 = arith.constant 0 : i32
        %swap3A_388 = tpu.memref_slice %arg6[%add3A_361, %swap3A_387] : memref<200x128xf32, #tpu.memory_space<vmem>> -> memref<1x128xf32, #tpu.memory_space<vmem>>
        %swap3A_389 = tpu.memref_squeeze %swap3A_388 : memref<1x128xf32, #tpu.memory_space<vmem>> -> memref<128xf32, #tpu.memory_space<vmem>>
        %swap3A_390 = arith.constant 16 : index
        %swap3A_391 = tpu.vector_load %swap3A_389[%swap3A_390] {strides = array<i32>} : memref<128xf32, #tpu.memory_space<vmem>>, vector<16xf32>,
        %swap3A_392 = vector.shape_cast %swap3A_391 : vector<16xf32> to vector<16xf32>
        %swap3A_393 = vector.shape_cast %mul3A_386 : vector<16xf32> to vector<16xf32>
        tpu.vector_store %swap3A_389[%swap3A_390], %swap3A_393 {strides = array<i32>} : memref<128xf32, #tpu.memory_space<vmem>>, vector<16xf32>,
        %get3A_394 = arith.constant 0 : i32
        %get3A_395 = tpu.memref_slice %arg6[%add3A_361, %get3A_394] : memref<200x128xf32, #tpu.memory_space<vmem>> -> memref<1x128xf32, #tpu.memory_space<vmem>>
        %get3A_396 = tpu.memref_squeeze %get3A_395 : memref<1x128xf32, #tpu.memory_space<vmem>> -> memref<128xf32, #tpu.memory_space<vmem>>
        %get3A_397 = arith.constant 32 : index
        %get3A_398 = tpu.vector_load %get3A_396[%get3A_397] {strides = array<i32>} : memref<128xf32, #tpu.memory_space<vmem>>, vector<16xf32>,
        %get3A_399 = vector.shape_cast %get3A_398 : vector<16xf32> to vector<16xf32>
        %mul3A_400 = arith.constant 11.3137083 : f32
        %mul3A_401 = vector.broadcast %mul3A_400 : f32 to vector<16xf32>
        %mul3A_402 = arith.mulf %get3A_399, %mul3A_401 : vector<16xf32>
        %swap3A_403 = arith.constant 0 : i32
        %swap3A_404 = tpu.memref_slice %arg6[%add3A_361, %swap3A_403] : memref<200x128xf32, #tpu.memory_space<vmem>> -> memref<1x128xf32, #tpu.memory_space<vmem>>
        %swap3A_405 = tpu.memref_squeeze %swap3A_404 : memref<1x128xf32, #tpu.memory_space<vmem>> -> memref<128xf32, #tpu.memory_space<vmem>>
        %swap3A_406 = arith.constant 32 : index
        %swap3A_407 = tpu.vector_load %swap3A_405[%swap3A_406] {strides = array<i32>} : memref<128xf32, #tpu.memory_space<vmem>>, vector<16xf32>,
        %swap3A_408 = vector.shape_cast %swap3A_407 : vector<16xf32> to vector<16xf32>
        %swap3A_409 = vector.shape_cast %mul3A_402 : vector<16xf32> to vector<16xf32>
        tpu.vector_store %swap3A_405[%swap3A_406], %swap3A_409 {strides = array<i32>} : memref<128xf32, #tpu.memory_space<vmem>>, vector<16xf32>,
        %get3A_410 = arith.constant 0 : i32
        %get3A_411 = tpu.memref_slice %arg6[%add3A_361, %get3A_410] : memref<200x128xf32, #tpu.memory_space<vmem>> -> memref<1x128xf32, #tpu.memory_space<vmem>>
        %get3A_412 = tpu.memref_squeeze %get3A_411 : memref<1x128xf32, #tpu.memory_space<vmem>> -> memref<128xf32, #tpu.memory_space<vmem>>
        %get3A_413 = arith.constant 48 : index
        %get3A_414 = tpu.vector_load %get3A_412[%get3A_413] {strides = array<i32>} : memref<128xf32, #tpu.memory_space<vmem>>, vector<16xf32>,
        %get3A_415 = vector.shape_cast %get3A_414 : vector<16xf32> to vector<16xf32>
        %mul3A_416 = arith.constant 11.3137083 : f32
        %mul3A_417 = vector.broadcast %mul3A_416 : f32 to vector<16xf32>
        %mul3A_418 = arith.mulf %get3A_415, %mul3A_417 : vector<16xf32>
        %swap3A_419 = arith.constant 0 : i32
        %swap3A_420 = tpu.memref_slice %arg6[%add3A_361, %swap3A_419] : memref<200x128xf32, #tpu.memory_space<vmem>> -> memref<1x128xf32, #tpu.memory_space<vmem>>
        %swap3A_421 = tpu.memref_squeeze %swap3A_420 : memref<1x128xf32, #tpu.memory_space<vmem>> -> memref<128xf32, #tpu.memory_space<vmem>>
        %swap3A_422 = arith.constant 48 : index
        %swap3A_423 = tpu.vector_load %swap3A_421[%swap3A_422] {strides = array<i32>} : memref<128xf32, #tpu.memory_space<vmem>>, vector<16xf32>,
        %swap3A_424 = vector.shape_cast %swap3A_423 : vector<16xf32> to vector<16xf32>
        %swap3A_425 = vector.shape_cast %mul3A_418 : vector<16xf32> to vector<16xf32>
        tpu.vector_store %swap3A_421[%swap3A_422], %swap3A_425 {strides = array<i32>} : memref<128xf32, #tpu.memory_space<vmem>>, vector<16xf32>,
        %get3A_426 = arith.constant 0 : i32
        %get3A_427 = tpu.memref_slice %arg6[%add3A_361, %get3A_426] : memref<200x128xf32, #tpu.memory_space<vmem>> -> memref<1x128xf32, #tpu.memory_space<vmem>>
        %get3A_428 = tpu.memref_squeeze %get3A_427 : memref<1x128xf32, #tpu.memory_space<vmem>> -> memref<128xf32, #tpu.memory_space<vmem>>
        %get3A_429 = arith.constant 64 : index
        %get3A_430 = tpu.vector_load %get3A_428[%get3A_429] {strides = array<i32>} : memref<128xf32, #tpu.memory_space<vmem>>, vector<16xf32>,
        %get3A_431 = vector.shape_cast %get3A_430 : vector<16xf32> to vector<16xf32>
        %mul3A_432 = arith.constant 11.3137083 : f32
        %mul3A_433 = vector.broadcast %mul3A_432 : f32 to vector<16xf32>
        %mul3A_434 = arith.mulf %get3A_431, %mul3A_433 : vector<16xf32>
        %swap3A_435 = arith.constant 0 : i32
        %swap3A_436 = tpu.memref_slice %arg6[%add3A_361, %swap3A_435] : memref<200x128xf32, #tpu.memory_space<vmem>> -> memref<1x128xf32, #tpu.memory_space<vmem>>
        %swap3A_437 = tpu.memref_squeeze %swap3A_436 : memref<1x128xf32, #tpu.memory_space<vmem>> -> memref<128xf32, #tpu.memory_space<vmem>>
        %swap3A_438 = arith.constant 64 : index
        %swap3A_439 = tpu.vector_load %swap3A_437[%swap3A_438] {strides = array<i32>} : memref<128xf32, #tpu.memory_space<vmem>>, vector<16xf32>,
        %swap3A_440 = vector.shape_cast %swap3A_439 : vector<16xf32> to vector<16xf32>
        %swap3A_441 = vector.shape_cast %mul3A_434 : vector<16xf32> to vector<16xf32>
        tpu.vector_store %swap3A_437[%swap3A_438], %swap3A_441 {strides = array<i32>} : memref<128xf32, #tpu.memory_space<vmem>>, vector<16xf32>,
        %get3A_442 = arith.constant 0 : i32
        %get3A_443 = tpu.memref_slice %arg6[%add3A_361, %get3A_442] : memref<200x128xf32, #tpu.memory_space<vmem>> -> memref<1x128xf32, #tpu.memory_space<vmem>>
        %get3A_444 = tpu.memref_squeeze %get3A_443 : memref<1x128xf32, #tpu.memory_space<vmem>> -> memref<128xf32, #tpu.memory_space<vmem>>
        %get3A_445 = arith.constant 80 : index
        %get3A_446 = tpu.vector_load %get3A_444[%get3A_445] {strides = array<i32>} : memref<128xf32, #tpu.memory_space<vmem>>, vector<16xf32>,
        %get3A_447 = vector.shape_cast %get3A_446 : vector<16xf32> to vector<16xf32>
        %mul3A_448 = arith.constant 11.3137083 : f32
        %mul3A_449 = vector.broadcast %mul3A_448 : f32 to vector<16xf32>
        %mul3A_450 = arith.mulf %get3A_447, %mul3A_449 : vector<16xf32>
        %swap3A_451 = arith.constant 0 : i32
        %swap3A_452 = tpu.memref_slice %arg6[%add3A_361, %swap3A_451] : memref<200x128xf32, #tpu.memory_space<vmem>> -> memref<1x128xf32, #tpu.memory_space<vmem>>
        %swap3A_453 = tpu.memref_squeeze %swap3A_452 : memref<1x128xf32, #tpu.memory_space<vmem>> -> memref<128xf32, #tpu.memory_space<vmem>>
        %swap3A_454 = arith.constant 80 : index
        %swap3A_455 = tpu.vector_load %swap3A_453[%swap3A_454] {strides = array<i32>} : memref<128xf32, #tpu.memory_space<vmem>>, vector<16xf32>,
        %swap3A_456 = vector.shape_cast %swap3A_455 : vector<16xf32> to vector<16xf32>
        %swap3A_457 = vector.shape_cast %mul3A_450 : vector<16xf32> to vector<16xf32>
        tpu.vector_store %swap3A_453[%swap3A_454], %swap3A_457 {strides = array<i32>} : memref<128xf32, #tpu.memory_space<vmem>>, vector<16xf32>,
        %get3A_458 = arith.constant 0 : i32
        %get3A_459 = tpu.memref_slice %arg6[%add3A_361, %get3A_458] : memref<200x128xf32, #tpu.memory_space<vmem>> -> memref<1x128xf32, #tpu.memory_space<vmem>>
        %get3A_460 = tpu.memref_squeeze %get3A_459 : memref<1x128xf32, #tpu.memory_space<vmem>> -> memref<128xf32, #tpu.memory_space<vmem>>
        %get3A_461 = arith.constant 96 : index
        %get3A_462 = tpu.vector_load %get3A_460[%get3A_461] {strides = array<i32>} : memref<128xf32, #tpu.memory_space<vmem>>, vector<16xf32>,
        %get3A_463 = vector.shape_cast %get3A_462 : vector<16xf32> to vector<16xf32>
        %mul3A_464 = arith.constant 11.3137083 : f32
        %mul3A_465 = vector.broadcast %mul3A_464 : f32 to vector<16xf32>
        %mul3A_466 = arith.mulf %get3A_463, %mul3A_465 : vector<16xf32>
        %swap3A_467 = arith.constant 0 : i32
        %swap3A_468 = tpu.memref_slice %arg6[%add3A_361, %swap3A_467] : memref<200x128xf32, #tpu.memory_space<vmem>> -> memref<1x128xf32, #tpu.memory_space<vmem>>
        %swap3A_469 = tpu.memref_squeeze %swap3A_468 : memref<1x128xf32, #tpu.memory_space<vmem>> -> memref<128xf32, #tpu.memory_space<vmem>>
        %swap3A_470 = arith.constant 96 : index
        %swap3A_471 = tpu.vector_load %swap3A_469[%swap3A_470] {strides = array<i32>} : memref<128xf32, #tpu.memory_space<vmem>>, vector<16xf32>,
        %swap3A_472 = vector.shape_cast %swap3A_471 : vector<16xf32> to vector<16xf32>
        %swap3A_473 = vector.shape_cast %mul3A_466 : vector<16xf32> to vector<16xf32>
        tpu.vector_store %swap3A_469[%swap3A_470], %swap3A_473 {strides = array<i32>} : memref<128xf32, #tpu.memory_space<vmem>>, vector<16xf32>,
        %get3A_474 = arith.constant 0 : i32
        %get3A_475 = tpu.memref_slice %arg6[%add3A_361, %get3A_474] : memref<200x128xf32, #tpu.memory_space<vmem>> -> memref<1x128xf32, #tpu.memory_space<vmem>>
        %get3A_476 = tpu.memref_squeeze %get3A_475 : memref<1x128xf32, #tpu.memory_space<vmem>> -> memref<128xf32, #tpu.memory_space<vmem>>
        %get3A_477 = arith.constant 112 : index
        %get3A_478 = tpu.vector_load %get3A_476[%get3A_477] {strides = array<i32>} : memref<128xf32, #tpu.memory_space<vmem>>, vector<16xf32>,
        %get3A_479 = vector.shape_cast %get3A_478 : vector<16xf32> to vector<16xf32>
        %mul3A_480 = arith.constant 11.3137083 : f32
        %mul3A_481 = vector.broadcast %mul3A_480 : f32 to vector<16xf32>
        %mul3A_482 = arith.mulf %get3A_479, %mul3A_481 : vector<16xf32>
        %swap3A_483 = arith.constant 0 : i32
        %swap3A_484 = tpu.memref_slice %arg6[%add3A_361, %swap3A_483] : memref<200x128xf32, #tpu.memory_space<vmem>> -> memref<1x128xf32, #tpu.memory_space<vmem>>
        %swap3A_485 = tpu.memref_squeeze %swap3A_484 : memref<1x128xf32, #tpu.memory_space<vmem>> -> memref<128xf32, #tpu.memory_space<vmem>>
        %swap3A_486 = arith.constant 112 : index
        %swap3A_487 = tpu.vector_load %swap3A_485[%swap3A_486] {strides = array<i32>} : memref<128xf32, #tpu.memory_space<vmem>>, vector<16xf32>,
        %swap3A_488 = vector.shape_cast %swap3A_487 : vector<16xf32> to vector<16xf32>
        %swap3A_489 = vector.shape_cast %mul3A_482 : vector<16xf32> to vector<16xf32>
        tpu.vector_store %swap3A_485[%swap3A_486], %swap3A_489 {strides = array<i32>} : memref<128xf32, #tpu.memory_space<vmem>>, vector<16xf32>,
        %add3A_490 = arith.constant 2 : i32
        %add3A_491 = arith.addi %add3A_231, %add3A_490 : i32
        %get3A_492 = arith.constant 0 : i32
        %get3A_493 = tpu.memref_slice %arg6[%add3A_491, %get3A_492] : memref<200x128xf32, #tpu.memory_space<vmem>> -> memref<1x128xf32, #tpu.memory_space<vmem>>
        %get3A_494 = tpu.memref_squeeze %get3A_493 : memref<1x128xf32, #tpu.memory_space<vmem>> -> memref<128xf32, #tpu.memory_space<vmem>>
        %get3A_495 = arith.constant 0 : index
        %get3A_496 = tpu.vector_load %get3A_494[%get3A_495] {strides = array<i32>} : memref<128xf32, #tpu.memory_space<vmem>>, vector<16xf32>,
        %get3A_497 = vector.shape_cast %get3A_496 : vector<16xf32> to vector<16xf32>
        %mul3A_498 = arith.constant 11.3137083 : f32
        %mul3A_499 = vector.broadcast %mul3A_498 : f32 to vector<16xf32>
        %mul3A_500 = arith.mulf %get3A_497, %mul3A_499 : vector<16xf32>
        %swap3A_501 = arith.constant 0 : i32
        %swap3A_502 = tpu.memref_slice %arg6[%add3A_491, %swap3A_501] : memref<200x128xf32, #tpu.memory_space<vmem>> -> memref<1x128xf32, #tpu.memory_space<vmem>>
        %swap3A_503 = tpu.memref_squeeze %swap3A_502 : memref<1x128xf32, #tpu.memory_space<vmem>> -> memref<128xf32, #tpu.memory_space<vmem>>
        %swap3A_504 = arith.constant 0 : index
        %swap3A_505 = tpu.vector_load %swap3A_503[%swap3A_504] {strides = array<i32>} : memref<128xf32, #tpu.memory_space<vmem>>, vector<16xf32>,
        %swap3A_506 = vector.shape_cast %swap3A_505 : vector<16xf32> to vector<16xf32>
        %swap3A_507 = vector.shape_cast %mul3A_500 : vector<16xf32> to vector<16xf32>
        tpu.vector_store %swap3A_503[%swap3A_504], %swap3A_507 {strides = array<i32>} : memref<128xf32, #tpu.memory_space<vmem>>, vector<16xf32>,
        %get3A_508 = arith.constant 0 : i32
        %get3A_509 = tpu.memref_slice %arg6[%add3A_491, %get3A_508] : memref<200x128xf32, #tpu.memory_space<vmem>> -> memref<1x128xf32, #tpu.memory_space<vmem>>
        %get3A_510 = tpu.memref_squeeze %get3A_509 : memref<1x128xf32, #tpu.memory_space<vmem>> -> memref<128xf32, #tpu.memory_space<vmem>>
        %get3A_511 = arith.constant 16 : index
        %get3A_512 = tpu.vector_load %get3A_510[%get3A_511] {strides = array<i32>} : memref<128xf32, #tpu.memory_space<vmem>>, vector<16xf32>,
        %get3A_513 = vector.shape_cast %get3A_512 : vector<16xf32> to vector<16xf32>
        %mul3A_514 = arith.constant 11.3137083 : f32
        %mul3A_515 = vector.broadcast %mul3A_514 : f32 to vector<16xf32>
        %mul3A_516 = arith.mulf %get3A_513, %mul3A_515 : vector<16xf32>
        %swap3A_517 = arith.constant 0 : i32
        %swap3A_518 = tpu.memref_slice %arg6[%add3A_491, %swap3A_517] : memref<200x128xf32, #tpu.memory_space<vmem>> -> memref<1x128xf32, #tpu.memory_space<vmem>>
        %swap3A_519 = tpu.memref_squeeze %swap3A_518 : memref<1x128xf32, #tpu.memory_space<vmem>> -> memref<128xf32, #tpu.memory_space<vmem>>
        %swap3A_520 = arith.constant 16 : index
        %swap3A_521 = tpu.vector_load %swap3A_519[%swap3A_520] {strides = array<i32>} : memref<128xf32, #tpu.memory_space<vmem>>, vector<16xf32>,
        %swap3A_522 = vector.shape_cast %swap3A_521 : vector<16xf32> to vector<16xf32>
        %swap3A_523 = vector.shape_cast %mul3A_516 : vector<16xf32> to vector<16xf32>
        tpu.vector_store %swap3A_519[%swap3A_520], %swap3A_523 {strides = array<i32>} : memref<128xf32, #tpu.memory_space<vmem>>, vector<16xf32>,
        %get3A_524 = arith.constant 0 : i32
        %get3A_525 = tpu.memref_slice %arg6[%add3A_491, %get3A_524] : memref<200x128xf32, #tpu.memory_space<vmem>> -> memref<1x128xf32, #tpu.memory_space<vmem>>
        %get3A_526 = tpu.memref_squeeze %get3A_525 : memref<1x128xf32, #tpu.memory_space<vmem>> -> memref<128xf32, #tpu.memory_space<vmem>>
        %get3A_527 = arith.constant 32 : index
        %get3A_528 = tpu.vector_load %get3A_526[%get3A_527] {strides = array<i32>} : memref<128xf32, #tpu.memory_space<vmem>>, vector<16xf32>,
        %get3A_529 = vector.shape_cast %get3A_528 : vector<16xf32> to vector<16xf32>
        %mul3A_530 = arith.constant 11.3137083 : f32
        %mul3A_531 = vector.broadcast %mul3A_530 : f32 to vector<16xf32>
        %mul3A_532 = arith.mulf %get3A_529, %mul3A_531 : vector<16xf32>
        %swap3A_533 = arith.constant 0 : i32
        %swap3A_534 = tpu.memref_slice %arg6[%add3A_491, %swap3A_533] : memref<200x128xf32, #tpu.memory_space<vmem>> -> memref<1x128xf32, #tpu.memory_space<vmem>>
        %swap3A_535 = tpu.memref_squeeze %swap3A_534 : memref<1x128xf32, #tpu.memory_space<vmem>> -> memref<128xf32, #tpu.memory_space<vmem>>
        %swap3A_536 = arith.constant 32 : index
        %swap3A_537 = tpu.vector_load %swap3A_535[%swap3A_536] {strides = array<i32>} : memref<128xf32, #tpu.memory_space<vmem>>, vector<16xf32>,
        %swap3A_538 = vector.shape_cast %swap3A_537 : vector<16xf32> to vector<16xf32>
        %swap3A_539 = vector.shape_cast %mul3A_532 : vector<16xf32> to vector<16xf32>
        tpu.vector_store %swap3A_535[%swap3A_536], %swap3A_539 {strides = array<i32>} : memref<128xf32, #tpu.memory_space<vmem>>, vector<16xf32>,
        %get3A_540 = arith.constant 0 : i32
        %get3A_541 = tpu.memref_slice %arg6[%add3A_491, %get3A_540] : memref<200x128xf32, #tpu.memory_space<vmem>> -> memref<1x128xf32, #tpu.memory_space<vmem>>
        %get3A_542 = tpu.memref_squeeze %get3A_541 : memref<1x128xf32, #tpu.memory_space<vmem>> -> memref<128xf32, #tpu.memory_space<vmem>>
        %get3A_543 = arith.constant 48 : index
        %get3A_544 = tpu.vector_load %get3A_542[%get3A_543] {strides = array<i32>} : memref<128xf32, #tpu.memory_space<vmem>>, vector<16xf32>,
        %get3A_545 = vector.shape_cast %get3A_544 : vector<16xf32> to vector<16xf32>
        %mul3A_546 = arith.constant 11.3137083 : f32
        %mul3A_547 = vector.broadcast %mul3A_546 : f32 to vector<16xf32>
        %mul3A_548 = arith.mulf %get3A_545, %mul3A_547 : vector<16xf32>
        %swap3A_549 = arith.constant 0 : i32
        %swap3A_550 = tpu.memref_slice %arg6[%add3A_491, %swap3A_549] : memref<200x128xf32, #tpu.memory_space<vmem>> -> memref<1x128xf32, #tpu.memory_space<vmem>>
        %swap3A_551 = tpu.memref_squeeze %swap3A_550 : memref<1x128xf32, #tpu.memory_space<vmem>> -> memref<128xf32, #tpu.memory_space<vmem>>
        %swap3A_552 = arith.constant 48 : index
        %swap3A_553 = tpu.vector_load %swap3A_551[%swap3A_552] {strides = array<i32>} : memref<128xf32, #tpu.memory_space<vmem>>, vector<16xf32>,
        %swap3A_554 = vector.shape_cast %swap3A_553 : vector<16xf32> to vector<16xf32>
        %swap3A_555 = vector.shape_cast %mul3A_548 : vector<16xf32> to vector<16xf32>
        tpu.vector_store %swap3A_551[%swap3A_552], %swap3A_555 {strides = array<i32>} : memref<128xf32, #tpu.memory_space<vmem>>, vector<16xf32>,
        %get3A_556 = arith.constant 0 : i32
        %get3A_557 = tpu.memref_slice %arg6[%add3A_491, %get3A_556] : memref<200x128xf32, #tpu.memory_space<vmem>> -> memref<1x128xf32, #tpu.memory_space<vmem>>
        %get3A_558 = tpu.memref_squeeze %get3A_557 : memref<1x128xf32, #tpu.memory_space<vmem>> -> memref<128xf32, #tpu.memory_space<vmem>>
        %get3A_559 = arith.constant 64 : index
        %get3A_560 = tpu.vector_load %get3A_558[%get3A_559] {strides = array<i32>} : memref<128xf32, #tpu.memory_space<vmem>>, vector<16xf32>,
        %get3A_561 = vector.shape_cast %get3A_560 : vector<16xf32> to vector<16xf32>
        %mul3A_562 = arith.constant 11.3137083 : f32
        %mul3A_563 = vector.broadcast %mul3A_562 : f32 to vector<16xf32>
        %mul3A_564 = arith.mulf %get3A_561, %mul3A_563 : vector<16xf32>
        %swap3A_565 = arith.constant 0 : i32
        %swap3A_566 = tpu.memref_slice %arg6[%add3A_491, %swap3A_565] : memref<200x128xf32, #tpu.memory_space<vmem>> -> memref<1x128xf32, #tpu.memory_space<vmem>>
        %swap3A_567 = tpu.memref_squeeze %swap3A_566 : memref<1x128xf32, #tpu.memory_space<vmem>> -> memref<128xf32, #tpu.memory_space<vmem>>
        %swap3A_568 = arith.constant 64 : index
        %swap3A_569 = tpu.vector_load %swap3A_567[%swap3A_568] {strides = array<i32>} : memref<128xf32, #tpu.memory_space<vmem>>, vector<16xf32>,
        %swap3A_570 = vector.shape_cast %swap3A_569 : vector<16xf32> to vector<16xf32>
        %swap3A_571 = vector.shape_cast %mul3A_564 : vector<16xf32> to vector<16xf32>
        tpu.vector_store %swap3A_567[%swap3A_568], %swap3A_571 {strides = array<i32>} : memref<128xf32, #tpu.memory_space<vmem>>, vector<16xf32>,
        %get3A_572 = arith.constant 0 : i32
        %get3A_573 = tpu.memref_slice %arg6[%add3A_491, %get3A_572] : memref<200x128xf32, #tpu.memory_space<vmem>> -> memref<1x128xf32, #tpu.memory_space<vmem>>
        %get3A_574 = tpu.memref_squeeze %get3A_573 : memref<1x128xf32, #tpu.memory_space<vmem>> -> memref<128xf32, #tpu.memory_space<vmem>>
        %get3A_575 = arith.constant 80 : index
        %get3A_576 = tpu.vector_load %get3A_574[%get3A_575] {strides = array<i32>} : memref<128xf32, #tpu.memory_space<vmem>>, vector<16xf32>,
        %get3A_577 = vector.shape_cast %get3A_576 : vector<16xf32> to vector<16xf32>
        %mul3A_578 = arith.constant 11.3137083 : f32
        %mul3A_579 = vector.broadcast %mul3A_578 : f32 to vector<16xf32>
        %mul3A_580 = arith.mulf %get3A_577, %mul3A_579 : vector<16xf32>
        %swap3A_581 = arith.constant 0 : i32
        %swap3A_582 = tpu.memref_slice %arg6[%add3A_491, %swap3A_581] : memref<200x128xf32, #tpu.memory_space<vmem>> -> memref<1x128xf32, #tpu.memory_space<vmem>>
        %swap3A_583 = tpu.memref_squeeze %swap3A_582 : memref<1x128xf32, #tpu.memory_space<vmem>> -> memref<128xf32, #tpu.memory_space<vmem>>
        %swap3A_584 = arith.constant 80 : index
        %swap3A_585 = tpu.vector_load %swap3A_583[%swap3A_584] {strides = array<i32>} : memref<128xf32, #tpu.memory_space<vmem>>, vector<16xf32>,
        %swap3A_586 = vector.shape_cast %swap3A_585 : vector<16xf32> to vector<16xf32>
        %swap3A_587 = vector.shape_cast %mul3A_580 : vector<16xf32> to vector<16xf32>
        tpu.vector_store %swap3A_583[%swap3A_584], %swap3A_587 {strides = array<i32>} : memref<128xf32, #tpu.memory_space<vmem>>, vector<16xf32>,
        %get3A_588 = arith.constant 0 : i32
        %get3A_589 = tpu.memref_slice %arg6[%add3A_491, %get3A_588] : memref<200x128xf32, #tpu.memory_space<vmem>> -> memref<1x128xf32, #tpu.memory_space<vmem>>
        %get3A_590 = tpu.memref_squeeze %get3A_589 : memref<1x128xf32, #tpu.memory_space<vmem>> -> memref<128xf32, #tpu.memory_space<vmem>>
        %get3A_591 = arith.constant 96 : index
        %get3A_592 = tpu.vector_load %get3A_590[%get3A_591] {strides = array<i32>} : memref<128xf32, #tpu.memory_space<vmem>>, vector<16xf32>,
        %get3A_593 = vector.shape_cast %get3A_592 : vector<16xf32> to vector<16xf32>
        %mul3A_594 = arith.constant 11.3137083 : f32
        %mul3A_595 = vector.broadcast %mul3A_594 : f32 to vector<16xf32>
        %mul3A_596 = arith.mulf %get3A_593, %mul3A_595 : vector<16xf32>
        %swap3A_597 = arith.constant 0 : i32
        %swap3A_598 = tpu.memref_slice %arg6[%add3A_491, %swap3A_597] : memref<200x128xf32, #tpu.memory_space<vmem>> -> memref<1x128xf32, #tpu.memory_space<vmem>>
        %swap3A_599 = tpu.memref_squeeze %swap3A_598 : memref<1x128xf32, #tpu.memory_space<vmem>> -> memref<128xf32, #tpu.memory_space<vmem>>
        %swap3A_600 = arith.constant 96 : index
        %swap3A_601 = tpu.vector_load %swap3A_599[%swap3A_600] {strides = array<i32>} : memref<128xf32, #tpu.memory_space<vmem>>, vector<16xf32>,
        %swap3A_602 = vector.shape_cast %swap3A_601 : vector<16xf32> to vector<16xf32>
        %swap3A_603 = vector.shape_cast %mul3A_596 : vector<16xf32> to vector<16xf32>
        tpu.vector_store %swap3A_599[%swap3A_600], %swap3A_603 {strides = array<i32>} : memref<128xf32, #tpu.memory_space<vmem>>, vector<16xf32>,
        %get3A_604 = arith.constant 0 : i32
        %get3A_605 = tpu.memref_slice %arg6[%add3A_491, %get3A_604] : memref<200x128xf32, #tpu.memory_space<vmem>> -> memref<1x128xf32, #tpu.memory_space<vmem>>
        %get3A_606 = tpu.memref_squeeze %get3A_605 : memref<1x128xf32, #tpu.memory_space<vmem>> -> memref<128xf32, #tpu.memory_space<vmem>>
        %get3A_607 = arith.constant 112 : index
        %get3A_608 = tpu.vector_load %get3A_606[%get3A_607] {strides = array<i32>} : memref<128xf32, #tpu.memory_space<vmem>>, vector<16xf32>,
        %get3A_609 = vector.shape_cast %get3A_608 : vector<16xf32> to vector<16xf32>
        %mul3A_610 = arith.constant 11.3137083 : f32
        %mul3A_611 = vector.broadcast %mul3A_610 : f32 to vector<16xf32>
        %mul3A_612 = arith.mulf %get3A_609, %mul3A_611 : vector<16xf32>
        %swap3A_613 = arith.constant 0 : i32
        %swap3A_614 = tpu.memref_slice %arg6[%add3A_491, %swap3A_613] : memref<200x128xf32, #tpu.memory_space<vmem>> -> memref<1x128xf32, #tpu.memory_space<vmem>>
        %swap3A_615 = tpu.memref_squeeze %swap3A_614 : memref<1x128xf32, #tpu.memory_space<vmem>> -> memref<128xf32, #tpu.memory_space<vmem>>
        %swap3A_616 = arith.constant 112 : index
        %swap3A_617 = tpu.vector_load %swap3A_615[%swap3A_616] {strides = array<i32>} : memref<128xf32, #tpu.memory_space<vmem>>, vector<16xf32>,
        %swap3A_618 = vector.shape_cast %swap3A_617 : vector<16xf32> to vector<16xf32>
        %swap3A_619 = vector.shape_cast %mul3A_612 : vector<16xf32> to vector<16xf32>
        tpu.vector_store %swap3A_615[%swap3A_616], %swap3A_619 {strides = array<i32>} : memref<128xf32, #tpu.memory_space<vmem>>, vector<16xf32>,
        %add3A_620 = arith.constant 3 : i32
        %add3A_621 = arith.addi %add3A_231, %add3A_620 : i32
        %get3A_622 = arith.constant 0 : i32
        %get3A_623 = tpu.memref_slice %arg6[%add3A_621, %get3A_622] : memref<200x128xf32, #tpu.memory_space<vmem>> -> memref<1x128xf32, #tpu.memory_space<vmem>>
        %get3A_624 = tpu.memref_squeeze %get3A_623 : memref<1x128xf32, #tpu.memory_space<vmem>> -> memref<128xf32, #tpu.memory_space<vmem>>
        %get3A_625 = arith.constant 0 : index
        %get3A_626 = tpu.vector_load %get3A_624[%get3A_625] {strides = array<i32>} : memref<128xf32, #tpu.memory_space<vmem>>, vector<16xf32>,
        %get3A_627 = vector.shape_cast %get3A_626 : vector<16xf32> to vector<16xf32>
        %mul3A_628 = arith.constant 11.3137083 : f32
        %mul3A_629 = vector.broadcast %mul3A_628 : f32 to vector<16xf32>
        %mul3A_630 = arith.mulf %get3A_627, %mul3A_629 : vector<16xf32>
        %swap3A_631 = arith.constant 0 : i32
        %swap3A_632 = tpu.memref_slice %arg6[%add3A_621, %swap3A_631] : memref<200x128xf32, #tpu.memory_space<vmem>> -> memref<1x128xf32, #tpu.memory_space<vmem>>
        %swap3A_633 = tpu.memref_squeeze %swap3A_632 : memref<1x128xf32, #tpu.memory_space<vmem>> -> memref<128xf32, #tpu.memory_space<vmem>>
        %swap3A_634 = arith.constant 0 : index
        %swap3A_635 = tpu.vector_load %swap3A_633[%swap3A_634] {strides = array<i32>} : memref<128xf32, #tpu.memory_space<vmem>>, vector<16xf32>,
        %swap3A_636 = vector.shape_cast %swap3A_635 : vector<16xf32> to vector<16xf32>
        %swap3A_637 = vector.shape_cast %mul3A_630 : vector<16xf32> to vector<16xf32>
        tpu.vector_store %swap3A_633[%swap3A_634], %swap3A_637 {strides = array<i32>} : memref<128xf32, #tpu.memory_space<vmem>>, vector<16xf32>,
        %get3A_638 = arith.constant 0 : i32
        %get3A_639 = tpu.memref_slice %arg6[%add3A_621, %get3A_638] : memref<200x128xf32, #tpu.memory_space<vmem>> -> memref<1x128xf32, #tpu.memory_space<vmem>>
        %get3A_640 = tpu.memref_squeeze %get3A_639 : memref<1x128xf32, #tpu.memory_space<vmem>> -> memref<128xf32, #tpu.memory_space<vmem>>
        %get3A_641 = arith.constant 16 : index
        %get3A_642 = tpu.vector_load %get3A_640[%get3A_641] {strides = array<i32>} : memref<128xf32, #tpu.memory_space<vmem>>, vector<16xf32>,
        %get3A_643 = vector.shape_cast %get3A_642 : vector<16xf32> to vector<16xf32>
        %mul3A_644 = arith.constant 11.3137083 : f32
        %mul3A_645 = vector.broadcast %mul3A_644 : f32 to vector<16xf32>
        %mul3A_646 = arith.mulf %get3A_643, %mul3A_645 : vector<16xf32>
        %swap3A_647 = arith.constant 0 : i32
        %swap3A_648 = tpu.memref_slice %arg6[%add3A_621, %swap3A_647] : memref<200x128xf32, #tpu.memory_space<vmem>> -> memref<1x128xf32, #tpu.memory_space<vmem>>
        %swap3A_649 = tpu.memref_squeeze %swap3A_648 : memref<1x128xf32, #tpu.memory_space<vmem>> -> memref<128xf32, #tpu.memory_space<vmem>>
        %swap3A_650 = arith.constant 16 : index
        %swap3A_651 = tpu.vector_load %swap3A_649[%swap3A_650] {strides = array<i32>} : memref<128xf32, #tpu.memory_space<vmem>>, vector<16xf32>,
        %swap3A_652 = vector.shape_cast %swap3A_651 : vector<16xf32> to vector<16xf32>
        %swap3A_653 = vector.shape_cast %mul3A_646 : vector<16xf32> to vector<16xf32>
        tpu.vector_store %swap3A_649[%swap3A_650], %swap3A_653 {strides = array<i32>} : memref<128xf32, #tpu.memory_space<vmem>>, vector<16xf32>,
        %get3A_654 = arith.constant 0 : i32
        %get3A_655 = tpu.memref_slice %arg6[%add3A_621, %get3A_654] : memref<200x128xf32, #tpu.memory_space<vmem>> -> memref<1x128xf32, #tpu.memory_space<vmem>>
        %get3A_656 = tpu.memref_squeeze %get3A_655 : memref<1x128xf32, #tpu.memory_space<vmem>> -> memref<128xf32, #tpu.memory_space<vmem>>
        %get3A_657 = arith.constant 32 : index
        %get3A_658 = tpu.vector_load %get3A_656[%get3A_657] {strides = array<i32>} : memref<128xf32, #tpu.memory_space<vmem>>, vector<16xf32>,
        %get3A_659 = vector.shape_cast %get3A_658 : vector<16xf32> to vector<16xf32>
        %mul3A_660 = arith.constant 11.3137083 : f32
        %mul3A_661 = vector.broadcast %mul3A_660 : f32 to vector<16xf32>
        %mul3A_662 = arith.mulf %get3A_659, %mul3A_661 : vector<16xf32>
        %swap3A_663 = arith.constant 0 : i32
        %swap3A_664 = tpu.memref_slice %arg6[%add3A_621, %swap3A_663] : memref<200x128xf32, #tpu.memory_space<vmem>> -> memref<1x128xf32, #tpu.memory_space<vmem>>
        %swap3A_665 = tpu.memref_squeeze %swap3A_664 : memref<1x128xf32, #tpu.memory_space<vmem>> -> memref<128xf32, #tpu.memory_space<vmem>>
        %swap3A_666 = arith.constant 32 : index
        %swap3A_667 = tpu.vector_load %swap3A_665[%swap3A_666] {strides = array<i32>} : memref<128xf32, #tpu.memory_space<vmem>>, vector<16xf32>,
        %swap3A_668 = vector.shape_cast %swap3A_667 : vector<16xf32> to vector<16xf32>
        %swap3A_669 = vector.shape_cast %mul3A_662 : vector<16xf32> to vector<16xf32>
        tpu.vector_store %swap3A_665[%swap3A_666], %swap3A_669 {strides = array<i32>} : memref<128xf32, #tpu.memory_space<vmem>>, vector<16xf32>,
        %get3A_670 = arith.constant 0 : i32
        %get3A_671 = tpu.memref_slice %arg6[%add3A_621, %get3A_670] : memref<200x128xf32, #tpu.memory_space<vmem>> -> memref<1x128xf32, #tpu.memory_space<vmem>>
        %get3A_672 = tpu.memref_squeeze %get3A_671 : memref<1x128xf32, #tpu.memory_space<vmem>> -> memref<128xf32, #tpu.memory_space<vmem>>
        %get3A_673 = arith.constant 48 : index
        %get3A_674 = tpu.vector_load %get3A_672[%get3A_673] {strides = array<i32>} : memref<128xf32, #tpu.memory_space<vmem>>, vector<16xf32>,
        %get3A_675 = vector.shape_cast %get3A_674 : vector<16xf32> to vector<16xf32>
        %mul3A_676 = arith.constant 11.3137083 : f32
        %mul3A_677 = vector.broadcast %mul3A_676 : f32 to vector<16xf32>
        %mul3A_678 = arith.mulf %get3A_675, %mul3A_677 : vector<16xf32>
        %swap3A_679 = arith.constant 0 : i32
        %swap3A_680 = tpu.memref_slice %arg6[%add3A_621, %swap3A_679] : memref<200x128xf32, #tpu.memory_space<vmem>> -> memref<1x128xf32, #tpu.memory_space<vmem>>
        %swap3A_681 = tpu.memref_squeeze %swap3A_680 : memref<1x128xf32, #tpu.memory_space<vmem>> -> memref<128xf32, #tpu.memory_space<vmem>>
        %swap3A_682 = arith.constant 48 : index
        %swap3A_683 = tpu.vector_load %swap3A_681[%swap3A_682] {strides = array<i32>} : memref<128xf32, #tpu.memory_space<vmem>>, vector<16xf32>,
        %swap3A_684 = vector.shape_cast %swap3A_683 : vector<16xf32> to vector<16xf32>
        %swap3A_685 = vector.shape_cast %mul3A_678 : vector<16xf32> to vector<16xf32>
        tpu.vector_store %swap3A_681[%swap3A_682], %swap3A_685 {strides = array<i32>} : memref<128xf32, #tpu.memory_space<vmem>>, vector<16xf32>,
        %get3A_686 = arith.constant 0 : i32
        %get3A_687 = tpu.memref_slice %arg6[%add3A_621, %get3A_686] : memref<200x128xf32, #tpu.memory_space<vmem>> -> memref<1x128xf32, #tpu.memory_space<vmem>>
        %get3A_688 = tpu.memref_squeeze %get3A_687 : memref<1x128xf32, #tpu.memory_space<vmem>> -> memref<128xf32, #tpu.memory_space<vmem>>
        %get3A_689 = arith.constant 64 : index
        %get3A_690 = tpu.vector_load %get3A_688[%get3A_689] {strides = array<i32>} : memref<128xf32, #tpu.memory_space<vmem>>, vector<16xf32>,
        %get3A_691 = vector.shape_cast %get3A_690 : vector<16xf32> to vector<16xf32>
        %mul3A_692 = arith.constant 11.3137083 : f32
        %mul3A_693 = vector.broadcast %mul3A_692 : f32 to vector<16xf32>
        %mul3A_694 = arith.mulf %get3A_691, %mul3A_693 : vector<16xf32>
        %swap3A_695 = arith.constant 0 : i32
        %swap3A_696 = tpu.memref_slice %arg6[%add3A_621, %swap3A_695] : memref<200x128xf32, #tpu.memory_space<vmem>> -> memref<1x128xf32, #tpu.memory_space<vmem>>
        %swap3A_697 = tpu.memref_squeeze %swap3A_696 : memref<1x128xf32, #tpu.memory_space<vmem>> -> memref<128xf32, #tpu.memory_space<vmem>>
        %swap3A_698 = arith.constant 64 : index
        %swap3A_699 = tpu.vector_load %swap3A_697[%swap3A_698] {strides = array<i32>} : memref<128xf32, #tpu.memory_space<vmem>>, vector<16xf32>,
        %swap3A_700 = vector.shape_cast %swap3A_699 : vector<16xf32> to vector<16xf32>
        %swap3A_701 = vector.shape_cast %mul3A_694 : vector<16xf32> to vector<16xf32>
        tpu.vector_store %swap3A_697[%swap3A_698], %swap3A_701 {strides = array<i32>} : memref<128xf32, #tpu.memory_space<vmem>>, vector<16xf32>,
        %get3A_702 = arith.constant 0 : i32
        %get3A_703 = tpu.memref_slice %arg6[%add3A_621, %get3A_702] : memref<200x128xf32, #tpu.memory_space<vmem>> -> memref<1x128xf32, #tpu.memory_space<vmem>>
        %get3A_704 = tpu.memref_squeeze %get3A_703 : memref<1x128xf32, #tpu.memory_space<vmem>> -> memref<128xf32, #tpu.memory_space<vmem>>
        %get3A_705 = arith.constant 80 : index
        %get3A_706 = tpu.vector_load %get3A_704[%get3A_705] {strides = array<i32>} : memref<128xf32, #tpu.memory_space<vmem>>, vector<16xf32>,
        %get3A_707 = vector.shape_cast %get3A_706 : vector<16xf32> to vector<16xf32>
        %mul3A_708 = arith.constant 11.3137083 : f32
        %mul3A_709 = vector.broadcast %mul3A_708 : f32 to vector<16xf32>
        %mul3A_710 = arith.mulf %get3A_707, %mul3A_709 : vector<16xf32>
        %swap3A_711 = arith.constant 0 : i32
        %swap3A_712 = tpu.memref_slice %arg6[%add3A_621, %swap3A_711] : memref<200x128xf32, #tpu.memory_space<vmem>> -> memref<1x128xf32, #tpu.memory_space<vmem>>
        %swap3A_713 = tpu.memref_squeeze %swap3A_712 : memref<1x128xf32, #tpu.memory_space<vmem>> -> memref<128xf32, #tpu.memory_space<vmem>>
        %swap3A_714 = arith.constant 80 : index
        %swap3A_715 = tpu.vector_load %swap3A_713[%swap3A_714] {strides = array<i32>} : memref<128xf32, #tpu.memory_space<vmem>>, vector<16xf32>,
        %swap3A_716 = vector.shape_cast %swap3A_715 : vector<16xf32> to vector<16xf32>
        %swap3A_717 = vector.shape_cast %mul3A_710 : vector<16xf32> to vector<16xf32>
        tpu.vector_store %swap3A_713[%swap3A_714], %swap3A_717 {strides = array<i32>} : memref<128xf32, #tpu.memory_space<vmem>>, vector<16xf32>,
        %get3A_718 = arith.constant 0 : i32
        %get3A_719 = tpu.memref_slice %arg6[%add3A_621, %get3A_718] : memref<200x128xf32, #tpu.memory_space<vmem>> -> memref<1x128xf32, #tpu.memory_space<vmem>>
        %get3A_720 = tpu.memref_squeeze %get3A_719 : memref<1x128xf32, #tpu.memory_space<vmem>> -> memref<128xf32, #tpu.memory_space<vmem>>
        %get3A_721 = arith.constant 96 : index
        %get3A_722 = tpu.vector_load %get3A_720[%get3A_721] {strides = array<i32>} : memref<128xf32, #tpu.memory_space<vmem>>, vector<16xf32>,
        %get3A_723 = vector.shape_cast %get3A_722 : vector<16xf32> to vector<16xf32>
        %mul3A_724 = arith.constant 11.3137083 : f32
        %mul3A_725 = vector.broadcast %mul3A_724 : f32 to vector<16xf32>
        %mul3A_726 = arith.mulf %get3A_723, %mul3A_725 : vector<16xf32>
        %swap3A_727 = arith.constant 0 : i32
        %swap3A_728 = tpu.memref_slice %arg6[%add3A_621, %swap3A_727] : memref<200x128xf32, #tpu.memory_space<vmem>> -> memref<1x128xf32, #tpu.memory_space<vmem>>
        %swap3A_729 = tpu.memref_squeeze %swap3A_728 : memref<1x128xf32, #tpu.memory_space<vmem>> -> memref<128xf32, #tpu.memory_space<vmem>>
        %swap3A_730 = arith.constant 96 : index
        %swap3A_731 = tpu.vector_load %swap3A_729[%swap3A_730] {strides = array<i32>} : memref<128xf32, #tpu.memory_space<vmem>>, vector<16xf32>,
        %swap3A_732 = vector.shape_cast %swap3A_731 : vector<16xf32> to vector<16xf32>
        %swap3A_733 = vector.shape_cast %mul3A_726 : vector<16xf32> to vector<16xf32>
        tpu.vector_store %swap3A_729[%swap3A_730], %swap3A_733 {strides = array<i32>} : memref<128xf32, #tpu.memory_space<vmem>>, vector<16xf32>,
        %get3A_734 = arith.constant 0 : i32
        %get3A_735 = tpu.memref_slice %arg6[%add3A_621, %get3A_734] : memref<200x128xf32, #tpu.memory_space<vmem>> -> memref<1x128xf32, #tpu.memory_space<vmem>>
        %get3A_736 = tpu.memref_squeeze %get3A_735 : memref<1x128xf32, #tpu.memory_space<vmem>> -> memref<128xf32, #tpu.memory_space<vmem>>
        %get3A_737 = arith.constant 112 : index
        %get3A_738 = tpu.vector_load %get3A_736[%get3A_737] {strides = array<i32>} : memref<128xf32, #tpu.memory_space<vmem>>, vector<16xf32>,
        %get3A_739 = vector.shape_cast %get3A_738 : vector<16xf32> to vector<16xf32>
        %mul3A_740 = arith.constant 11.3137083 : f32
        %mul3A_741 = vector.broadcast %mul3A_740 : f32 to vector<16xf32>
        %mul3A_742 = arith.mulf %get3A_739, %mul3A_741 : vector<16xf32>
        %swap3A_743 = arith.constant 0 : i32
        %swap3A_744 = tpu.memref_slice %arg6[%add3A_621, %swap3A_743] : memref<200x128xf32, #tpu.memory_space<vmem>> -> memref<1x128xf32, #tpu.memory_space<vmem>>
        %swap3A_745 = tpu.memref_squeeze %swap3A_744 : memref<1x128xf32, #tpu.memory_space<vmem>> -> memref<128xf32, #tpu.memory_space<vmem>>
        %swap3A_746 = arith.constant 112 : index
        %swap3A_747 = tpu.vector_load %swap3A_745[%swap3A_746] {strides = array<i32>} : memref<128xf32, #tpu.memory_space<vmem>>, vector<16xf32>,
        %swap3A_748 = vector.shape_cast %swap3A_747 : vector<16xf32> to vector<16xf32>
        %swap3A_749 = vector.shape_cast %mul3A_742 : vector<16xf32> to vector<16xf32>
        tpu.vector_store %swap3A_745[%swap3A_746], %swap3A_749 {strides = array<i32>} : memref<128xf32, #tpu.memory_space<vmem>>, vector<16xf32>,
      }
      %scan3A_102 = arith.constant 50 : i32
      %add3A_103 = arith.addi %mul3A_2, %add3A_75 : i32
      %mul3A_104 = arith.constant 200 : i32
      %mul3A_105 = arith.muli %add3A_103, %mul3A_104 : i32
      %dma_start3A_106 = arith.constant 0 : i32
      %dma_start3A_107 = tpu.memref_slice %arg4[%mul3A_105, %dma_start3A_106] : memref<204800x128xf32, #tpu.memory_space<hbm>> -> memref<200x128xf32, #tpu.memory_space<hbm>>
      %dma_start3A_108 = arith.constant 0 : i32
      %dma_start3A_109 = tpu.memref_slice %arg4[%mul3A_105, %dma_start3A_108] : memref<204800x128xf32, #tpu.memory_space<hbm>> -> memref<200x128xf32, #tpu.memory_space<hbm>>
      tpu.enqueue_dma source(%arg6 : memref<200x128xf32, #tpu.memory_space<vmem>>) target(%dma_start3A_109 : memref<200x128xf32, #tpu.memory_space<hbm>>) target_semaphore(%arg14 : memref<!tpu.dma_semaphore, #tpu.memory_space<semaphore_mem>>)
      %add3A_110 = arith.constant 1 : i32
      %add3A_111 = arith.addi %add3A_73, %add3A_110 : i32
      %add3A_112 = arith.constant 2 : i32
      %add3A_113 = arith.addi %add3A_111, %add3A_112 : i32
      %lt3A_114 = arith.constant 32 : i32
      %lt3A_115 = arith.cmpi slt, %add3A_113, %lt3A_114 : i32
      %convert_element_type3A_116 = arith.extui %lt3A_115 : i1 to i32
      %cond3A_117 = arith.constant 0 : i32
      %cond3A_118 = arith.cmpi ne, %convert_element_type3A_116, %cond3A_117 : i32
      scf.if %cond3A_118 {
        %ge3A = arith.constant 4 : i32
        %ge3A_227 = arith.cmpi sge, %add3A_113, %ge3A : i32
        %convert_element_type3A_228 = arith.extui %ge3A_227 : i1 to i32
        %cond3A_229 = arith.constant 0 : i32
        %cond3A_230 = arith.cmpi ne, %convert_element_type3A_228, %cond3A_229 : i32
        scf.if %cond3A_230 {
          %dma_wait3A_249 = arith.constant 0 : i32
          %dma_wait3A_250 = arith.constant 0 : i32
          %dma_wait3A_251 = tpu.memref_slice %arg4[%dma_wait3A_249, %dma_wait3A_250] : memref<204800x128xf32, #tpu.memory_space<hbm>> -> memref<200x128xf32, #tpu.memory_space<hbm>>
          %dma_wait3A_252 = arith.constant 0 : i32
          %dma_wait3A_253 = arith.constant 0 : i32
          %dma_wait3A_254 = tpu.memref_slice %arg4[%dma_wait3A_252, %dma_wait3A_253] : memref<204800x128xf32, #tpu.memory_space<hbm>> -> memref<200x128xf32, #tpu.memory_space<hbm>>
          tpu.wait_dma2 semaphore(%arg17 : memref<!tpu.dma_semaphore, #tpu.memory_space<semaphore_mem>>) src(%arg9 : memref<200x128xf32, #tpu.memory_space<vmem>>) dst(%dma_wait3A_254 : memref<200x128xf32, #tpu.memory_space<hbm>>)
        } else {
        }
        %dma_start3A_231 = arith.constant 0 : i32
        %dma_start3A_232 = arith.constant 0 : i32
        %dma_start3A_233 = tpu.memref_slice %arg9[%dma_start3A_231, %dma_start3A_232] : memref<200x128xf32, #tpu.memory_space<vmem>> -> memref<128x128xf32, #tpu.memory_space<vmem>>
        %dma_start3A_234 = arith.constant 0 : i32
        %dma_start3A_235 = tpu.memref_slice %arg5[%add3A_113, %dma_start3A_234] : memref<32x200xi32, #tpu.memory_space<vmem>> -> memref<1x128xi32, #tpu.memory_space<vmem>>
        %dma_start3A_236 = tpu.memref_squeeze %dma_start3A_235 : memref<1x128xi32, #tpu.memory_space<vmem>> -> memref<128xi32, #tpu.memory_space<vmem>>
        %dma_start3A_237 = arith.constant 0 : i32
        %dma_start3A_238 = arith.constant 0 : i32
        %dma_start3A_239 = tpu.memref_slice %arg2[%dma_start3A_237, %dma_start3A_238] : memref<1000000x128xf32, #tpu.memory_space<hbm>> -> memref<1000000x128xf32, #tpu.memory_space<hbm>>
        tpu.enqueue_indirect_dma source(%dma_start3A_239 : memref<1000000x128xf32, #tpu.memory_space<hbm>>) target(%dma_start3A_233 : memref<128x128xf32, #tpu.memory_space<vmem>>) offsets(%dma_start3A_236 : memref<128xi32, #tpu.memory_space<vmem>>) semaphore(%arg13 : memref<!tpu.dma_semaphore, #tpu.memory_space<semaphore_mem>>)
        %dma_start3A_240 = arith.constant 128 : i32
        %dma_start3A_241 = arith.constant 0 : i32
        %dma_start3A_242 = tpu.memref_slice %arg9[%dma_start3A_240, %dma_start3A_241] : memref<200x128xf32, #tpu.memory_space<vmem>> -> memref<72x128xf32, #tpu.memory_space<vmem>>
        %dma_start3A_243 = arith.constant 128 : i32
        %dma_start3A_244 = tpu.memref_slice %arg5[%add3A_113, %dma_start3A_243] : memref<32x200xi32, #tpu.memory_space<vmem>> -> memref<1x72xi32, #tpu.memory_space<vmem>>
        %dma_start3A_245 = tpu.memref_squeeze %dma_start3A_244 : memref<1x72xi32, #tpu.memory_space<vmem>> -> memref<72xi32, #tpu.memory_space<vmem>>
        %dma_start3A_246 = arith.constant 0 : i32
        %dma_start3A_247 = arith.constant 0 : i32
        %dma_start3A_248 = tpu.memref_slice %arg2[%dma_start3A_246, %dma_start3A_247] : memref<1000000x128xf32, #tpu.memory_space<hbm>> -> memref<1000000x128xf32, #tpu.memory_space<hbm>>
        tpu.enqueue_indirect_dma source(%dma_start3A_248 : memref<1000000x128xf32, #tpu.memory_space<hbm>>) target(%dma_start3A_242 : memref<72x128xf32, #tpu.memory_space<vmem>>) offsets(%dma_start3A_245 : memref<72xi32, #tpu.memory_space<vmem>>) semaphore(%arg13 : memref<!tpu.dma_semaphore, #tpu.memory_space<semaphore_mem>>)
      } else {
      }
      %dma_wait3A_119 = arith.constant 0 : i32
      %dma_wait3A_120 = arith.constant 0 : i32
      %dma_wait3A_121 = tpu.memref_slice %arg7[%dma_wait3A_119, %dma_wait3A_120] : memref<200x128xf32, #tpu.memory_space<vmem>> -> memref<128x128xf32, #tpu.memory_space<vmem>>
      %dma_wait3A_122 = arith.constant 0 : i32
      %dma_wait3A_123 = tpu.memref_slice %arg5[%add3A_111, %dma_wait3A_122] : memref<32x200xi32, #tpu.memory_space<vmem>> -> memref<1x128xi32, #tpu.memory_space<vmem>>
      %dma_wait3A_124 = tpu.memref_squeeze %dma_wait3A_123 : memref<1x128xi32, #tpu.memory_space<vmem>> -> memref<128xi32, #tpu.memory_space<vmem>>
      %dma_wait3A_125 = arith.constant 0 : i32
      %dma_wait3A_126 = arith.constant 0 : i32
      %dma_wait3A_127 = tpu.memref_slice %arg2[%dma_wait3A_125, %dma_wait3A_126] : memref<1000000x128xf32, #tpu.memory_space<hbm>> -> memref<1000000x128xf32, #tpu.memory_space<hbm>>
      tpu.wait_indirect_dma semaphore(%arg11 : memref<!tpu.dma_semaphore, #tpu.memory_space<semaphore_mem>>) src(%dma_wait3A_127 : memref<1000000x128xf32, #tpu.memory_space<hbm>>) dst(%dma_wait3A_121 : memref<128x128xf32, #tpu.memory_space<vmem>>)
      %dma_wait3A_128 = arith.constant 128 : i32
      %dma_wait3A_129 = arith.constant 0 : i32
      %dma_wait3A_130 = tpu.memref_slice %arg7[%dma_wait3A_128, %dma_wait3A_129] : memref<200x128xf32, #tpu.memory_space<vmem>> -> memref<72x128xf32, #tpu.memory_space<vmem>>
      %dma_wait3A_131 = arith.constant 128 : i32
      %dma_wait3A_132 = tpu.memref_slice %arg5[%add3A_111, %dma_wait3A_131] : memref<32x200xi32, #tpu.memory_space<vmem>> -> memref<1x72xi32, #tpu.memory_space<vmem>>
      %dma_wait3A_133 = tpu.memref_squeeze %dma_wait3A_132 : memref<1x72xi32, #tpu.memory_space<vmem>> -> memref<72xi32, #tpu.memory_space<vmem>>
      %dma_wait3A_134 = arith.constant 0 : i32
      %dma_wait3A_135 = arith.constant 0 : i32
      %dma_wait3A_136 = tpu.memref_slice %arg2[%dma_wait3A_134, %dma_wait3A_135] : memref<1000000x128xf32, #tpu.memory_space<hbm>> -> memref<1000000x128xf32, #tpu.memory_space<hbm>>
      tpu.wait_indirect_dma semaphore(%arg11 : memref<!tpu.dma_semaphore, #tpu.memory_space<semaphore_mem>>) src(%dma_wait3A_136 : memref<1000000x128xf32, #tpu.memory_space<hbm>>) dst(%dma_wait3A_130 : memref<72x128xf32, #tpu.memory_space<vmem>>)
      %scan3A_137 = arith.constant 0 : i32
      %scan3A_138 = arith.constant 50 : i32
      %scan3A_139 = arith.addi %scan3A_137, %scan3A_138 : i32
      %scan3A_140 = arith.constant 1 : i32
      scf.for %scan3A_227 = %scan3A_137 to %scan3A_139 step %scan3A_140  : i32 {
        %mul3A_228 = arith.constant 4 : i32
        %mul3A_229 = arith.muli %scan3A_227, %mul3A_228 : i32
        %add3A_230 = arith.constant 0 : i32
        %add3A_231 = arith.addi %add3A_230, %mul3A_229 : i32
        %add3A_232 = arith.constant 0 : i32
        %add3A_233 = arith.addi %add3A_231, %add3A_232 : i32
        %get3A = arith.constant 0 : i32
        %get3A_234 = tpu.memref_slice %arg7[%add3A_233, %get3A] : memref<200x128xf32, #tpu.memory_space<vmem>> -> memref<1x128xf32, #tpu.memory_space<vmem>>
        %get3A_235 = tpu.memref_squeeze %get3A_234 : memref<1x128xf32, #tpu.memory_space<vmem>> -> memref<128xf32, #tpu.memory_space<vmem>>
        %get3A_236 = arith.constant 0 : index
        %get3A_237 = tpu.vector_load %get3A_235[%get3A_236] {strides = array<i32>} : memref<128xf32, #tpu.memory_space<vmem>>, vector<16xf32>,
        %get3A_238 = vector.shape_cast %get3A_237 : vector<16xf32> to vector<16xf32>
        %mul3A_239 = arith.constant 11.3137083 : f32
        %mul3A_240 = vector.broadcast %mul3A_239 : f32 to vector<16xf32>
        %mul3A_241 = arith.mulf %get3A_238, %mul3A_240 : vector<16xf32>
        %swap3A = arith.constant 0 : i32
        %swap3A_242 = tpu.memref_slice %arg7[%add3A_233, %swap3A] : memref<200x128xf32, #tpu.memory_space<vmem>> -> memref<1x128xf32, #tpu.memory_space<vmem>>
        %swap3A_243 = tpu.memref_squeeze %swap3A_242 : memref<1x128xf32, #tpu.memory_space<vmem>> -> memref<128xf32, #tpu.memory_space<vmem>>
        %swap3A_244 = arith.constant 0 : index
        %swap3A_245 = tpu.vector_load %swap3A_243[%swap3A_244] {strides = array<i32>} : memref<128xf32, #tpu.memory_space<vmem>>, vector<16xf32>,
        %swap3A_246 = vector.shape_cast %swap3A_245 : vector<16xf32> to vector<16xf32>
        %swap3A_247 = vector.shape_cast %mul3A_241 : vector<16xf32> to vector<16xf32>
        tpu.vector_store %swap3A_243[%swap3A_244], %swap3A_247 {strides = array<i32>} : memref<128xf32, #tpu.memory_space<vmem>>, vector<16xf32>,
        %get3A_248 = arith.constant 0 : i32
        %get3A_249 = tpu.memref_slice %arg7[%add3A_233, %get3A_248] : memref<200x128xf32, #tpu.memory_space<vmem>> -> memref<1x128xf32, #tpu.memory_space<vmem>>
        %get3A_250 = tpu.memref_squeeze %get3A_249 : memref<1x128xf32, #tpu.memory_space<vmem>> -> memref<128xf32, #tpu.memory_space<vmem>>
        %get3A_251 = arith.constant 16 : index
        %get3A_252 = tpu.vector_load %get3A_250[%get3A_251] {strides = array<i32>} : memref<128xf32, #tpu.memory_space<vmem>>, vector<16xf32>,
        %get3A_253 = vector.shape_cast %get3A_252 : vector<16xf32> to vector<16xf32>
        %mul3A_254 = arith.constant 11.3137083 : f32
        %mul3A_255 = vector.broadcast %mul3A_254 : f32 to vector<16xf32>
        %mul3A_256 = arith.mulf %get3A_253, %mul3A_255 : vector<16xf32>
        %swap3A_257 = arith.constant 0 : i32
        %swap3A_258 = tpu.memref_slice %arg7[%add3A_233, %swap3A_257] : memref<200x128xf32, #tpu.memory_space<vmem>> -> memref<1x128xf32, #tpu.memory_space<vmem>>
        %swap3A_259 = tpu.memref_squeeze %swap3A_258 : memref<1x128xf32, #tpu.memory_space<vmem>> -> memref<128xf32, #tpu.memory_space<vmem>>
        %swap3A_260 = arith.constant 16 : index
        %swap3A_261 = tpu.vector_load %swap3A_259[%swap3A_260] {strides = array<i32>} : memref<128xf32, #tpu.memory_space<vmem>>, vector<16xf32>,
        %swap3A_262 = vector.shape_cast %swap3A_261 : vector<16xf32> to vector<16xf32>
        %swap3A_263 = vector.shape_cast %mul3A_256 : vector<16xf32> to vector<16xf32>
        tpu.vector_store %swap3A_259[%swap3A_260], %swap3A_263 {strides = array<i32>} : memref<128xf32, #tpu.memory_space<vmem>>, vector<16xf32>,
        %get3A_264 = arith.constant 0 : i32
        %get3A_265 = tpu.memref_slice %arg7[%add3A_233, %get3A_264] : memref<200x128xf32, #tpu.memory_space<vmem>> -> memref<1x128xf32, #tpu.memory_space<vmem>>
        %get3A_266 = tpu.memref_squeeze %get3A_265 : memref<1x128xf32, #tpu.memory_space<vmem>> -> memref<128xf32, #tpu.memory_space<vmem>>
        %get3A_267 = arith.constant 32 : index
        %get3A_268 = tpu.vector_load %get3A_266[%get3A_267] {strides = array<i32>} : memref<128xf32, #tpu.memory_space<vmem>>, vector<16xf32>,
        %get3A_269 = vector.shape_cast %get3A_268 : vector<16xf32> to vector<16xf32>
        %mul3A_270 = arith.constant 11.3137083 : f32
        %mul3A_271 = vector.broadcast %mul3A_270 : f32 to vector<16xf32>
        %mul3A_272 = arith.mulf %get3A_269, %mul3A_271 : vector<16xf32>
        %swap3A_273 = arith.constant 0 : i32
        %swap3A_274 = tpu.memref_slice %arg7[%add3A_233, %swap3A_273] : memref<200x128xf32, #tpu.memory_space<vmem>> -> memref<1x128xf32, #tpu.memory_space<vmem>>
        %swap3A_275 = tpu.memref_squeeze %swap3A_274 : memref<1x128xf32, #tpu.memory_space<vmem>> -> memref<128xf32, #tpu.memory_space<vmem>>
        %swap3A_276 = arith.constant 32 : index
        %swap3A_277 = tpu.vector_load %swap3A_275[%swap3A_276] {strides = array<i32>} : memref<128xf32, #tpu.memory_space<vmem>>, vector<16xf32>,
        %swap3A_278 = vector.shape_cast %swap3A_277 : vector<16xf32> to vector<16xf32>
        %swap3A_279 = vector.shape_cast %mul3A_272 : vector<16xf32> to vector<16xf32>
        tpu.vector_store %swap3A_275[%swap3A_276], %swap3A_279 {strides = array<i32>} : memref<128xf32, #tpu.memory_space<vmem>>, vector<16xf32>,
        %get3A_280 = arith.constant 0 : i32
        %get3A_281 = tpu.memref_slice %arg7[%add3A_233, %get3A_280] : memref<200x128xf32, #tpu.memory_space<vmem>> -> memref<1x128xf32, #tpu.memory_space<vmem>>
        %get3A_282 = tpu.memref_squeeze %get3A_281 : memref<1x128xf32, #tpu.memory_space<vmem>> -> memref<128xf32, #tpu.memory_space<vmem>>
        %get3A_283 = arith.constant 48 : index
        %get3A_284 = tpu.vector_load %get3A_282[%get3A_283] {strides = array<i32>} : memref<128xf32, #tpu.memory_space<vmem>>, vector<16xf32>,
        %get3A_285 = vector.shape_cast %get3A_284 : vector<16xf32> to vector<16xf32>
        %mul3A_286 = arith.constant 11.3137083 : f32
        %mul3A_287 = vector.broadcast %mul3A_286 : f32 to vector<16xf32>
        %mul3A_288 = arith.mulf %get3A_285, %mul3A_287 : vector<16xf32>
        %swap3A_289 = arith.constant 0 : i32
        %swap3A_290 = tpu.memref_slice %arg7[%add3A_233, %swap3A_289] : memref<200x128xf32, #tpu.memory_space<vmem>> -> memref<1x128xf32, #tpu.memory_space<vmem>>
        %swap3A_291 = tpu.memref_squeeze %swap3A_290 : memref<1x128xf32, #tpu.memory_space<vmem>> -> memref<128xf32, #tpu.memory_space<vmem>>
        %swap3A_292 = arith.constant 48 : index
        %swap3A_293 = tpu.vector_load %swap3A_291[%swap3A_292] {strides = array<i32>} : memref<128xf32, #tpu.memory_space<vmem>>, vector<16xf32>,
        %swap3A_294 = vector.shape_cast %swap3A_293 : vector<16xf32> to vector<16xf32>
        %swap3A_295 = vector.shape_cast %mul3A_288 : vector<16xf32> to vector<16xf32>
        tpu.vector_store %swap3A_291[%swap3A_292], %swap3A_295 {strides = array<i32>} : memref<128xf32, #tpu.memory_space<vmem>>, vector<16xf32>,
        %get3A_296 = arith.constant 0 : i32
        %get3A_297 = tpu.memref_slice %arg7[%add3A_233, %get3A_296] : memref<200x128xf32, #tpu.memory_space<vmem>> -> memref<1x128xf32, #tpu.memory_space<vmem>>
        %get3A_298 = tpu.memref_squeeze %get3A_297 : memref<1x128xf32, #tpu.memory_space<vmem>> -> memref<128xf32, #tpu.memory_space<vmem>>
        %get3A_299 = arith.constant 64 : index
        %get3A_300 = tpu.vector_load %get3A_298[%get3A_299] {strides = array<i32>} : memref<128xf32, #tpu.memory_space<vmem>>, vector<16xf32>,
        %get3A_301 = vector.shape_cast %get3A_300 : vector<16xf32> to vector<16xf32>
        %mul3A_302 = arith.constant 11.3137083 : f32
        %mul3A_303 = vector.broadcast %mul3A_302 : f32 to vector<16xf32>
        %mul3A_304 = arith.mulf %get3A_301, %mul3A_303 : vector<16xf32>
        %swap3A_305 = arith.constant 0 : i32
        %swap3A_306 = tpu.memref_slice %arg7[%add3A_233, %swap3A_305] : memref<200x128xf32, #tpu.memory_space<vmem>> -> memref<1x128xf32, #tpu.memory_space<vmem>>
        %swap3A_307 = tpu.memref_squeeze %swap3A_306 : memref<1x128xf32, #tpu.memory_space<vmem>> -> memref<128xf32, #tpu.memory_space<vmem>>
        %swap3A_308 = arith.constant 64 : index
        %swap3A_309 = tpu.vector_load %swap3A_307[%swap3A_308] {strides = array<i32>} : memref<128xf32, #tpu.memory_space<vmem>>, vector<16xf32>,
        %swap3A_310 = vector.shape_cast %swap3A_309 : vector<16xf32> to vector<16xf32>
        %swap3A_311 = vector.shape_cast %mul3A_304 : vector<16xf32> to vector<16xf32>
        tpu.vector_store %swap3A_307[%swap3A_308], %swap3A_311 {strides = array<i32>} : memref<128xf32, #tpu.memory_space<vmem>>, vector<16xf32>,
        %get3A_312 = arith.constant 0 : i32
        %get3A_313 = tpu.memref_slice %arg7[%add3A_233, %get3A_312] : memref<200x128xf32, #tpu.memory_space<vmem>> -> memref<1x128xf32, #tpu.memory_space<vmem>>
        %get3A_314 = tpu.memref_squeeze %get3A_313 : memref<1x128xf32, #tpu.memory_space<vmem>> -> memref<128xf32, #tpu.memory_space<vmem>>
        %get3A_315 = arith.constant 80 : index
        %get3A_316 = tpu.vector_load %get3A_314[%get3A_315] {strides = array<i32>} : memref<128xf32, #tpu.memory_space<vmem>>, vector<16xf32>,
        %get3A_317 = vector.shape_cast %get3A_316 : vector<16xf32> to vector<16xf32>
        %mul3A_318 = arith.constant 11.3137083 : f32
        %mul3A_319 = vector.broadcast %mul3A_318 : f32 to vector<16xf32>
        %mul3A_320 = arith.mulf %get3A_317, %mul3A_319 : vector<16xf32>
        %swap3A_321 = arith.constant 0 : i32
        %swap3A_322 = tpu.memref_slice %arg7[%add3A_233, %swap3A_321] : memref<200x128xf32, #tpu.memory_space<vmem>> -> memref<1x128xf32, #tpu.memory_space<vmem>>
        %swap3A_323 = tpu.memref_squeeze %swap3A_322 : memref<1x128xf32, #tpu.memory_space<vmem>> -> memref<128xf32, #tpu.memory_space<vmem>>
        %swap3A_324 = arith.constant 80 : index
        %swap3A_325 = tpu.vector_load %swap3A_323[%swap3A_324] {strides = array<i32>} : memref<128xf32, #tpu.memory_space<vmem>>, vector<16xf32>,
        %swap3A_326 = vector.shape_cast %swap3A_325 : vector<16xf32> to vector<16xf32>
        %swap3A_327 = vector.shape_cast %mul3A_320 : vector<16xf32> to vector<16xf32>
        tpu.vector_store %swap3A_323[%swap3A_324], %swap3A_327 {strides = array<i32>} : memref<128xf32, #tpu.memory_space<vmem>>, vector<16xf32>,
        %get3A_328 = arith.constant 0 : i32
        %get3A_329 = tpu.memref_slice %arg7[%add3A_233, %get3A_328] : memref<200x128xf32, #tpu.memory_space<vmem>> -> memref<1x128xf32, #tpu.memory_space<vmem>>
        %get3A_330 = tpu.memref_squeeze %get3A_329 : memref<1x128xf32, #tpu.memory_space<vmem>> -> memref<128xf32, #tpu.memory_space<vmem>>
        %get3A_331 = arith.constant 96 : index
        %get3A_332 = tpu.vector_load %get3A_330[%get3A_331] {strides = array<i32>} : memref<128xf32, #tpu.memory_space<vmem>>, vector<16xf32>,
        %get3A_333 = vector.shape_cast %get3A_332 : vector<16xf32> to vector<16xf32>
        %mul3A_334 = arith.constant 11.3137083 : f32
        %mul3A_335 = vector.broadcast %mul3A_334 : f32 to vector<16xf32>
        %mul3A_336 = arith.mulf %get3A_333, %mul3A_335 : vector<16xf32>
        %swap3A_337 = arith.constant 0 : i32
        %swap3A_338 = tpu.memref_slice %arg7[%add3A_233, %swap3A_337] : memref<200x128xf32, #tpu.memory_space<vmem>> -> memref<1x128xf32, #tpu.memory_space<vmem>>
        %swap3A_339 = tpu.memref_squeeze %swap3A_338 : memref<1x128xf32, #tpu.memory_space<vmem>> -> memref<128xf32, #tpu.memory_space<vmem>>
        %swap3A_340 = arith.constant 96 : index
        %swap3A_341 = tpu.vector_load %swap3A_339[%swap3A_340] {strides = array<i32>} : memref<128xf32, #tpu.memory_space<vmem>>, vector<16xf32>,
        %swap3A_342 = vector.shape_cast %swap3A_341 : vector<16xf32> to vector<16xf32>
        %swap3A_343 = vector.shape_cast %mul3A_336 : vector<16xf32> to vector<16xf32>
        tpu.vector_store %swap3A_339[%swap3A_340], %swap3A_343 {strides = array<i32>} : memref<128xf32, #tpu.memory_space<vmem>>, vector<16xf32>,
        %get3A_344 = arith.constant 0 : i32
        %get3A_345 = tpu.memref_slice %arg7[%add3A_233, %get3A_344] : memref<200x128xf32, #tpu.memory_space<vmem>> -> memref<1x128xf32, #tpu.memory_space<vmem>>
        %get3A_346 = tpu.memref_squeeze %get3A_345 : memref<1x128xf32, #tpu.memory_space<vmem>> -> memref<128xf32, #tpu.memory_space<vmem>>
        %get3A_347 = arith.constant 112 : index
        %get3A_348 = tpu.vector_load %get3A_346[%get3A_347] {strides = array<i32>} : memref<128xf32, #tpu.memory_space<vmem>>, vector<16xf32>,
        %get3A_349 = vector.shape_cast %get3A_348 : vector<16xf32> to vector<16xf32>
        %mul3A_350 = arith.constant 11.3137083 : f32
        %mul3A_351 = vector.broadcast %mul3A_350 : f32 to vector<16xf32>
        %mul3A_352 = arith.mulf %get3A_349, %mul3A_351 : vector<16xf32>
        %swap3A_353 = arith.constant 0 : i32
        %swap3A_354 = tpu.memref_slice %arg7[%add3A_233, %swap3A_353] : memref<200x128xf32, #tpu.memory_space<vmem>> -> memref<1x128xf32, #tpu.memory_space<vmem>>
        %swap3A_355 = tpu.memref_squeeze %swap3A_354 : memref<1x128xf32, #tpu.memory_space<vmem>> -> memref<128xf32, #tpu.memory_space<vmem>>
        %swap3A_356 = arith.constant 112 : index
        %swap3A_357 = tpu.vector_load %swap3A_355[%swap3A_356] {strides = array<i32>} : memref<128xf32, #tpu.memory_space<vmem>>, vector<16xf32>,
        %swap3A_358 = vector.shape_cast %swap3A_357 : vector<16xf32> to vector<16xf32>
        %swap3A_359 = vector.shape_cast %mul3A_352 : vector<16xf32> to vector<16xf32>
        tpu.vector_store %swap3A_355[%swap3A_356], %swap3A_359 {strides = array<i32>} : memref<128xf32, #tpu.memory_space<vmem>>, vector<16xf32>,
        %add3A_360 = arith.constant 1 : i32
        %add3A_361 = arith.addi %add3A_231, %add3A_360 : i32
        %get3A_362 = arith.constant 0 : i32
        %get3A_363 = tpu.memref_slice %arg7[%add3A_361, %get3A_362] : memref<200x128xf32, #tpu.memory_space<vmem>> -> memref<1x128xf32, #tpu.memory_space<vmem>>
        %get3A_364 = tpu.memref_squeeze %get3A_363 : memref<1x128xf32, #tpu.memory_space<vmem>> -> memref<128xf32, #tpu.memory_space<vmem>>
        %get3A_365 = arith.constant 0 : index
        %get3A_366 = tpu.vector_load %get3A_364[%get3A_365] {strides = array<i32>} : memref<128xf32, #tpu.memory_space<vmem>>, vector<16xf32>,
        %get3A_367 = vector.shape_cast %get3A_366 : vector<16xf32> to vector<16xf32>
        %mul3A_368 = arith.constant 11.3137083 : f32
        %mul3A_369 = vector.broadcast %mul3A_368 : f32 to vector<16xf32>
        %mul3A_370 = arith.mulf %get3A_367, %mul3A_369 : vector<16xf32>
        %swap3A_371 = arith.constant 0 : i32
        %swap3A_372 = tpu.memref_slice %arg7[%add3A_361, %swap3A_371] : memref<200x128xf32, #tpu.memory_space<vmem>> -> memref<1x128xf32, #tpu.memory_space<vmem>>
        %swap3A_373 = tpu.memref_squeeze %swap3A_372 : memref<1x128xf32, #tpu.memory_space<vmem>> -> memref<128xf32, #tpu.memory_space<vmem>>
        %swap3A_374 = arith.constant 0 : index
        %swap3A_375 = tpu.vector_load %swap3A_373[%swap3A_374] {strides = array<i32>} : memref<128xf32, #tpu.memory_space<vmem>>, vector<16xf32>,
        %swap3A_376 = vector.shape_cast %swap3A_375 : vector<16xf32> to vector<16xf32>
        %swap3A_377 = vector.shape_cast %mul3A_370 : vector<16xf32> to vector<16xf32>
        tpu.vector_store %swap3A_373[%swap3A_374], %swap3A_377 {strides = array<i32>} : memref<128xf32, #tpu.memory_space<vmem>>, vector<16xf32>,
        %get3A_378 = arith.constant 0 : i32
        %get3A_379 = tpu.memref_slice %arg7[%add3A_361, %get3A_378] : memref<200x128xf32, #tpu.memory_space<vmem>> -> memref<1x128xf32, #tpu.memory_space<vmem>>
        %get3A_380 = tpu.memref_squeeze %get3A_379 : memref<1x128xf32, #tpu.memory_space<vmem>> -> memref<128xf32, #tpu.memory_space<vmem>>
        %get3A_381 = arith.constant 16 : index
        %get3A_382 = tpu.vector_load %get3A_380[%get3A_381] {strides = array<i32>} : memref<128xf32, #tpu.memory_space<vmem>>, vector<16xf32>,
        %get3A_383 = vector.shape_cast %get3A_382 : vector<16xf32> to vector<16xf32>
        %mul3A_384 = arith.constant 11.3137083 : f32
        %mul3A_385 = vector.broadcast %mul3A_384 : f32 to vector<16xf32>
        %mul3A_386 = arith.mulf %get3A_383, %mul3A_385 : vector<16xf32>
        %swap3A_387 = arith.constant 0 : i32
        %swap3A_388 = tpu.memref_slice %arg7[%add3A_361, %swap3A_387] : memref<200x128xf32, #tpu.memory_space<vmem>> -> memref<1x128xf32, #tpu.memory_space<vmem>>
        %swap3A_389 = tpu.memref_squeeze %swap3A_388 : memref<1x128xf32, #tpu.memory_space<vmem>> -> memref<128xf32, #tpu.memory_space<vmem>>
        %swap3A_390 = arith.constant 16 : index
        %swap3A_391 = tpu.vector_load %swap3A_389[%swap3A_390] {strides = array<i32>} : memref<128xf32, #tpu.memory_space<vmem>>, vector<16xf32>,
        %swap3A_392 = vector.shape_cast %swap3A_391 : vector<16xf32> to vector<16xf32>
        %swap3A_393 = vector.shape_cast %mul3A_386 : vector<16xf32> to vector<16xf32>
        tpu.vector_store %swap3A_389[%swap3A_390], %swap3A_393 {strides = array<i32>} : memref<128xf32, #tpu.memory_space<vmem>>, vector<16xf32>,
        %get3A_394 = arith.constant 0 : i32
        %get3A_395 = tpu.memref_slice %arg7[%add3A_361, %get3A_394] : memref<200x128xf32, #tpu.memory_space<vmem>> -> memref<1x128xf32, #tpu.memory_space<vmem>>
        %get3A_396 = tpu.memref_squeeze %get3A_395 : memref<1x128xf32, #tpu.memory_space<vmem>> -> memref<128xf32, #tpu.memory_space<vmem>>
        %get3A_397 = arith.constant 32 : index
        %get3A_398 = tpu.vector_load %get3A_396[%get3A_397] {strides = array<i32>} : memref<128xf32, #tpu.memory_space<vmem>>, vector<16xf32>,
        %get3A_399 = vector.shape_cast %get3A_398 : vector<16xf32> to vector<16xf32>
        %mul3A_400 = arith.constant 11.3137083 : f32
        %mul3A_401 = vector.broadcast %mul3A_400 : f32 to vector<16xf32>
        %mul3A_402 = arith.mulf %get3A_399, %mul3A_401 : vector<16xf32>
        %swap3A_403 = arith.constant 0 : i32
        %swap3A_404 = tpu.memref_slice %arg7[%add3A_361, %swap3A_403] : memref<200x128xf32, #tpu.memory_space<vmem>> -> memref<1x128xf32, #tpu.memory_space<vmem>>
        %swap3A_405 = tpu.memref_squeeze %swap3A_404 : memref<1x128xf32, #tpu.memory_space<vmem>> -> memref<128xf32, #tpu.memory_space<vmem>>
        %swap3A_406 = arith.constant 32 : index
        %swap3A_407 = tpu.vector_load %swap3A_405[%swap3A_406] {strides = array<i32>} : memref<128xf32, #tpu.memory_space<vmem>>, vector<16xf32>,
        %swap3A_408 = vector.shape_cast %swap3A_407 : vector<16xf32> to vector<16xf32>
        %swap3A_409 = vector.shape_cast %mul3A_402 : vector<16xf32> to vector<16xf32>
        tpu.vector_store %swap3A_405[%swap3A_406], %swap3A_409 {strides = array<i32>} : memref<128xf32, #tpu.memory_space<vmem>>, vector<16xf32>,
        %get3A_410 = arith.constant 0 : i32
        %get3A_411 = tpu.memref_slice %arg7[%add3A_361, %get3A_410] : memref<200x128xf32, #tpu.memory_space<vmem>> -> memref<1x128xf32, #tpu.memory_space<vmem>>
        %get3A_412 = tpu.memref_squeeze %get3A_411 : memref<1x128xf32, #tpu.memory_space<vmem>> -> memref<128xf32, #tpu.memory_space<vmem>>
        %get3A_413 = arith.constant 48 : index
        %get3A_414 = tpu.vector_load %get3A_412[%get3A_413] {strides = array<i32>} : memref<128xf32, #tpu.memory_space<vmem>>, vector<16xf32>,
        %get3A_415 = vector.shape_cast %get3A_414 : vector<16xf32> to vector<16xf32>
        %mul3A_416 = arith.constant 11.3137083 : f32
        %mul3A_417 = vector.broadcast %mul3A_416 : f32 to vector<16xf32>
        %mul3A_418 = arith.mulf %get3A_415, %mul3A_417 : vector<16xf32>
        %swap3A_419 = arith.constant 0 : i32
        %swap3A_420 = tpu.memref_slice %arg7[%add3A_361, %swap3A_419] : memref<200x128xf32, #tpu.memory_space<vmem>> -> memref<1x128xf32, #tpu.memory_space<vmem>>
        %swap3A_421 = tpu.memref_squeeze %swap3A_420 : memref<1x128xf32, #tpu.memory_space<vmem>> -> memref<128xf32, #tpu.memory_space<vmem>>
        %swap3A_422 = arith.constant 48 : index
        %swap3A_423 = tpu.vector_load %swap3A_421[%swap3A_422] {strides = array<i32>} : memref<128xf32, #tpu.memory_space<vmem>>, vector<16xf32>,
        %swap3A_424 = vector.shape_cast %swap3A_423 : vector<16xf32> to vector<16xf32>
        %swap3A_425 = vector.shape_cast %mul3A_418 : vector<16xf32> to vector<16xf32>
        tpu.vector_store %swap3A_421[%swap3A_422], %swap3A_425 {strides = array<i32>} : memref<128xf32, #tpu.memory_space<vmem>>, vector<16xf32>,
        %get3A_426 = arith.constant 0 : i32
        %get3A_427 = tpu.memref_slice %arg7[%add3A_361, %get3A_426] : memref<200x128xf32, #tpu.memory_space<vmem>> -> memref<1x128xf32, #tpu.memory_space<vmem>>
        %get3A_428 = tpu.memref_squeeze %get3A_427 : memref<1x128xf32, #tpu.memory_space<vmem>> -> memref<128xf32, #tpu.memory_space<vmem>>
        %get3A_429 = arith.constant 64 : index
        %get3A_430 = tpu.vector_load %get3A_428[%get3A_429] {strides = array<i32>} : memref<128xf32, #tpu.memory_space<vmem>>, vector<16xf32>,
        %get3A_431 = vector.shape_cast %get3A_430 : vector<16xf32> to vector<16xf32>
        %mul3A_432 = arith.constant 11.3137083 : f32
        %mul3A_433 = vector.broadcast %mul3A_432 : f32 to vector<16xf32>
        %mul3A_434 = arith.mulf %get3A_431, %mul3A_433 : vector<16xf32>
        %swap3A_435 = arith.constant 0 : i32
        %swap3A_436 = tpu.memref_slice %arg7[%add3A_361, %swap3A_435] : memref<200x128xf32, #tpu.memory_space<vmem>> -> memref<1x128xf32, #tpu.memory_space<vmem>>
        %swap3A_437 = tpu.memref_squeeze %swap3A_436 : memref<1x128xf32, #tpu.memory_space<vmem>> -> memref<128xf32, #tpu.memory_space<vmem>>
        %swap3A_438 = arith.constant 64 : index
        %swap3A_439 = tpu.vector_load %swap3A_437[%swap3A_438] {strides = array<i32>} : memref<128xf32, #tpu.memory_space<vmem>>, vector<16xf32>,
        %swap3A_440 = vector.shape_cast %swap3A_439 : vector<16xf32> to vector<16xf32>
        %swap3A_441 = vector.shape_cast %mul3A_434 : vector<16xf32> to vector<16xf32>
        tpu.vector_store %swap3A_437[%swap3A_438], %swap3A_441 {strides = array<i32>} : memref<128xf32, #tpu.memory_space<vmem>>, vector<16xf32>,
        %get3A_442 = arith.constant 0 : i32
        %get3A_443 = tpu.memref_slice %arg7[%add3A_361, %get3A_442] : memref<200x128xf32, #tpu.memory_space<vmem>> -> memref<1x128xf32, #tpu.memory_space<vmem>>
        %get3A_444 = tpu.memref_squeeze %get3A_443 : memref<1x128xf32, #tpu.memory_space<vmem>> -> memref<128xf32, #tpu.memory_space<vmem>>
        %get3A_445 = arith.constant 80 : index
        %get3A_446 = tpu.vector_load %get3A_444[%get3A_445] {strides = array<i32>} : memref<128xf32, #tpu.memory_space<vmem>>, vector<16xf32>,
        %get3A_447 = vector.shape_cast %get3A_446 : vector<16xf32> to vector<16xf32>
        %mul3A_448 = arith.constant 11.3137083 : f32
        %mul3A_449 = vector.broadcast %mul3A_448 : f32 to vector<16xf32>
        %mul3A_450 = arith.mulf %get3A_447, %mul3A_449 : vector<16xf32>
        %swap3A_451 = arith.constant 0 : i32
        %swap3A_452 = tpu.memref_slice %arg7[%add3A_361, %swap3A_451] : memref<200x128xf32, #tpu.memory_space<vmem>> -> memref<1x128xf32, #tpu.memory_space<vmem>>
        %swap3A_453 = tpu.memref_squeeze %swap3A_452 : memref<1x128xf32, #tpu.memory_space<vmem>> -> memref<128xf32, #tpu.memory_space<vmem>>
        %swap3A_454 = arith.constant 80 : index
        %swap3A_455 = tpu.vector_load %swap3A_453[%swap3A_454] {strides = array<i32>} : memref<128xf32, #tpu.memory_space<vmem>>, vector<16xf32>,
        %swap3A_456 = vector.shape_cast %swap3A_455 : vector<16xf32> to vector<16xf32>
        %swap3A_457 = vector.shape_cast %mul3A_450 : vector<16xf32> to vector<16xf32>
        tpu.vector_store %swap3A_453[%swap3A_454], %swap3A_457 {strides = array<i32>} : memref<128xf32, #tpu.memory_space<vmem>>, vector<16xf32>,
        %get3A_458 = arith.constant 0 : i32
        %get3A_459 = tpu.memref_slice %arg7[%add3A_361, %get3A_458] : memref<200x128xf32, #tpu.memory_space<vmem>> -> memref<1x128xf32, #tpu.memory_space<vmem>>
        %get3A_460 = tpu.memref_squeeze %get3A_459 : memref<1x128xf32, #tpu.memory_space<vmem>> -> memref<128xf32, #tpu.memory_space<vmem>>
        %get3A_461 = arith.constant 96 : index
        %get3A_462 = tpu.vector_load %get3A_460[%get3A_461] {strides = array<i32>} : memref<128xf32, #tpu.memory_space<vmem>>, vector<16xf32>,
        %get3A_463 = vector.shape_cast %get3A_462 : vector<16xf32> to vector<16xf32>
        %mul3A_464 = arith.constant 11.3137083 : f32
        %mul3A_465 = vector.broadcast %mul3A_464 : f32 to vector<16xf32>
        %mul3A_466 = arith.mulf %get3A_463, %mul3A_465 : vector<16xf32>
        %swap3A_467 = arith.constant 0 : i32
        %swap3A_468 = tpu.memref_slice %arg7[%add3A_361, %swap3A_467] : memref<200x128xf32, #tpu.memory_space<vmem>> -> memref<1x128xf32, #tpu.memory_space<vmem>>
        %swap3A_469 = tpu.memref_squeeze %swap3A_468 : memref<1x128xf32, #tpu.memory_space<vmem>> -> memref<128xf32, #tpu.memory_space<vmem>>
        %swap3A_470 = arith.constant 96 : index
        %swap3A_471 = tpu.vector_load %swap3A_469[%swap3A_470] {strides = array<i32>} : memref<128xf32, #tpu.memory_space<vmem>>, vector<16xf32>,
        %swap3A_472 = vector.shape_cast %swap3A_471 : vector<16xf32> to vector<16xf32>
        %swap3A_473 = vector.shape_cast %mul3A_466 : vector<16xf32> to vector<16xf32>
        tpu.vector_store %swap3A_469[%swap3A_470], %swap3A_473 {strides = array<i32>} : memref<128xf32, #tpu.memory_space<vmem>>, vector<16xf32>,
        %get3A_474 = arith.constant 0 : i32
        %get3A_475 = tpu.memref_slice %arg7[%add3A_361, %get3A_474] : memref<200x128xf32, #tpu.memory_space<vmem>> -> memref<1x128xf32, #tpu.memory_space<vmem>>
        %get3A_476 = tpu.memref_squeeze %get3A_475 : memref<1x128xf32, #tpu.memory_space<vmem>> -> memref<128xf32, #tpu.memory_space<vmem>>
        %get3A_477 = arith.constant 112 : index
        %get3A_478 = tpu.vector_load %get3A_476[%get3A_477] {strides = array<i32>} : memref<128xf32, #tpu.memory_space<vmem>>, vector<16xf32>,
        %get3A_479 = vector.shape_cast %get3A_478 : vector<16xf32> to vector<16xf32>
        %mul3A_480 = arith.constant 11.3137083 : f32
        %mul3A_481 = vector.broadcast %mul3A_480 : f32 to vector<16xf32>
        %mul3A_482 = arith.mulf %get3A_479, %mul3A_481 : vector<16xf32>
        %swap3A_483 = arith.constant 0 : i32
        %swap3A_484 = tpu.memref_slice %arg7[%add3A_361, %swap3A_483] : memref<200x128xf32, #tpu.memory_space<vmem>> -> memref<1x128xf32, #tpu.memory_space<vmem>>
        %swap3A_485 = tpu.memref_squeeze %swap3A_484 : memref<1x128xf32, #tpu.memory_space<vmem>> -> memref<128xf32, #tpu.memory_space<vmem>>
        %swap3A_486 = arith.constant 112 : index
        %swap3A_487 = tpu.vector_load %swap3A_485[%swap3A_486] {strides = array<i32>} : memref<128xf32, #tpu.memory_space<vmem>>, vector<16xf32>,
        %swap3A_488 = vector.shape_cast %swap3A_487 : vector<16xf32> to vector<16xf32>
        %swap3A_489 = vector.shape_cast %mul3A_482 : vector<16xf32> to vector<16xf32>
        tpu.vector_store %swap3A_485[%swap3A_486], %swap3A_489 {strides = array<i32>} : memref<128xf32, #tpu.memory_space<vmem>>, vector<16xf32>,
        %add3A_490 = arith.constant 2 : i32
        %add3A_491 = arith.addi %add3A_231, %add3A_490 : i32
        %get3A_492 = arith.constant 0 : i32
        %get3A_493 = tpu.memref_slice %arg7[%add3A_491, %get3A_492] : memref<200x128xf32, #tpu.memory_space<vmem>> -> memref<1x128xf32, #tpu.memory_space<vmem>>
        %get3A_494 = tpu.memref_squeeze %get3A_493 : memref<1x128xf32, #tpu.memory_space<vmem>> -> memref<128xf32, #tpu.memory_space<vmem>>
        %get3A_495 = arith.constant 0 : index
        %get3A_496 = tpu.vector_load %get3A_494[%get3A_495] {strides = array<i32>} : memref<128xf32, #tpu.memory_space<vmem>>, vector<16xf32>,
        %get3A_497 = vector.shape_cast %get3A_496 : vector<16xf32> to vector<16xf32>
        %mul3A_498 = arith.constant 11.3137083 : f32
        %mul3A_499 = vector.broadcast %mul3A_498 : f32 to vector<16xf32>
        %mul3A_500 = arith.mulf %get3A_497, %mul3A_499 : vector<16xf32>
        %swap3A_501 = arith.constant 0 : i32
        %swap3A_502 = tpu.memref_slice %arg7[%add3A_491, %swap3A_501] : memref<200x128xf32, #tpu.memory_space<vmem>> -> memref<1x128xf32, #tpu.memory_space<vmem>>
        %swap3A_503 = tpu.memref_squeeze %swap3A_502 : memref<1x128xf32, #tpu.memory_space<vmem>> -> memref<128xf32, #tpu.memory_space<vmem>>
        %swap3A_504 = arith.constant 0 : index
        %swap3A_505 = tpu.vector_load %swap3A_503[%swap3A_504] {strides = array<i32>} : memref<128xf32, #tpu.memory_space<vmem>>, vector<16xf32>,
        %swap3A_506 = vector.shape_cast %swap3A_505 : vector<16xf32> to vector<16xf32>
        %swap3A_507 = vector.shape_cast %mul3A_500 : vector<16xf32> to vector<16xf32>
        tpu.vector_store %swap3A_503[%swap3A_504], %swap3A_507 {strides = array<i32>} : memref<128xf32, #tpu.memory_space<vmem>>, vector<16xf32>,
        %get3A_508 = arith.constant 0 : i32
        %get3A_509 = tpu.memref_slice %arg7[%add3A_491, %get3A_508] : memref<200x128xf32, #tpu.memory_space<vmem>> -> memref<1x128xf32, #tpu.memory_space<vmem>>
        %get3A_510 = tpu.memref_squeeze %get3A_509 : memref<1x128xf32, #tpu.memory_space<vmem>> -> memref<128xf32, #tpu.memory_space<vmem>>
        %get3A_511 = arith.constant 16 : index
        %get3A_512 = tpu.vector_load %get3A_510[%get3A_511] {strides = array<i32>} : memref<128xf32, #tpu.memory_space<vmem>>, vector<16xf32>,
        %get3A_513 = vector.shape_cast %get3A_512 : vector<16xf32> to vector<16xf32>
        %mul3A_514 = arith.constant 11.3137083 : f32
        %mul3A_515 = vector.broadcast %mul3A_514 : f32 to vector<16xf32>
        %mul3A_516 = arith.mulf %get3A_513, %mul3A_515 : vector<16xf32>
        %swap3A_517 = arith.constant 0 : i32
        %swap3A_518 = tpu.memref_slice %arg7[%add3A_491, %swap3A_517] : memref<200x128xf32, #tpu.memory_space<vmem>> -> memref<1x128xf32, #tpu.memory_space<vmem>>
        %swap3A_519 = tpu.memref_squeeze %swap3A_518 : memref<1x128xf32, #tpu.memory_space<vmem>> -> memref<128xf32, #tpu.memory_space<vmem>>
        %swap3A_520 = arith.constant 16 : index
        %swap3A_521 = tpu.vector_load %swap3A_519[%swap3A_520] {strides = array<i32>} : memref<128xf32, #tpu.memory_space<vmem>>, vector<16xf32>,
        %swap3A_522 = vector.shape_cast %swap3A_521 : vector<16xf32> to vector<16xf32>
        %swap3A_523 = vector.shape_cast %mul3A_516 : vector<16xf32> to vector<16xf32>
        tpu.vector_store %swap3A_519[%swap3A_520], %swap3A_523 {strides = array<i32>} : memref<128xf32, #tpu.memory_space<vmem>>, vector<16xf32>,
        %get3A_524 = arith.constant 0 : i32
        %get3A_525 = tpu.memref_slice %arg7[%add3A_491, %get3A_524] : memref<200x128xf32, #tpu.memory_space<vmem>> -> memref<1x128xf32, #tpu.memory_space<vmem>>
        %get3A_526 = tpu.memref_squeeze %get3A_525 : memref<1x128xf32, #tpu.memory_space<vmem>> -> memref<128xf32, #tpu.memory_space<vmem>>
        %get3A_527 = arith.constant 32 : index
        %get3A_528 = tpu.vector_load %get3A_526[%get3A_527] {strides = array<i32>} : memref<128xf32, #tpu.memory_space<vmem>>, vector<16xf32>,
        %get3A_529 = vector.shape_cast %get3A_528 : vector<16xf32> to vector<16xf32>
        %mul3A_530 = arith.constant 11.3137083 : f32
        %mul3A_531 = vector.broadcast %mul3A_530 : f32 to vector<16xf32>
        %mul3A_532 = arith.mulf %get3A_529, %mul3A_531 : vector<16xf32>
        %swap3A_533 = arith.constant 0 : i32
        %swap3A_534 = tpu.memref_slice %arg7[%add3A_491, %swap3A_533] : memref<200x128xf32, #tpu.memory_space<vmem>> -> memref<1x128xf32, #tpu.memory_space<vmem>>
        %swap3A_535 = tpu.memref_squeeze %swap3A_534 : memref<1x128xf32, #tpu.memory_space<vmem>> -> memref<128xf32, #tpu.memory_space<vmem>>
        %swap3A_536 = arith.constant 32 : index
        %swap3A_537 = tpu.vector_load %swap3A_535[%swap3A_536] {strides = array<i32>} : memref<128xf32, #tpu.memory_space<vmem>>, vector<16xf32>,
        %swap3A_538 = vector.shape_cast %swap3A_537 : vector<16xf32> to vector<16xf32>
        %swap3A_539 = vector.shape_cast %mul3A_532 : vector<16xf32> to vector<16xf32>
        tpu.vector_store %swap3A_535[%swap3A_536], %swap3A_539 {strides = array<i32>} : memref<128xf32, #tpu.memory_space<vmem>>, vector<16xf32>,
        %get3A_540 = arith.constant 0 : i32
        %get3A_541 = tpu.memref_slice %arg7[%add3A_491, %get3A_540] : memref<200x128xf32, #tpu.memory_space<vmem>> -> memref<1x128xf32, #tpu.memory_space<vmem>>
        %get3A_542 = tpu.memref_squeeze %get3A_541 : memref<1x128xf32, #tpu.memory_space<vmem>> -> memref<128xf32, #tpu.memory_space<vmem>>
        %get3A_543 = arith.constant 48 : index
        %get3A_544 = tpu.vector_load %get3A_542[%get3A_543] {strides = array<i32>} : memref<128xf32, #tpu.memory_space<vmem>>, vector<16xf32>,
        %get3A_545 = vector.shape_cast %get3A_544 : vector<16xf32> to vector<16xf32>
        %mul3A_546 = arith.constant 11.3137083 : f32
        %mul3A_547 = vector.broadcast %mul3A_546 : f32 to vector<16xf32>
        %mul3A_548 = arith.mulf %get3A_545, %mul3A_547 : vector<16xf32>
        %swap3A_549 = arith.constant 0 : i32
        %swap3A_550 = tpu.memref_slice %arg7[%add3A_491, %swap3A_549] : memref<200x128xf32, #tpu.memory_space<vmem>> -> memref<1x128xf32, #tpu.memory_space<vmem>>
        %swap3A_551 = tpu.memref_squeeze %swap3A_550 : memref<1x128xf32, #tpu.memory_space<vmem>> -> memref<128xf32, #tpu.memory_space<vmem>>
        %swap3A_552 = arith.constant 48 : index
        %swap3A_553 = tpu.vector_load %swap3A_551[%swap3A_552] {strides = array<i32>} : memref<128xf32, #tpu.memory_space<vmem>>, vector<16xf32>,
        %swap3A_554 = vector.shape_cast %swap3A_553 : vector<16xf32> to vector<16xf32>
        %swap3A_555 = vector.shape_cast %mul3A_548 : vector<16xf32> to vector<16xf32>
        tpu.vector_store %swap3A_551[%swap3A_552], %swap3A_555 {strides = array<i32>} : memref<128xf32, #tpu.memory_space<vmem>>, vector<16xf32>,
        %get3A_556 = arith.constant 0 : i32
        %get3A_557 = tpu.memref_slice %arg7[%add3A_491, %get3A_556] : memref<200x128xf32, #tpu.memory_space<vmem>> -> memref<1x128xf32, #tpu.memory_space<vmem>>
        %get3A_558 = tpu.memref_squeeze %get3A_557 : memref<1x128xf32, #tpu.memory_space<vmem>> -> memref<128xf32, #tpu.memory_space<vmem>>
        %get3A_559 = arith.constant 64 : index
        %get3A_560 = tpu.vector_load %get3A_558[%get3A_559] {strides = array<i32>} : memref<128xf32, #tpu.memory_space<vmem>>, vector<16xf32>,
        %get3A_561 = vector.shape_cast %get3A_560 : vector<16xf32> to vector<16xf32>
        %mul3A_562 = arith.constant 11.3137083 : f32
        %mul3A_563 = vector.broadcast %mul3A_562 : f32 to vector<16xf32>
        %mul3A_564 = arith.mulf %get3A_561, %mul3A_563 : vector<16xf32>
        %swap3A_565 = arith.constant 0 : i32
        %swap3A_566 = tpu.memref_slice %arg7[%add3A_491, %swap3A_565] : memref<200x128xf32, #tpu.memory_space<vmem>> -> memref<1x128xf32, #tpu.memory_space<vmem>>
        %swap3A_567 = tpu.memref_squeeze %swap3A_566 : memref<1x128xf32, #tpu.memory_space<vmem>> -> memref<128xf32, #tpu.memory_space<vmem>>
        %swap3A_568 = arith.constant 64 : index
        %swap3A_569 = tpu.vector_load %swap3A_567[%swap3A_568] {strides = array<i32>} : memref<128xf32, #tpu.memory_space<vmem>>, vector<16xf32>,
        %swap3A_570 = vector.shape_cast %swap3A_569 : vector<16xf32> to vector<16xf32>
        %swap3A_571 = vector.shape_cast %mul3A_564 : vector<16xf32> to vector<16xf32>
        tpu.vector_store %swap3A_567[%swap3A_568], %swap3A_571 {strides = array<i32>} : memref<128xf32, #tpu.memory_space<vmem>>, vector<16xf32>,
        %get3A_572 = arith.constant 0 : i32
        %get3A_573 = tpu.memref_slice %arg7[%add3A_491, %get3A_572] : memref<200x128xf32, #tpu.memory_space<vmem>> -> memref<1x128xf32, #tpu.memory_space<vmem>>
        %get3A_574 = tpu.memref_squeeze %get3A_573 : memref<1x128xf32, #tpu.memory_space<vmem>> -> memref<128xf32, #tpu.memory_space<vmem>>
        %get3A_575 = arith.constant 80 : index
        %get3A_576 = tpu.vector_load %get3A_574[%get3A_575] {strides = array<i32>} : memref<128xf32, #tpu.memory_space<vmem>>, vector<16xf32>,
        %get3A_577 = vector.shape_cast %get3A_576 : vector<16xf32> to vector<16xf32>
        %mul3A_578 = arith.constant 11.3137083 : f32
        %mul3A_579 = vector.broadcast %mul3A_578 : f32 to vector<16xf32>
        %mul3A_580 = arith.mulf %get3A_577, %mul3A_579 : vector<16xf32>
        %swap3A_581 = arith.constant 0 : i32
        %swap3A_582 = tpu.memref_slice %arg7[%add3A_491, %swap3A_581] : memref<200x128xf32, #tpu.memory_space<vmem>> -> memref<1x128xf32, #tpu.memory_space<vmem>>
        %swap3A_583 = tpu.memref_squeeze %swap3A_582 : memref<1x128xf32, #tpu.memory_space<vmem>> -> memref<128xf32, #tpu.memory_space<vmem>>
        %swap3A_584 = arith.constant 80 : index
        %swap3A_585 = tpu.vector_load %swap3A_583[%swap3A_584] {strides = array<i32>} : memref<128xf32, #tpu.memory_space<vmem>>, vector<16xf32>,
        %swap3A_586 = vector.shape_cast %swap3A_585 : vector<16xf32> to vector<16xf32>
        %swap3A_587 = vector.shape_cast %mul3A_580 : vector<16xf32> to vector<16xf32>
        tpu.vector_store %swap3A_583[%swap3A_584], %swap3A_587 {strides = array<i32>} : memref<128xf32, #tpu.memory_space<vmem>>, vector<16xf32>,
        %get3A_588 = arith.constant 0 : i32
        %get3A_589 = tpu.memref_slice %arg7[%add3A_491, %get3A_588] : memref<200x128xf32, #tpu.memory_space<vmem>> -> memref<1x128xf32, #tpu.memory_space<vmem>>
        %get3A_590 = tpu.memref_squeeze %get3A_589 : memref<1x128xf32, #tpu.memory_space<vmem>> -> memref<128xf32, #tpu.memory_space<vmem>>
        %get3A_591 = arith.constant 96 : index
        %get3A_592 = tpu.vector_load %get3A_590[%get3A_591] {strides = array<i32>} : memref<128xf32, #tpu.memory_space<vmem>>, vector<16xf32>,
        %get3A_593 = vector.shape_cast %get3A_592 : vector<16xf32> to vector<16xf32>
        %mul3A_594 = arith.constant 11.3137083 : f32
        %mul3A_595 = vector.broadcast %mul3A_594 : f32 to vector<16xf32>
        %mul3A_596 = arith.mulf %get3A_593, %mul3A_595 : vector<16xf32>
        %swap3A_597 = arith.constant 0 : i32
        %swap3A_598 = tpu.memref_slice %arg7[%add3A_491, %swap3A_597] : memref<200x128xf32, #tpu.memory_space<vmem>> -> memref<1x128xf32, #tpu.memory_space<vmem>>
        %swap3A_599 = tpu.memref_squeeze %swap3A_598 : memref<1x128xf32, #tpu.memory_space<vmem>> -> memref<128xf32, #tpu.memory_space<vmem>>
        %swap3A_600 = arith.constant 96 : index
        %swap3A_601 = tpu.vector_load %swap3A_599[%swap3A_600] {strides = array<i32>} : memref<128xf32, #tpu.memory_space<vmem>>, vector<16xf32>,
        %swap3A_602 = vector.shape_cast %swap3A_601 : vector<16xf32> to vector<16xf32>
        %swap3A_603 = vector.shape_cast %mul3A_596 : vector<16xf32> to vector<16xf32>
        tpu.vector_store %swap3A_599[%swap3A_600], %swap3A_603 {strides = array<i32>} : memref<128xf32, #tpu.memory_space<vmem>>, vector<16xf32>,
        %get3A_604 = arith.constant 0 : i32
        %get3A_605 = tpu.memref_slice %arg7[%add3A_491, %get3A_604] : memref<200x128xf32, #tpu.memory_space<vmem>> -> memref<1x128xf32, #tpu.memory_space<vmem>>
        %get3A_606 = tpu.memref_squeeze %get3A_605 : memref<1x128xf32, #tpu.memory_space<vmem>> -> memref<128xf32, #tpu.memory_space<vmem>>
        %get3A_607 = arith.constant 112 : index
        %get3A_608 = tpu.vector_load %get3A_606[%get3A_607] {strides = array<i32>} : memref<128xf32, #tpu.memory_space<vmem>>, vector<16xf32>,
        %get3A_609 = vector.shape_cast %get3A_608 : vector<16xf32> to vector<16xf32>
        %mul3A_610 = arith.constant 11.3137083 : f32
        %mul3A_611 = vector.broadcast %mul3A_610 : f32 to vector<16xf32>
        %mul3A_612 = arith.mulf %get3A_609, %mul3A_611 : vector<16xf32>
        %swap3A_613 = arith.constant 0 : i32
        %swap3A_614 = tpu.memref_slice %arg7[%add3A_491, %swap3A_613] : memref<200x128xf32, #tpu.memory_space<vmem>> -> memref<1x128xf32, #tpu.memory_space<vmem>>
        %swap3A_615 = tpu.memref_squeeze %swap3A_614 : memref<1x128xf32, #tpu.memory_space<vmem>> -> memref<128xf32, #tpu.memory_space<vmem>>
        %swap3A_616 = arith.constant 112 : index
        %swap3A_617 = tpu.vector_load %swap3A_615[%swap3A_616] {strides = array<i32>} : memref<128xf32, #tpu.memory_space<vmem>>, vector<16xf32>,
        %swap3A_618 = vector.shape_cast %swap3A_617 : vector<16xf32> to vector<16xf32>
        %swap3A_619 = vector.shape_cast %mul3A_612 : vector<16xf32> to vector<16xf32>
        tpu.vector_store %swap3A_615[%swap3A_616], %swap3A_619 {strides = array<i32>} : memref<128xf32, #tpu.memory_space<vmem>>, vector<16xf32>,
        %add3A_620 = arith.constant 3 : i32
        %add3A_621 = arith.addi %add3A_231, %add3A_620 : i32
        %get3A_622 = arith.constant 0 : i32
        %get3A_623 = tpu.memref_slice %arg7[%add3A_621, %get3A_622] : memref<200x128xf32, #tpu.memory_space<vmem>> -> memref<1x128xf32, #tpu.memory_space<vmem>>
        %get3A_624 = tpu.memref_squeeze %get3A_623 : memref<1x128xf32, #tpu.memory_space<vmem>> -> memref<128xf32, #tpu.memory_space<vmem>>
        %get3A_625 = arith.constant 0 : index
        %get3A_626 = tpu.vector_load %get3A_624[%get3A_625] {strides = array<i32>} : memref<128xf32, #tpu.memory_space<vmem>>, vector<16xf32>,
        %get3A_627 = vector.shape_cast %get3A_626 : vector<16xf32> to vector<16xf32>
        %mul3A_628 = arith.constant 11.3137083 : f32
        %mul3A_629 = vector.broadcast %mul3A_628 : f32 to vector<16xf32>
        %mul3A_630 = arith.mulf %get3A_627, %mul3A_629 : vector<16xf32>
        %swap3A_631 = arith.constant 0 : i32
        %swap3A_632 = tpu.memref_slice %arg7[%add3A_621, %swap3A_631] : memref<200x128xf32, #tpu.memory_space<vmem>> -> memref<1x128xf32, #tpu.memory_space<vmem>>
        %swap3A_633 = tpu.memref_squeeze %swap3A_632 : memref<1x128xf32, #tpu.memory_space<vmem>> -> memref<128xf32, #tpu.memory_space<vmem>>
        %swap3A_634 = arith.constant 0 : index
        %swap3A_635 = tpu.vector_load %swap3A_633[%swap3A_634] {strides = array<i32>} : memref<128xf32, #tpu.memory_space<vmem>>, vector<16xf32>,
        %swap3A_636 = vector.shape_cast %swap3A_635 : vector<16xf32> to vector<16xf32>
        %swap3A_637 = vector.shape_cast %mul3A_630 : vector<16xf32> to vector<16xf32>
        tpu.vector_store %swap3A_633[%swap3A_634], %swap3A_637 {strides = array<i32>} : memref<128xf32, #tpu.memory_space<vmem>>, vector<16xf32>,
        %get3A_638 = arith.constant 0 : i32
        %get3A_639 = tpu.memref_slice %arg7[%add3A_621, %get3A_638] : memref<200x128xf32, #tpu.memory_space<vmem>> -> memref<1x128xf32, #tpu.memory_space<vmem>>
        %get3A_640 = tpu.memref_squeeze %get3A_639 : memref<1x128xf32, #tpu.memory_space<vmem>> -> memref<128xf32, #tpu.memory_space<vmem>>
        %get3A_641 = arith.constant 16 : index
        %get3A_642 = tpu.vector_load %get3A_640[%get3A_641] {strides = array<i32>} : memref<128xf32, #tpu.memory_space<vmem>>, vector<16xf32>,
        %get3A_643 = vector.shape_cast %get3A_642 : vector<16xf32> to vector<16xf32>
        %mul3A_644 = arith.constant 11.3137083 : f32
        %mul3A_645 = vector.broadcast %mul3A_644 : f32 to vector<16xf32>
        %mul3A_646 = arith.mulf %get3A_643, %mul3A_645 : vector<16xf32>
        %swap3A_647 = arith.constant 0 : i32
        %swap3A_648 = tpu.memref_slice %arg7[%add3A_621, %swap3A_647] : memref<200x128xf32, #tpu.memory_space<vmem>> -> memref<1x128xf32, #tpu.memory_space<vmem>>
        %swap3A_649 = tpu.memref_squeeze %swap3A_648 : memref<1x128xf32, #tpu.memory_space<vmem>> -> memref<128xf32, #tpu.memory_space<vmem>>
        %swap3A_650 = arith.constant 16 : index
        %swap3A_651 = tpu.vector_load %swap3A_649[%swap3A_650] {strides = array<i32>} : memref<128xf32, #tpu.memory_space<vmem>>, vector<16xf32>,
        %swap3A_652 = vector.shape_cast %swap3A_651 : vector<16xf32> to vector<16xf32>
        %swap3A_653 = vector.shape_cast %mul3A_646 : vector<16xf32> to vector<16xf32>
        tpu.vector_store %swap3A_649[%swap3A_650], %swap3A_653 {strides = array<i32>} : memref<128xf32, #tpu.memory_space<vmem>>, vector<16xf32>,
        %get3A_654 = arith.constant 0 : i32
        %get3A_655 = tpu.memref_slice %arg7[%add3A_621, %get3A_654] : memref<200x128xf32, #tpu.memory_space<vmem>> -> memref<1x128xf32, #tpu.memory_space<vmem>>
        %get3A_656 = tpu.memref_squeeze %get3A_655 : memref<1x128xf32, #tpu.memory_space<vmem>> -> memref<128xf32, #tpu.memory_space<vmem>>
        %get3A_657 = arith.constant 32 : index
        %get3A_658 = tpu.vector_load %get3A_656[%get3A_657] {strides = array<i32>} : memref<128xf32, #tpu.memory_space<vmem>>, vector<16xf32>,
        %get3A_659 = vector.shape_cast %get3A_658 : vector<16xf32> to vector<16xf32>
        %mul3A_660 = arith.constant 11.3137083 : f32
        %mul3A_661 = vector.broadcast %mul3A_660 : f32 to vector<16xf32>
        %mul3A_662 = arith.mulf %get3A_659, %mul3A_661 : vector<16xf32>
        %swap3A_663 = arith.constant 0 : i32
        %swap3A_664 = tpu.memref_slice %arg7[%add3A_621, %swap3A_663] : memref<200x128xf32, #tpu.memory_space<vmem>> -> memref<1x128xf32, #tpu.memory_space<vmem>>
        %swap3A_665 = tpu.memref_squeeze %swap3A_664 : memref<1x128xf32, #tpu.memory_space<vmem>> -> memref<128xf32, #tpu.memory_space<vmem>>
        %swap3A_666 = arith.constant 32 : index
        %swap3A_667 = tpu.vector_load %swap3A_665[%swap3A_666] {strides = array<i32>} : memref<128xf32, #tpu.memory_space<vmem>>, vector<16xf32>,
        %swap3A_668 = vector.shape_cast %swap3A_667 : vector<16xf32> to vector<16xf32>
        %swap3A_669 = vector.shape_cast %mul3A_662 : vector<16xf32> to vector<16xf32>
        tpu.vector_store %swap3A_665[%swap3A_666], %swap3A_669 {strides = array<i32>} : memref<128xf32, #tpu.memory_space<vmem>>, vector<16xf32>,
        %get3A_670 = arith.constant 0 : i32
        %get3A_671 = tpu.memref_slice %arg7[%add3A_621, %get3A_670] : memref<200x128xf32, #tpu.memory_space<vmem>> -> memref<1x128xf32, #tpu.memory_space<vmem>>
        %get3A_672 = tpu.memref_squeeze %get3A_671 : memref<1x128xf32, #tpu.memory_space<vmem>> -> memref<128xf32, #tpu.memory_space<vmem>>
        %get3A_673 = arith.constant 48 : index
        %get3A_674 = tpu.vector_load %get3A_672[%get3A_673] {strides = array<i32>} : memref<128xf32, #tpu.memory_space<vmem>>, vector<16xf32>,
        %get3A_675 = vector.shape_cast %get3A_674 : vector<16xf32> to vector<16xf32>
        %mul3A_676 = arith.constant 11.3137083 : f32
        %mul3A_677 = vector.broadcast %mul3A_676 : f32 to vector<16xf32>
        %mul3A_678 = arith.mulf %get3A_675, %mul3A_677 : vector<16xf32>
        %swap3A_679 = arith.constant 0 : i32
        %swap3A_680 = tpu.memref_slice %arg7[%add3A_621, %swap3A_679] : memref<200x128xf32, #tpu.memory_space<vmem>> -> memref<1x128xf32, #tpu.memory_space<vmem>>
        %swap3A_681 = tpu.memref_squeeze %swap3A_680 : memref<1x128xf32, #tpu.memory_space<vmem>> -> memref<128xf32, #tpu.memory_space<vmem>>
        %swap3A_682 = arith.constant 48 : index
        %swap3A_683 = tpu.vector_load %swap3A_681[%swap3A_682] {strides = array<i32>} : memref<128xf32, #tpu.memory_space<vmem>>, vector<16xf32>,
        %swap3A_684 = vector.shape_cast %swap3A_683 : vector<16xf32> to vector<16xf32>
        %swap3A_685 = vector.shape_cast %mul3A_678 : vector<16xf32> to vector<16xf32>
        tpu.vector_store %swap3A_681[%swap3A_682], %swap3A_685 {strides = array<i32>} : memref<128xf32, #tpu.memory_space<vmem>>, vector<16xf32>,
        %get3A_686 = arith.constant 0 : i32
        %get3A_687 = tpu.memref_slice %arg7[%add3A_621, %get3A_686] : memref<200x128xf32, #tpu.memory_space<vmem>> -> memref<1x128xf32, #tpu.memory_space<vmem>>
        %get3A_688 = tpu.memref_squeeze %get3A_687 : memref<1x128xf32, #tpu.memory_space<vmem>> -> memref<128xf32, #tpu.memory_space<vmem>>
        %get3A_689 = arith.constant 64 : index
        %get3A_690 = tpu.vector_load %get3A_688[%get3A_689] {strides = array<i32>} : memref<128xf32, #tpu.memory_space<vmem>>, vector<16xf32>,
        %get3A_691 = vector.shape_cast %get3A_690 : vector<16xf32> to vector<16xf32>
        %mul3A_692 = arith.constant 11.3137083 : f32
        %mul3A_693 = vector.broadcast %mul3A_692 : f32 to vector<16xf32>
        %mul3A_694 = arith.mulf %get3A_691, %mul3A_693 : vector<16xf32>
        %swap3A_695 = arith.constant 0 : i32
        %swap3A_696 = tpu.memref_slice %arg7[%add3A_621, %swap3A_695] : memref<200x128xf32, #tpu.memory_space<vmem>> -> memref<1x128xf32, #tpu.memory_space<vmem>>
        %swap3A_697 = tpu.memref_squeeze %swap3A_696 : memref<1x128xf32, #tpu.memory_space<vmem>> -> memref<128xf32, #tpu.memory_space<vmem>>
        %swap3A_698 = arith.constant 64 : index
        %swap3A_699 = tpu.vector_load %swap3A_697[%swap3A_698] {strides = array<i32>} : memref<128xf32, #tpu.memory_space<vmem>>, vector<16xf32>,
        %swap3A_700 = vector.shape_cast %swap3A_699 : vector<16xf32> to vector<16xf32>
        %swap3A_701 = vector.shape_cast %mul3A_694 : vector<16xf32> to vector<16xf32>
        tpu.vector_store %swap3A_697[%swap3A_698], %swap3A_701 {strides = array<i32>} : memref<128xf32, #tpu.memory_space<vmem>>, vector<16xf32>,
        %get3A_702 = arith.constant 0 : i32
        %get3A_703 = tpu.memref_slice %arg7[%add3A_621, %get3A_702] : memref<200x128xf32, #tpu.memory_space<vmem>> -> memref<1x128xf32, #tpu.memory_space<vmem>>
        %get3A_704 = tpu.memref_squeeze %get3A_703 : memref<1x128xf32, #tpu.memory_space<vmem>> -> memref<128xf32, #tpu.memory_space<vmem>>
        %get3A_705 = arith.constant 80 : index
        %get3A_706 = tpu.vector_load %get3A_704[%get3A_705] {strides = array<i32>} : memref<128xf32, #tpu.memory_space<vmem>>, vector<16xf32>,
        %get3A_707 = vector.shape_cast %get3A_706 : vector<16xf32> to vector<16xf32>
        %mul3A_708 = arith.constant 11.3137083 : f32
        %mul3A_709 = vector.broadcast %mul3A_708 : f32 to vector<16xf32>
        %mul3A_710 = arith.mulf %get3A_707, %mul3A_709 : vector<16xf32>
        %swap3A_711 = arith.constant 0 : i32
        %swap3A_712 = tpu.memref_slice %arg7[%add3A_621, %swap3A_711] : memref<200x128xf32, #tpu.memory_space<vmem>> -> memref<1x128xf32, #tpu.memory_space<vmem>>
        %swap3A_713 = tpu.memref_squeeze %swap3A_712 : memref<1x128xf32, #tpu.memory_space<vmem>> -> memref<128xf32, #tpu.memory_space<vmem>>
        %swap3A_714 = arith.constant 80 : index
        %swap3A_715 = tpu.vector_load %swap3A_713[%swap3A_714] {strides = array<i32>} : memref<128xf32, #tpu.memory_space<vmem>>, vector<16xf32>,
        %swap3A_716 = vector.shape_cast %swap3A_715 : vector<16xf32> to vector<16xf32>
        %swap3A_717 = vector.shape_cast %mul3A_710 : vector<16xf32> to vector<16xf32>
        tpu.vector_store %swap3A_713[%swap3A_714], %swap3A_717 {strides = array<i32>} : memref<128xf32, #tpu.memory_space<vmem>>, vector<16xf32>,
        %get3A_718 = arith.constant 0 : i32
        %get3A_719 = tpu.memref_slice %arg7[%add3A_621, %get3A_718] : memref<200x128xf32, #tpu.memory_space<vmem>> -> memref<1x128xf32, #tpu.memory_space<vmem>>
        %get3A_720 = tpu.memref_squeeze %get3A_719 : memref<1x128xf32, #tpu.memory_space<vmem>> -> memref<128xf32, #tpu.memory_space<vmem>>
        %get3A_721 = arith.constant 96 : index
        %get3A_722 = tpu.vector_load %get3A_720[%get3A_721] {strides = array<i32>} : memref<128xf32, #tpu.memory_space<vmem>>, vector<16xf32>,
        %get3A_723 = vector.shape_cast %get3A_722 : vector<16xf32> to vector<16xf32>
        %mul3A_724 = arith.constant 11.3137083 : f32
        %mul3A_725 = vector.broadcast %mul3A_724 : f32 to vector<16xf32>
        %mul3A_726 = arith.mulf %get3A_723, %mul3A_725 : vector<16xf32>
        %swap3A_727 = arith.constant 0 : i32
        %swap3A_728 = tpu.memref_slice %arg7[%add3A_621, %swap3A_727] : memref<200x128xf32, #tpu.memory_space<vmem>> -> memref<1x128xf32, #tpu.memory_space<vmem>>
        %swap3A_729 = tpu.memref_squeeze %swap3A_728 : memref<1x128xf32, #tpu.memory_space<vmem>> -> memref<128xf32, #tpu.memory_space<vmem>>
        %swap3A_730 = arith.constant 96 : index
        %swap3A_731 = tpu.vector_load %swap3A_729[%swap3A_730] {strides = array<i32>} : memref<128xf32, #tpu.memory_space<vmem>>, vector<16xf32>,
        %swap3A_732 = vector.shape_cast %swap3A_731 : vector<16xf32> to vector<16xf32>
        %swap3A_733 = vector.shape_cast %mul3A_726 : vector<16xf32> to vector<16xf32>
        tpu.vector_store %swap3A_729[%swap3A_730], %swap3A_733 {strides = array<i32>} : memref<128xf32, #tpu.memory_space<vmem>>, vector<16xf32>,
        %get3A_734 = arith.constant 0 : i32
        %get3A_735 = tpu.memref_slice %arg7[%add3A_621, %get3A_734] : memref<200x128xf32, #tpu.memory_space<vmem>> -> memref<1x128xf32, #tpu.memory_space<vmem>>
        %get3A_736 = tpu.memref_squeeze %get3A_735 : memref<1x128xf32, #tpu.memory_space<vmem>> -> memref<128xf32, #tpu.memory_space<vmem>>
        %get3A_737 = arith.constant 112 : index
        %get3A_738 = tpu.vector_load %get3A_736[%get3A_737] {strides = array<i32>} : memref<128xf32, #tpu.memory_space<vmem>>, vector<16xf32>,
        %get3A_739 = vector.shape_cast %get3A_738 : vector<16xf32> to vector<16xf32>
        %mul3A_740 = arith.constant 11.3137083 : f32
        %mul3A_741 = vector.broadcast %mul3A_740 : f32 to vector<16xf32>
        %mul3A_742 = arith.mulf %get3A_739, %mul3A_741 : vector<16xf32>
        %swap3A_743 = arith.constant 0 : i32
        %swap3A_744 = tpu.memref_slice %arg7[%add3A_621, %swap3A_743] : memref<200x128xf32, #tpu.memory_space<vmem>> -> memref<1x128xf32, #tpu.memory_space<vmem>>
        %swap3A_745 = tpu.memref_squeeze %swap3A_744 : memref<1x128xf32, #tpu.memory_space<vmem>> -> memref<128xf32, #tpu.memory_space<vmem>>
        %swap3A_746 = arith.constant 112 : index
        %swap3A_747 = tpu.vector_load %swap3A_745[%swap3A_746] {strides = array<i32>} : memref<128xf32, #tpu.memory_space<vmem>>, vector<16xf32>,
        %swap3A_748 = vector.shape_cast %swap3A_747 : vector<16xf32> to vector<16xf32>
        %swap3A_749 = vector.shape_cast %mul3A_742 : vector<16xf32> to vector<16xf32>
        tpu.vector_store %swap3A_745[%swap3A_746], %swap3A_749 {strides = array<i32>} : memref<128xf32, #tpu.memory_space<vmem>>, vector<16xf32>,
      }
      %scan3A_141 = arith.constant 50 : i32
      %add3A_142 = arith.addi %mul3A_2, %add3A_111 : i32
      %mul3A_143 = arith.constant 200 : i32
      %mul3A_144 = arith.muli %add3A_142, %mul3A_143 : i32
      %dma_start3A_145 = arith.constant 0 : i32
      %dma_start3A_146 = tpu.memref_slice %arg4[%mul3A_144, %dma_start3A_145] : memref<204800x128xf32, #tpu.memory_space<hbm>> -> memref<200x128xf32, #tpu.memory_space<hbm>>
      %dma_start3A_147 = arith.constant 0 : i32
      %dma_start3A_148 = tpu.memref_slice %arg4[%mul3A_144, %dma_start3A_147] : memref<204800x128xf32, #tpu.memory_space<hbm>> -> memref<200x128xf32, #tpu.memory_space<hbm>>
      tpu.enqueue_dma source(%arg7 : memref<200x128xf32, #tpu.memory_space<vmem>>) target(%dma_start3A_148 : memref<200x128xf32, #tpu.memory_space<hbm>>) target_semaphore(%arg15 : memref<!tpu.dma_semaphore, #tpu.memory_space<semaphore_mem>>)
      %add3A_149 = arith.constant 2 : i32
      %add3A_150 = arith.addi %add3A_73, %add3A_149 : i32
      %add3A_151 = arith.constant 2 : i32
      %add3A_152 = arith.addi %add3A_150, %add3A_151 : i32
      %lt3A_153 = arith.constant 32 : i32
      %lt3A_154 = arith.cmpi slt, %add3A_152, %lt3A_153 : i32
      %convert_element_type3A_155 = arith.extui %lt3A_154 : i1 to i32
      %cond3A_156 = arith.constant 0 : i32
      %cond3A_157 = arith.cmpi ne, %convert_element_type3A_155, %cond3A_156 : i32
      scf.if %cond3A_157 {
        %ge3A = arith.constant 4 : i32
        %ge3A_227 = arith.cmpi sge, %add3A_152, %ge3A : i32
        %convert_element_type3A_228 = arith.extui %ge3A_227 : i1 to i32
        %cond3A_229 = arith.constant 0 : i32
        %cond3A_230 = arith.cmpi ne, %convert_element_type3A_228, %cond3A_229 : i32
        scf.if %cond3A_230 {
          %dma_wait3A_249 = arith.constant 0 : i32
          %dma_wait3A_250 = arith.constant 0 : i32
          %dma_wait3A_251 = tpu.memref_slice %arg4[%dma_wait3A_249, %dma_wait3A_250] : memref<204800x128xf32, #tpu.memory_space<hbm>> -> memref<200x128xf32, #tpu.memory_space<hbm>>
          %dma_wait3A_252 = arith.constant 0 : i32
          %dma_wait3A_253 = arith.constant 0 : i32
          %dma_wait3A_254 = tpu.memref_slice %arg4[%dma_wait3A_252, %dma_wait3A_253] : memref<204800x128xf32, #tpu.memory_space<hbm>> -> memref<200x128xf32, #tpu.memory_space<hbm>>
          tpu.wait_dma2 semaphore(%arg14 : memref<!tpu.dma_semaphore, #tpu.memory_space<semaphore_mem>>) src(%arg6 : memref<200x128xf32, #tpu.memory_space<vmem>>) dst(%dma_wait3A_254 : memref<200x128xf32, #tpu.memory_space<hbm>>)
        } else {
        }
        %dma_start3A_231 = arith.constant 0 : i32
        %dma_start3A_232 = arith.constant 0 : i32
        %dma_start3A_233 = tpu.memref_slice %arg6[%dma_start3A_231, %dma_start3A_232] : memref<200x128xf32, #tpu.memory_space<vmem>> -> memref<128x128xf32, #tpu.memory_space<vmem>>
        %dma_start3A_234 = arith.constant 0 : i32
        %dma_start3A_235 = tpu.memref_slice %arg5[%add3A_152, %dma_start3A_234] : memref<32x200xi32, #tpu.memory_space<vmem>> -> memref<1x128xi32, #tpu.memory_space<vmem>>
        %dma_start3A_236 = tpu.memref_squeeze %dma_start3A_235 : memref<1x128xi32, #tpu.memory_space<vmem>> -> memref<128xi32, #tpu.memory_space<vmem>>
        %dma_start3A_237 = arith.constant 0 : i32
        %dma_start3A_238 = arith.constant 0 : i32
        %dma_start3A_239 = tpu.memref_slice %arg2[%dma_start3A_237, %dma_start3A_238] : memref<1000000x128xf32, #tpu.memory_space<hbm>> -> memref<1000000x128xf32, #tpu.memory_space<hbm>>
        tpu.enqueue_indirect_dma source(%dma_start3A_239 : memref<1000000x128xf32, #tpu.memory_space<hbm>>) target(%dma_start3A_233 : memref<128x128xf32, #tpu.memory_space<vmem>>) offsets(%dma_start3A_236 : memref<128xi32, #tpu.memory_space<vmem>>) semaphore(%arg10 : memref<!tpu.dma_semaphore, #tpu.memory_space<semaphore_mem>>)
        %dma_start3A_240 = arith.constant 128 : i32
        %dma_start3A_241 = arith.constant 0 : i32
        %dma_start3A_242 = tpu.memref_slice %arg6[%dma_start3A_240, %dma_start3A_241] : memref<200x128xf32, #tpu.memory_space<vmem>> -> memref<72x128xf32, #tpu.memory_space<vmem>>
        %dma_start3A_243 = arith.constant 128 : i32
        %dma_start3A_244 = tpu.memref_slice %arg5[%add3A_152, %dma_start3A_243] : memref<32x200xi32, #tpu.memory_space<vmem>> -> memref<1x72xi32, #tpu.memory_space<vmem>>
        %dma_start3A_245 = tpu.memref_squeeze %dma_start3A_244 : memref<1x72xi32, #tpu.memory_space<vmem>> -> memref<72xi32, #tpu.memory_space<vmem>>
        %dma_start3A_246 = arith.constant 0 : i32
        %dma_start3A_247 = arith.constant 0 : i32
        %dma_start3A_248 = tpu.memref_slice %arg2[%dma_start3A_246, %dma_start3A_247] : memref<1000000x128xf32, #tpu.memory_space<hbm>> -> memref<1000000x128xf32, #tpu.memory_space<hbm>>
        tpu.enqueue_indirect_dma source(%dma_start3A_248 : memref<1000000x128xf32, #tpu.memory_space<hbm>>) target(%dma_start3A_242 : memref<72x128xf32, #tpu.memory_space<vmem>>) offsets(%dma_start3A_245 : memref<72xi32, #tpu.memory_space<vmem>>) semaphore(%arg10 : memref<!tpu.dma_semaphore, #tpu.memory_space<semaphore_mem>>)
      } else {
      }
      %dma_wait3A_158 = arith.constant 0 : i32
      %dma_wait3A_159 = arith.constant 0 : i32
      %dma_wait3A_160 = tpu.memref_slice %arg8[%dma_wait3A_158, %dma_wait3A_159] : memref<200x128xf32, #tpu.memory_space<vmem>> -> memref<128x128xf32, #tpu.memory_space<vmem>>
      %dma_wait3A_161 = arith.constant 0 : i32
      %dma_wait3A_162 = tpu.memref_slice %arg5[%add3A_150, %dma_wait3A_161] : memref<32x200xi32, #tpu.memory_space<vmem>> -> memref<1x128xi32, #tpu.memory_space<vmem>>
      %dma_wait3A_163 = tpu.memref_squeeze %dma_wait3A_162 : memref<1x128xi32, #tpu.memory_space<vmem>> -> memref<128xi32, #tpu.memory_space<vmem>>
      %dma_wait3A_164 = arith.constant 0 : i32
      %dma_wait3A_165 = arith.constant 0 : i32
      %dma_wait3A_166 = tpu.memref_slice %arg2[%dma_wait3A_164, %dma_wait3A_165] : memref<1000000x128xf32, #tpu.memory_space<hbm>> -> memref<1000000x128xf32, #tpu.memory_space<hbm>>
      tpu.wait_indirect_dma semaphore(%arg12 : memref<!tpu.dma_semaphore, #tpu.memory_space<semaphore_mem>>) src(%dma_wait3A_166 : memref<1000000x128xf32, #tpu.memory_space<hbm>>) dst(%dma_wait3A_160 : memref<128x128xf32, #tpu.memory_space<vmem>>)
      %dma_wait3A_167 = arith.constant 128 : i32
      %dma_wait3A_168 = arith.constant 0 : i32
      %dma_wait3A_169 = tpu.memref_slice %arg8[%dma_wait3A_167, %dma_wait3A_168] : memref<200x128xf32, #tpu.memory_space<vmem>> -> memref<72x128xf32, #tpu.memory_space<vmem>>
      %dma_wait3A_170 = arith.constant 128 : i32
      %dma_wait3A_171 = tpu.memref_slice %arg5[%add3A_150, %dma_wait3A_170] : memref<32x200xi32, #tpu.memory_space<vmem>> -> memref<1x72xi32, #tpu.memory_space<vmem>>
      %dma_wait3A_172 = tpu.memref_squeeze %dma_wait3A_171 : memref<1x72xi32, #tpu.memory_space<vmem>> -> memref<72xi32, #tpu.memory_space<vmem>>
      %dma_wait3A_173 = arith.constant 0 : i32
      %dma_wait3A_174 = arith.constant 0 : i32
      %dma_wait3A_175 = tpu.memref_slice %arg2[%dma_wait3A_173, %dma_wait3A_174] : memref<1000000x128xf32, #tpu.memory_space<hbm>> -> memref<1000000x128xf32, #tpu.memory_space<hbm>>
      tpu.wait_indirect_dma semaphore(%arg12 : memref<!tpu.dma_semaphore, #tpu.memory_space<semaphore_mem>>) src(%dma_wait3A_175 : memref<1000000x128xf32, #tpu.memory_space<hbm>>) dst(%dma_wait3A_169 : memref<72x128xf32, #tpu.memory_space<vmem>>)
      %scan3A_176 = arith.constant 0 : i32
      %scan3A_177 = arith.constant 50 : i32
      %scan3A_178 = arith.addi %scan3A_176, %scan3A_177 : i32
      %scan3A_179 = arith.constant 1 : i32
      scf.for %scan3A_227 = %scan3A_176 to %scan3A_178 step %scan3A_179  : i32 {
        %mul3A_228 = arith.constant 4 : i32
        %mul3A_229 = arith.muli %scan3A_227, %mul3A_228 : i32
        %add3A_230 = arith.constant 0 : i32
        %add3A_231 = arith.addi %add3A_230, %mul3A_229 : i32
        %add3A_232 = arith.constant 0 : i32
        %add3A_233 = arith.addi %add3A_231, %add3A_232 : i32
        %get3A = arith.constant 0 : i32
        %get3A_234 = tpu.memref_slice %arg8[%add3A_233, %get3A] : memref<200x128xf32, #tpu.memory_space<vmem>> -> memref<1x128xf32, #tpu.memory_space<vmem>>
        %get3A_235 = tpu.memref_squeeze %get3A_234 : memref<1x128xf32, #tpu.memory_space<vmem>> -> memref<128xf32, #tpu.memory_space<vmem>>
        %get3A_236 = arith.constant 0 : index
        %get3A_237 = tpu.vector_load %get3A_235[%get3A_236] {strides = array<i32>} : memref<128xf32, #tpu.memory_space<vmem>>, vector<16xf32>,
        %get3A_238 = vector.shape_cast %get3A_237 : vector<16xf32> to vector<16xf32>
        %mul3A_239 = arith.constant 11.3137083 : f32
        %mul3A_240 = vector.broadcast %mul3A_239 : f32 to vector<16xf32>
        %mul3A_241 = arith.mulf %get3A_238, %mul3A_240 : vector<16xf32>
        %swap3A = arith.constant 0 : i32
        %swap3A_242 = tpu.memref_slice %arg8[%add3A_233, %swap3A] : memref<200x128xf32, #tpu.memory_space<vmem>> -> memref<1x128xf32, #tpu.memory_space<vmem>>
        %swap3A_243 = tpu.memref_squeeze %swap3A_242 : memref<1x128xf32, #tpu.memory_space<vmem>> -> memref<128xf32, #tpu.memory_space<vmem>>
        %swap3A_244 = arith.constant 0 : index
        %swap3A_245 = tpu.vector_load %swap3A_243[%swap3A_244] {strides = array<i32>} : memref<128xf32, #tpu.memory_space<vmem>>, vector<16xf32>,
        %swap3A_246 = vector.shape_cast %swap3A_245 : vector<16xf32> to vector<16xf32>
        %swap3A_247 = vector.shape_cast %mul3A_241 : vector<16xf32> to vector<16xf32>
        tpu.vector_store %swap3A_243[%swap3A_244], %swap3A_247 {strides = array<i32>} : memref<128xf32, #tpu.memory_space<vmem>>, vector<16xf32>,
        %get3A_248 = arith.constant 0 : i32
        %get3A_249 = tpu.memref_slice %arg8[%add3A_233, %get3A_248] : memref<200x128xf32, #tpu.memory_space<vmem>> -> memref<1x128xf32, #tpu.memory_space<vmem>>
        %get3A_250 = tpu.memref_squeeze %get3A_249 : memref<1x128xf32, #tpu.memory_space<vmem>> -> memref<128xf32, #tpu.memory_space<vmem>>
        %get3A_251 = arith.constant 16 : index
        %get3A_252 = tpu.vector_load %get3A_250[%get3A_251] {strides = array<i32>} : memref<128xf32, #tpu.memory_space<vmem>>, vector<16xf32>,
        %get3A_253 = vector.shape_cast %get3A_252 : vector<16xf32> to vector<16xf32>
        %mul3A_254 = arith.constant 11.3137083 : f32
        %mul3A_255 = vector.broadcast %mul3A_254 : f32 to vector<16xf32>
        %mul3A_256 = arith.mulf %get3A_253, %mul3A_255 : vector<16xf32>
        %swap3A_257 = arith.constant 0 : i32
        %swap3A_258 = tpu.memref_slice %arg8[%add3A_233, %swap3A_257] : memref<200x128xf32, #tpu.memory_space<vmem>> -> memref<1x128xf32, #tpu.memory_space<vmem>>
        %swap3A_259 = tpu.memref_squeeze %swap3A_258 : memref<1x128xf32, #tpu.memory_space<vmem>> -> memref<128xf32, #tpu.memory_space<vmem>>
        %swap3A_260 = arith.constant 16 : index
        %swap3A_261 = tpu.vector_load %swap3A_259[%swap3A_260] {strides = array<i32>} : memref<128xf32, #tpu.memory_space<vmem>>, vector<16xf32>,
        %swap3A_262 = vector.shape_cast %swap3A_261 : vector<16xf32> to vector<16xf32>
        %swap3A_263 = vector.shape_cast %mul3A_256 : vector<16xf32> to vector<16xf32>
        tpu.vector_store %swap3A_259[%swap3A_260], %swap3A_263 {strides = array<i32>} : memref<128xf32, #tpu.memory_space<vmem>>, vector<16xf32>,
        %get3A_264 = arith.constant 0 : i32
        %get3A_265 = tpu.memref_slice %arg8[%add3A_233, %get3A_264] : memref<200x128xf32, #tpu.memory_space<vmem>> -> memref<1x128xf32, #tpu.memory_space<vmem>>
        %get3A_266 = tpu.memref_squeeze %get3A_265 : memref<1x128xf32, #tpu.memory_space<vmem>> -> memref<128xf32, #tpu.memory_space<vmem>>
        %get3A_267 = arith.constant 32 : index
        %get3A_268 = tpu.vector_load %get3A_266[%get3A_267] {strides = array<i32>} : memref<128xf32, #tpu.memory_space<vmem>>, vector<16xf32>,
        %get3A_269 = vector.shape_cast %get3A_268 : vector<16xf32> to vector<16xf32>
        %mul3A_270 = arith.constant 11.3137083 : f32
        %mul3A_271 = vector.broadcast %mul3A_270 : f32 to vector<16xf32>
        %mul3A_272 = arith.mulf %get3A_269, %mul3A_271 : vector<16xf32>
        %swap3A_273 = arith.constant 0 : i32
        %swap3A_274 = tpu.memref_slice %arg8[%add3A_233, %swap3A_273] : memref<200x128xf32, #tpu.memory_space<vmem>> -> memref<1x128xf32, #tpu.memory_space<vmem>>
        %swap3A_275 = tpu.memref_squeeze %swap3A_274 : memref<1x128xf32, #tpu.memory_space<vmem>> -> memref<128xf32, #tpu.memory_space<vmem>>
        %swap3A_276 = arith.constant 32 : index
        %swap3A_277 = tpu.vector_load %swap3A_275[%swap3A_276] {strides = array<i32>} : memref<128xf32, #tpu.memory_space<vmem>>, vector<16xf32>,
        %swap3A_278 = vector.shape_cast %swap3A_277 : vector<16xf32> to vector<16xf32>
        %swap3A_279 = vector.shape_cast %mul3A_272 : vector<16xf32> to vector<16xf32>
        tpu.vector_store %swap3A_275[%swap3A_276], %swap3A_279 {strides = array<i32>} : memref<128xf32, #tpu.memory_space<vmem>>, vector<16xf32>,
        %get3A_280 = arith.constant 0 : i32
        %get3A_281 = tpu.memref_slice %arg8[%add3A_233, %get3A_280] : memref<200x128xf32, #tpu.memory_space<vmem>> -> memref<1x128xf32, #tpu.memory_space<vmem>>
        %get3A_282 = tpu.memref_squeeze %get3A_281 : memref<1x128xf32, #tpu.memory_space<vmem>> -> memref<128xf32, #tpu.memory_space<vmem>>
        %get3A_283 = arith.constant 48 : index
        %get3A_284 = tpu.vector_load %get3A_282[%get3A_283] {strides = array<i32>} : memref<128xf32, #tpu.memory_space<vmem>>, vector<16xf32>,
        %get3A_285 = vector.shape_cast %get3A_284 : vector<16xf32> to vector<16xf32>
        %mul3A_286 = arith.constant 11.3137083 : f32
        %mul3A_287 = vector.broadcast %mul3A_286 : f32 to vector<16xf32>
        %mul3A_288 = arith.mulf %get3A_285, %mul3A_287 : vector<16xf32>
        %swap3A_289 = arith.constant 0 : i32
        %swap3A_290 = tpu.memref_slice %arg8[%add3A_233, %swap3A_289] : memref<200x128xf32, #tpu.memory_space<vmem>> -> memref<1x128xf32, #tpu.memory_space<vmem>>
        %swap3A_291 = tpu.memref_squeeze %swap3A_290 : memref<1x128xf32, #tpu.memory_space<vmem>> -> memref<128xf32, #tpu.memory_space<vmem>>
        %swap3A_292 = arith.constant 48 : index
        %swap3A_293 = tpu.vector_load %swap3A_291[%swap3A_292] {strides = array<i32>} : memref<128xf32, #tpu.memory_space<vmem>>, vector<16xf32>,
        %swap3A_294 = vector.shape_cast %swap3A_293 : vector<16xf32> to vector<16xf32>
        %swap3A_295 = vector.shape_cast %mul3A_288 : vector<16xf32> to vector<16xf32>
        tpu.vector_store %swap3A_291[%swap3A_292], %swap3A_295 {strides = array<i32>} : memref<128xf32, #tpu.memory_space<vmem>>, vector<16xf32>,
        %get3A_296 = arith.constant 0 : i32
        %get3A_297 = tpu.memref_slice %arg8[%add3A_233, %get3A_296] : memref<200x128xf32, #tpu.memory_space<vmem>> -> memref<1x128xf32, #tpu.memory_space<vmem>>
        %get3A_298 = tpu.memref_squeeze %get3A_297 : memref<1x128xf32, #tpu.memory_space<vmem>> -> memref<128xf32, #tpu.memory_space<vmem>>
        %get3A_299 = arith.constant 64 : index
        %get3A_300 = tpu.vector_load %get3A_298[%get3A_299] {strides = array<i32>} : memref<128xf32, #tpu.memory_space<vmem>>, vector<16xf32>,
        %get3A_301 = vector.shape_cast %get3A_300 : vector<16xf32> to vector<16xf32>
        %mul3A_302 = arith.constant 11.3137083 : f32
        %mul3A_303 = vector.broadcast %mul3A_302 : f32 to vector<16xf32>
        %mul3A_304 = arith.mulf %get3A_301, %mul3A_303 : vector<16xf32>
        %swap3A_305 = arith.constant 0 : i32
        %swap3A_306 = tpu.memref_slice %arg8[%add3A_233, %swap3A_305] : memref<200x128xf32, #tpu.memory_space<vmem>> -> memref<1x128xf32, #tpu.memory_space<vmem>>
        %swap3A_307 = tpu.memref_squeeze %swap3A_306 : memref<1x128xf32, #tpu.memory_space<vmem>> -> memref<128xf32, #tpu.memory_space<vmem>>
        %swap3A_308 = arith.constant 64 : index
        %swap3A_309 = tpu.vector_load %swap3A_307[%swap3A_308] {strides = array<i32>} : memref<128xf32, #tpu.memory_space<vmem>>, vector<16xf32>,
        %swap3A_310 = vector.shape_cast %swap3A_309 : vector<16xf32> to vector<16xf32>
        %swap3A_311 = vector.shape_cast %mul3A_304 : vector<16xf32> to vector<16xf32>
        tpu.vector_store %swap3A_307[%swap3A_308], %swap3A_311 {strides = array<i32>} : memref<128xf32, #tpu.memory_space<vmem>>, vector<16xf32>,
        %get3A_312 = arith.constant 0 : i32
        %get3A_313 = tpu.memref_slice %arg8[%add3A_233, %get3A_312] : memref<200x128xf32, #tpu.memory_space<vmem>> -> memref<1x128xf32, #tpu.memory_space<vmem>>
        %get3A_314 = tpu.memref_squeeze %get3A_313 : memref<1x128xf32, #tpu.memory_space<vmem>> -> memref<128xf32, #tpu.memory_space<vmem>>
        %get3A_315 = arith.constant 80 : index
        %get3A_316 = tpu.vector_load %get3A_314[%get3A_315] {strides = array<i32>} : memref<128xf32, #tpu.memory_space<vmem>>, vector<16xf32>,
        %get3A_317 = vector.shape_cast %get3A_316 : vector<16xf32> to vector<16xf32>
        %mul3A_318 = arith.constant 11.3137083 : f32
        %mul3A_319 = vector.broadcast %mul3A_318 : f32 to vector<16xf32>
        %mul3A_320 = arith.mulf %get3A_317, %mul3A_319 : vector<16xf32>
        %swap3A_321 = arith.constant 0 : i32
        %swap3A_322 = tpu.memref_slice %arg8[%add3A_233, %swap3A_321] : memref<200x128xf32, #tpu.memory_space<vmem>> -> memref<1x128xf32, #tpu.memory_space<vmem>>
        %swap3A_323 = tpu.memref_squeeze %swap3A_322 : memref<1x128xf32, #tpu.memory_space<vmem>> -> memref<128xf32, #tpu.memory_space<vmem>>
        %swap3A_324 = arith.constant 80 : index
        %swap3A_325 = tpu.vector_load %swap3A_323[%swap3A_324] {strides = array<i32>} : memref<128xf32, #tpu.memory_space<vmem>>, vector<16xf32>,
        %swap3A_326 = vector.shape_cast %swap3A_325 : vector<16xf32> to vector<16xf32>
        %swap3A_327 = vector.shape_cast %mul3A_320 : vector<16xf32> to vector<16xf32>
        tpu.vector_store %swap3A_323[%swap3A_324], %swap3A_327 {strides = array<i32>} : memref<128xf32, #tpu.memory_space<vmem>>, vector<16xf32>,
        %get3A_328 = arith.constant 0 : i32
        %get3A_329 = tpu.memref_slice %arg8[%add3A_233, %get3A_328] : memref<200x128xf32, #tpu.memory_space<vmem>> -> memref<1x128xf32, #tpu.memory_space<vmem>>
        %get3A_330 = tpu.memref_squeeze %get3A_329 : memref<1x128xf32, #tpu.memory_space<vmem>> -> memref<128xf32, #tpu.memory_space<vmem>>
        %get3A_331 = arith.constant 96 : index
        %get3A_332 = tpu.vector_load %get3A_330[%get3A_331] {strides = array<i32>} : memref<128xf32, #tpu.memory_space<vmem>>, vector<16xf32>,
        %get3A_333 = vector.shape_cast %get3A_332 : vector<16xf32> to vector<16xf32>
        %mul3A_334 = arith.constant 11.3137083 : f32
        %mul3A_335 = vector.broadcast %mul3A_334 : f32 to vector<16xf32>
        %mul3A_336 = arith.mulf %get3A_333, %mul3A_335 : vector<16xf32>
        %swap3A_337 = arith.constant 0 : i32
        %swap3A_338 = tpu.memref_slice %arg8[%add3A_233, %swap3A_337] : memref<200x128xf32, #tpu.memory_space<vmem>> -> memref<1x128xf32, #tpu.memory_space<vmem>>
        %swap3A_339 = tpu.memref_squeeze %swap3A_338 : memref<1x128xf32, #tpu.memory_space<vmem>> -> memref<128xf32, #tpu.memory_space<vmem>>
        %swap3A_340 = arith.constant 96 : index
        %swap3A_341 = tpu.vector_load %swap3A_339[%swap3A_340] {strides = array<i32>} : memref<128xf32, #tpu.memory_space<vmem>>, vector<16xf32>,
        %swap3A_342 = vector.shape_cast %swap3A_341 : vector<16xf32> to vector<16xf32>
        %swap3A_343 = vector.shape_cast %mul3A_336 : vector<16xf32> to vector<16xf32>
        tpu.vector_store %swap3A_339[%swap3A_340], %swap3A_343 {strides = array<i32>} : memref<128xf32, #tpu.memory_space<vmem>>, vector<16xf32>,
        %get3A_344 = arith.constant 0 : i32
        %get3A_345 = tpu.memref_slice %arg8[%add3A_233, %get3A_344] : memref<200x128xf32, #tpu.memory_space<vmem>> -> memref<1x128xf32, #tpu.memory_space<vmem>>
        %get3A_346 = tpu.memref_squeeze %get3A_345 : memref<1x128xf32, #tpu.memory_space<vmem>> -> memref<128xf32, #tpu.memory_space<vmem>>
        %get3A_347 = arith.constant 112 : index
        %get3A_348 = tpu.vector_load %get3A_346[%get3A_347] {strides = array<i32>} : memref<128xf32, #tpu.memory_space<vmem>>, vector<16xf32>,
        %get3A_349 = vector.shape_cast %get3A_348 : vector<16xf32> to vector<16xf32>
        %mul3A_350 = arith.constant 11.3137083 : f32
        %mul3A_351 = vector.broadcast %mul3A_350 : f32 to vector<16xf32>
        %mul3A_352 = arith.mulf %get3A_349, %mul3A_351 : vector<16xf32>
        %swap3A_353 = arith.constant 0 : i32
        %swap3A_354 = tpu.memref_slice %arg8[%add3A_233, %swap3A_353] : memref<200x128xf32, #tpu.memory_space<vmem>> -> memref<1x128xf32, #tpu.memory_space<vmem>>
        %swap3A_355 = tpu.memref_squeeze %swap3A_354 : memref<1x128xf32, #tpu.memory_space<vmem>> -> memref<128xf32, #tpu.memory_space<vmem>>
        %swap3A_356 = arith.constant 112 : index
        %swap3A_357 = tpu.vector_load %swap3A_355[%swap3A_356] {strides = array<i32>} : memref<128xf32, #tpu.memory_space<vmem>>, vector<16xf32>,
        %swap3A_358 = vector.shape_cast %swap3A_357 : vector<16xf32> to vector<16xf32>
        %swap3A_359 = vector.shape_cast %mul3A_352 : vector<16xf32> to vector<16xf32>
        tpu.vector_store %swap3A_355[%swap3A_356], %swap3A_359 {strides = array<i32>} : memref<128xf32, #tpu.memory_space<vmem>>, vector<16xf32>,
        %add3A_360 = arith.constant 1 : i32
        %add3A_361 = arith.addi %add3A_231, %add3A_360 : i32
        %get3A_362 = arith.constant 0 : i32
        %get3A_363 = tpu.memref_slice %arg8[%add3A_361, %get3A_362] : memref<200x128xf32, #tpu.memory_space<vmem>> -> memref<1x128xf32, #tpu.memory_space<vmem>>
        %get3A_364 = tpu.memref_squeeze %get3A_363 : memref<1x128xf32, #tpu.memory_space<vmem>> -> memref<128xf32, #tpu.memory_space<vmem>>
        %get3A_365 = arith.constant 0 : index
        %get3A_366 = tpu.vector_load %get3A_364[%get3A_365] {strides = array<i32>} : memref<128xf32, #tpu.memory_space<vmem>>, vector<16xf32>,
        %get3A_367 = vector.shape_cast %get3A_366 : vector<16xf32> to vector<16xf32>
        %mul3A_368 = arith.constant 11.3137083 : f32
        %mul3A_369 = vector.broadcast %mul3A_368 : f32 to vector<16xf32>
        %mul3A_370 = arith.mulf %get3A_367, %mul3A_369 : vector<16xf32>
        %swap3A_371 = arith.constant 0 : i32
        %swap3A_372 = tpu.memref_slice %arg8[%add3A_361, %swap3A_371] : memref<200x128xf32, #tpu.memory_space<vmem>> -> memref<1x128xf32, #tpu.memory_space<vmem>>
        %swap3A_373 = tpu.memref_squeeze %swap3A_372 : memref<1x128xf32, #tpu.memory_space<vmem>> -> memref<128xf32, #tpu.memory_space<vmem>>
        %swap3A_374 = arith.constant 0 : index
        %swap3A_375 = tpu.vector_load %swap3A_373[%swap3A_374] {strides = array<i32>} : memref<128xf32, #tpu.memory_space<vmem>>, vector<16xf32>,
        %swap3A_376 = vector.shape_cast %swap3A_375 : vector<16xf32> to vector<16xf32>
        %swap3A_377 = vector.shape_cast %mul3A_370 : vector<16xf32> to vector<16xf32>
        tpu.vector_store %swap3A_373[%swap3A_374], %swap3A_377 {strides = array<i32>} : memref<128xf32, #tpu.memory_space<vmem>>, vector<16xf32>,
        %get3A_378 = arith.constant 0 : i32
        %get3A_379 = tpu.memref_slice %arg8[%add3A_361, %get3A_378] : memref<200x128xf32, #tpu.memory_space<vmem>> -> memref<1x128xf32, #tpu.memory_space<vmem>>
        %get3A_380 = tpu.memref_squeeze %get3A_379 : memref<1x128xf32, #tpu.memory_space<vmem>> -> memref<128xf32, #tpu.memory_space<vmem>>
        %get3A_381 = arith.constant 16 : index
        %get3A_382 = tpu.vector_load %get3A_380[%get3A_381] {strides = array<i32>} : memref<128xf32, #tpu.memory_space<vmem>>, vector<16xf32>,
        %get3A_383 = vector.shape_cast %get3A_382 : vector<16xf32> to vector<16xf32>
        %mul3A_384 = arith.constant 11.3137083 : f32
        %mul3A_385 = vector.broadcast %mul3A_384 : f32 to vector<16xf32>
        %mul3A_386 = arith.mulf %get3A_383, %mul3A_385 : vector<16xf32>
        %swap3A_387 = arith.constant 0 : i32
        %swap3A_388 = tpu.memref_slice %arg8[%add3A_361, %swap3A_387] : memref<200x128xf32, #tpu.memory_space<vmem>> -> memref<1x128xf32, #tpu.memory_space<vmem>>
        %swap3A_389 = tpu.memref_squeeze %swap3A_388 : memref<1x128xf32, #tpu.memory_space<vmem>> -> memref<128xf32, #tpu.memory_space<vmem>>
        %swap3A_390 = arith.constant 16 : index
        %swap3A_391 = tpu.vector_load %swap3A_389[%swap3A_390] {strides = array<i32>} : memref<128xf32, #tpu.memory_space<vmem>>, vector<16xf32>,
        %swap3A_392 = vector.shape_cast %swap3A_391 : vector<16xf32> to vector<16xf32>
        %swap3A_393 = vector.shape_cast %mul3A_386 : vector<16xf32> to vector<16xf32>
        tpu.vector_store %swap3A_389[%swap3A_390], %swap3A_393 {strides = array<i32>} : memref<128xf32, #tpu.memory_space<vmem>>, vector<16xf32>,
        %get3A_394 = arith.constant 0 : i32
        %get3A_395 = tpu.memref_slice %arg8[%add3A_361, %get3A_394] : memref<200x128xf32, #tpu.memory_space<vmem>> -> memref<1x128xf32, #tpu.memory_space<vmem>>
        %get3A_396 = tpu.memref_squeeze %get3A_395 : memref<1x128xf32, #tpu.memory_space<vmem>> -> memref<128xf32, #tpu.memory_space<vmem>>
        %get3A_397 = arith.constant 32 : index
        %get3A_398 = tpu.vector_load %get3A_396[%get3A_397] {strides = array<i32>} : memref<128xf32, #tpu.memory_space<vmem>>, vector<16xf32>,
        %get3A_399 = vector.shape_cast %get3A_398 : vector<16xf32> to vector<16xf32>
        %mul3A_400 = arith.constant 11.3137083 : f32
        %mul3A_401 = vector.broadcast %mul3A_400 : f32 to vector<16xf32>
        %mul3A_402 = arith.mulf %get3A_399, %mul3A_401 : vector<16xf32>
        %swap3A_403 = arith.constant 0 : i32
        %swap3A_404 = tpu.memref_slice %arg8[%add3A_361, %swap3A_403] : memref<200x128xf32, #tpu.memory_space<vmem>> -> memref<1x128xf32, #tpu.memory_space<vmem>>
        %swap3A_405 = tpu.memref_squeeze %swap3A_404 : memref<1x128xf32, #tpu.memory_space<vmem>> -> memref<128xf32, #tpu.memory_space<vmem>>
        %swap3A_406 = arith.constant 32 : index
        %swap3A_407 = tpu.vector_load %swap3A_405[%swap3A_406] {strides = array<i32>} : memref<128xf32, #tpu.memory_space<vmem>>, vector<16xf32>,
        %swap3A_408 = vector.shape_cast %swap3A_407 : vector<16xf32> to vector<16xf32>
        %swap3A_409 = vector.shape_cast %mul3A_402 : vector<16xf32> to vector<16xf32>
        tpu.vector_store %swap3A_405[%swap3A_406], %swap3A_409 {strides = array<i32>} : memref<128xf32, #tpu.memory_space<vmem>>, vector<16xf32>,
        %get3A_410 = arith.constant 0 : i32
        %get3A_411 = tpu.memref_slice %arg8[%add3A_361, %get3A_410] : memref<200x128xf32, #tpu.memory_space<vmem>> -> memref<1x128xf32, #tpu.memory_space<vmem>>
        %get3A_412 = tpu.memref_squeeze %get3A_411 : memref<1x128xf32, #tpu.memory_space<vmem>> -> memref<128xf32, #tpu.memory_space<vmem>>
        %get3A_413 = arith.constant 48 : index
        %get3A_414 = tpu.vector_load %get3A_412[%get3A_413] {strides = array<i32>} : memref<128xf32, #tpu.memory_space<vmem>>, vector<16xf32>,
        %get3A_415 = vector.shape_cast %get3A_414 : vector<16xf32> to vector<16xf32>
        %mul3A_416 = arith.constant 11.3137083 : f32
        %mul3A_417 = vector.broadcast %mul3A_416 : f32 to vector<16xf32>
        %mul3A_418 = arith.mulf %get3A_415, %mul3A_417 : vector<16xf32>
        %swap3A_419 = arith.constant 0 : i32
        %swap3A_420 = tpu.memref_slice %arg8[%add3A_361, %swap3A_419] : memref<200x128xf32, #tpu.memory_space<vmem>> -> memref<1x128xf32, #tpu.memory_space<vmem>>
        %swap3A_421 = tpu.memref_squeeze %swap3A_420 : memref<1x128xf32, #tpu.memory_space<vmem>> -> memref<128xf32, #tpu.memory_space<vmem>>
        %swap3A_422 = arith.constant 48 : index
        %swap3A_423 = tpu.vector_load %swap3A_421[%swap3A_422] {strides = array<i32>} : memref<128xf32, #tpu.memory_space<vmem>>, vector<16xf32>,
        %swap3A_424 = vector.shape_cast %swap3A_423 : vector<16xf32> to vector<16xf32>
        %swap3A_425 = vector.shape_cast %mul3A_418 : vector<16xf32> to vector<16xf32>
        tpu.vector_store %swap3A_421[%swap3A_422], %swap3A_425 {strides = array<i32>} : memref<128xf32, #tpu.memory_space<vmem>>, vector<16xf32>,
        %get3A_426 = arith.constant 0 : i32
        %get3A_427 = tpu.memref_slice %arg8[%add3A_361, %get3A_426] : memref<200x128xf32, #tpu.memory_space<vmem>> -> memref<1x128xf32, #tpu.memory_space<vmem>>
        %get3A_428 = tpu.memref_squeeze %get3A_427 : memref<1x128xf32, #tpu.memory_space<vmem>> -> memref<128xf32, #tpu.memory_space<vmem>>
        %get3A_429 = arith.constant 64 : index
        %get3A_430 = tpu.vector_load %get3A_428[%get3A_429] {strides = array<i32>} : memref<128xf32, #tpu.memory_space<vmem>>, vector<16xf32>,
        %get3A_431 = vector.shape_cast %get3A_430 : vector<16xf32> to vector<16xf32>
        %mul3A_432 = arith.constant 11.3137083 : f32
        %mul3A_433 = vector.broadcast %mul3A_432 : f32 to vector<16xf32>
        %mul3A_434 = arith.mulf %get3A_431, %mul3A_433 : vector<16xf32>
        %swap3A_435 = arith.constant 0 : i32
        %swap3A_436 = tpu.memref_slice %arg8[%add3A_361, %swap3A_435] : memref<200x128xf32, #tpu.memory_space<vmem>> -> memref<1x128xf32, #tpu.memory_space<vmem>>
        %swap3A_437 = tpu.memref_squeeze %swap3A_436 : memref<1x128xf32, #tpu.memory_space<vmem>> -> memref<128xf32, #tpu.memory_space<vmem>>
        %swap3A_438 = arith.constant 64 : index
        %swap3A_439 = tpu.vector_load %swap3A_437[%swap3A_438] {strides = array<i32>} : memref<128xf32, #tpu.memory_space<vmem>>, vector<16xf32>,
        %swap3A_440 = vector.shape_cast %swap3A_439 : vector<16xf32> to vector<16xf32>
        %swap3A_441 = vector.shape_cast %mul3A_434 : vector<16xf32> to vector<16xf32>
        tpu.vector_store %swap3A_437[%swap3A_438], %swap3A_441 {strides = array<i32>} : memref<128xf32, #tpu.memory_space<vmem>>, vector<16xf32>,
        %get3A_442 = arith.constant 0 : i32
        %get3A_443 = tpu.memref_slice %arg8[%add3A_361, %get3A_442] : memref<200x128xf32, #tpu.memory_space<vmem>> -> memref<1x128xf32, #tpu.memory_space<vmem>>
        %get3A_444 = tpu.memref_squeeze %get3A_443 : memref<1x128xf32, #tpu.memory_space<vmem>> -> memref<128xf32, #tpu.memory_space<vmem>>
        %get3A_445 = arith.constant 80 : index
        %get3A_446 = tpu.vector_load %get3A_444[%get3A_445] {strides = array<i32>} : memref<128xf32, #tpu.memory_space<vmem>>, vector<16xf32>,
        %get3A_447 = vector.shape_cast %get3A_446 : vector<16xf32> to vector<16xf32>
        %mul3A_448 = arith.constant 11.3137083 : f32
        %mul3A_449 = vector.broadcast %mul3A_448 : f32 to vector<16xf32>
        %mul3A_450 = arith.mulf %get3A_447, %mul3A_449 : vector<16xf32>
        %swap3A_451 = arith.constant 0 : i32
        %swap3A_452 = tpu.memref_slice %arg8[%add3A_361, %swap3A_451] : memref<200x128xf32, #tpu.memory_space<vmem>> -> memref<1x128xf32, #tpu.memory_space<vmem>>
        %swap3A_453 = tpu.memref_squeeze %swap3A_452 : memref<1x128xf32, #tpu.memory_space<vmem>> -> memref<128xf32, #tpu.memory_space<vmem>>
        %swap3A_454 = arith.constant 80 : index
        %swap3A_455 = tpu.vector_load %swap3A_453[%swap3A_454] {strides = array<i32>} : memref<128xf32, #tpu.memory_space<vmem>>, vector<16xf32>,
        %swap3A_456 = vector.shape_cast %swap3A_455 : vector<16xf32> to vector<16xf32>
        %swap3A_457 = vector.shape_cast %mul3A_450 : vector<16xf32> to vector<16xf32>
        tpu.vector_store %swap3A_453[%swap3A_454], %swap3A_457 {strides = array<i32>} : memref<128xf32, #tpu.memory_space<vmem>>, vector<16xf32>,
        %get3A_458 = arith.constant 0 : i32
        %get3A_459 = tpu.memref_slice %arg8[%add3A_361, %get3A_458] : memref<200x128xf32, #tpu.memory_space<vmem>> -> memref<1x128xf32, #tpu.memory_space<vmem>>
        %get3A_460 = tpu.memref_squeeze %get3A_459 : memref<1x128xf32, #tpu.memory_space<vmem>> -> memref<128xf32, #tpu.memory_space<vmem>>
        %get3A_461 = arith.constant 96 : index
        %get3A_462 = tpu.vector_load %get3A_460[%get3A_461] {strides = array<i32>} : memref<128xf32, #tpu.memory_space<vmem>>, vector<16xf32>,
        %get3A_463 = vector.shape_cast %get3A_462 : vector<16xf32> to vector<16xf32>
        %mul3A_464 = arith.constant 11.3137083 : f32
        %mul3A_465 = vector.broadcast %mul3A_464 : f32 to vector<16xf32>
        %mul3A_466 = arith.mulf %get3A_463, %mul3A_465 : vector<16xf32>
        %swap3A_467 = arith.constant 0 : i32
        %swap3A_468 = tpu.memref_slice %arg8[%add3A_361, %swap3A_467] : memref<200x128xf32, #tpu.memory_space<vmem>> -> memref<1x128xf32, #tpu.memory_space<vmem>>
        %swap3A_469 = tpu.memref_squeeze %swap3A_468 : memref<1x128xf32, #tpu.memory_space<vmem>> -> memref<128xf32, #tpu.memory_space<vmem>>
        %swap3A_470 = arith.constant 96 : index
        %swap3A_471 = tpu.vector_load %swap3A_469[%swap3A_470] {strides = array<i32>} : memref<128xf32, #tpu.memory_space<vmem>>, vector<16xf32>,
        %swap3A_472 = vector.shape_cast %swap3A_471 : vector<16xf32> to vector<16xf32>
        %swap3A_473 = vector.shape_cast %mul3A_466 : vector<16xf32> to vector<16xf32>
        tpu.vector_store %swap3A_469[%swap3A_470], %swap3A_473 {strides = array<i32>} : memref<128xf32, #tpu.memory_space<vmem>>, vector<16xf32>,
        %get3A_474 = arith.constant 0 : i32
        %get3A_475 = tpu.memref_slice %arg8[%add3A_361, %get3A_474] : memref<200x128xf32, #tpu.memory_space<vmem>> -> memref<1x128xf32, #tpu.memory_space<vmem>>
        %get3A_476 = tpu.memref_squeeze %get3A_475 : memref<1x128xf32, #tpu.memory_space<vmem>> -> memref<128xf32, #tpu.memory_space<vmem>>
        %get3A_477 = arith.constant 112 : index
        %get3A_478 = tpu.vector_load %get3A_476[%get3A_477] {strides = array<i32>} : memref<128xf32, #tpu.memory_space<vmem>>, vector<16xf32>,
        %get3A_479 = vector.shape_cast %get3A_478 : vector<16xf32> to vector<16xf32>
        %mul3A_480 = arith.constant 11.3137083 : f32
        %mul3A_481 = vector.broadcast %mul3A_480 : f32 to vector<16xf32>
        %mul3A_482 = arith.mulf %get3A_479, %mul3A_481 : vector<16xf32>
        %swap3A_483 = arith.constant 0 : i32
        %swap3A_484 = tpu.memref_slice %arg8[%add3A_361, %swap3A_483] : memref<200x128xf32, #tpu.memory_space<vmem>> -> memref<1x128xf32, #tpu.memory_space<vmem>>
        %swap3A_485 = tpu.memref_squeeze %swap3A_484 : memref<1x128xf32, #tpu.memory_space<vmem>> -> memref<128xf32, #tpu.memory_space<vmem>>
        %swap3A_486 = arith.constant 112 : index
        %swap3A_487 = tpu.vector_load %swap3A_485[%swap3A_486] {strides = array<i32>} : memref<128xf32, #tpu.memory_space<vmem>>, vector<16xf32>,
        %swap3A_488 = vector.shape_cast %swap3A_487 : vector<16xf32> to vector<16xf32>
        %swap3A_489 = vector.shape_cast %mul3A_482 : vector<16xf32> to vector<16xf32>
        tpu.vector_store %swap3A_485[%swap3A_486], %swap3A_489 {strides = array<i32>} : memref<128xf32, #tpu.memory_space<vmem>>, vector<16xf32>,
        %add3A_490 = arith.constant 2 : i32
        %add3A_491 = arith.addi %add3A_231, %add3A_490 : i32
        %get3A_492 = arith.constant 0 : i32
        %get3A_493 = tpu.memref_slice %arg8[%add3A_491, %get3A_492] : memref<200x128xf32, #tpu.memory_space<vmem>> -> memref<1x128xf32, #tpu.memory_space<vmem>>
        %get3A_494 = tpu.memref_squeeze %get3A_493 : memref<1x128xf32, #tpu.memory_space<vmem>> -> memref<128xf32, #tpu.memory_space<vmem>>
        %get3A_495 = arith.constant 0 : index
        %get3A_496 = tpu.vector_load %get3A_494[%get3A_495] {strides = array<i32>} : memref<128xf32, #tpu.memory_space<vmem>>, vector<16xf32>,
        %get3A_497 = vector.shape_cast %get3A_496 : vector<16xf32> to vector<16xf32>
        %mul3A_498 = arith.constant 11.3137083 : f32
        %mul3A_499 = vector.broadcast %mul3A_498 : f32 to vector<16xf32>
        %mul3A_500 = arith.mulf %get3A_497, %mul3A_499 : vector<16xf32>
        %swap3A_501 = arith.constant 0 : i32
        %swap3A_502 = tpu.memref_slice %arg8[%add3A_491, %swap3A_501] : memref<200x128xf32, #tpu.memory_space<vmem>> -> memref<1x128xf32, #tpu.memory_space<vmem>>
        %swap3A_503 = tpu.memref_squeeze %swap3A_502 : memref<1x128xf32, #tpu.memory_space<vmem>> -> memref<128xf32, #tpu.memory_space<vmem>>
        %swap3A_504 = arith.constant 0 : index
        %swap3A_505 = tpu.vector_load %swap3A_503[%swap3A_504] {strides = array<i32>} : memref<128xf32, #tpu.memory_space<vmem>>, vector<16xf32>,
        %swap3A_506 = vector.shape_cast %swap3A_505 : vector<16xf32> to vector<16xf32>
        %swap3A_507 = vector.shape_cast %mul3A_500 : vector<16xf32> to vector<16xf32>
        tpu.vector_store %swap3A_503[%swap3A_504], %swap3A_507 {strides = array<i32>} : memref<128xf32, #tpu.memory_space<vmem>>, vector<16xf32>,
        %get3A_508 = arith.constant 0 : i32
        %get3A_509 = tpu.memref_slice %arg8[%add3A_491, %get3A_508] : memref<200x128xf32, #tpu.memory_space<vmem>> -> memref<1x128xf32, #tpu.memory_space<vmem>>
        %get3A_510 = tpu.memref_squeeze %get3A_509 : memref<1x128xf32, #tpu.memory_space<vmem>> -> memref<128xf32, #tpu.memory_space<vmem>>
        %get3A_511 = arith.constant 16 : index
        %get3A_512 = tpu.vector_load %get3A_510[%get3A_511] {strides = array<i32>} : memref<128xf32, #tpu.memory_space<vmem>>, vector<16xf32>,
        %get3A_513 = vector.shape_cast %get3A_512 : vector<16xf32> to vector<16xf32>
        %mul3A_514 = arith.constant 11.3137083 : f32
        %mul3A_515 = vector.broadcast %mul3A_514 : f32 to vector<16xf32>
        %mul3A_516 = arith.mulf %get3A_513, %mul3A_515 : vector<16xf32>
        %swap3A_517 = arith.constant 0 : i32
        %swap3A_518 = tpu.memref_slice %arg8[%add3A_491, %swap3A_517] : memref<200x128xf32, #tpu.memory_space<vmem>> -> memref<1x128xf32, #tpu.memory_space<vmem>>
        %swap3A_519 = tpu.memref_squeeze %swap3A_518 : memref<1x128xf32, #tpu.memory_space<vmem>> -> memref<128xf32, #tpu.memory_space<vmem>>
        %swap3A_520 = arith.constant 16 : index
        %swap3A_521 = tpu.vector_load %swap3A_519[%swap3A_520] {strides = array<i32>} : memref<128xf32, #tpu.memory_space<vmem>>, vector<16xf32>,
        %swap3A_522 = vector.shape_cast %swap3A_521 : vector<16xf32> to vector<16xf32>
        %swap3A_523 = vector.shape_cast %mul3A_516 : vector<16xf32> to vector<16xf32>
        tpu.vector_store %swap3A_519[%swap3A_520], %swap3A_523 {strides = array<i32>} : memref<128xf32, #tpu.memory_space<vmem>>, vector<16xf32>,
        %get3A_524 = arith.constant 0 : i32
        %get3A_525 = tpu.memref_slice %arg8[%add3A_491, %get3A_524] : memref<200x128xf32, #tpu.memory_space<vmem>> -> memref<1x128xf32, #tpu.memory_space<vmem>>
        %get3A_526 = tpu.memref_squeeze %get3A_525 : memref<1x128xf32, #tpu.memory_space<vmem>> -> memref<128xf32, #tpu.memory_space<vmem>>
        %get3A_527 = arith.constant 32 : index
        %get3A_528 = tpu.vector_load %get3A_526[%get3A_527] {strides = array<i32>} : memref<128xf32, #tpu.memory_space<vmem>>, vector<16xf32>,
        %get3A_529 = vector.shape_cast %get3A_528 : vector<16xf32> to vector<16xf32>
        %mul3A_530 = arith.constant 11.3137083 : f32
        %mul3A_531 = vector.broadcast %mul3A_530 : f32 to vector<16xf32>
        %mul3A_532 = arith.mulf %get3A_529, %mul3A_531 : vector<16xf32>
        %swap3A_533 = arith.constant 0 : i32
        %swap3A_534 = tpu.memref_slice %arg8[%add3A_491, %swap3A_533] : memref<200x128xf32, #tpu.memory_space<vmem>> -> memref<1x128xf32, #tpu.memory_space<vmem>>
        %swap3A_535 = tpu.memref_squeeze %swap3A_534 : memref<1x128xf32, #tpu.memory_space<vmem>> -> memref<128xf32, #tpu.memory_space<vmem>>
        %swap3A_536 = arith.constant 32 : index
        %swap3A_537 = tpu.vector_load %swap3A_535[%swap3A_536] {strides = array<i32>} : memref<128xf32, #tpu.memory_space<vmem>>, vector<16xf32>,
        %swap3A_538 = vector.shape_cast %swap3A_537 : vector<16xf32> to vector<16xf32>
        %swap3A_539 = vector.shape_cast %mul3A_532 : vector<16xf32> to vector<16xf32>
        tpu.vector_store %swap3A_535[%swap3A_536], %swap3A_539 {strides = array<i32>} : memref<128xf32, #tpu.memory_space<vmem>>, vector<16xf32>,
        %get3A_540 = arith.constant 0 : i32
        %get3A_541 = tpu.memref_slice %arg8[%add3A_491, %get3A_540] : memref<200x128xf32, #tpu.memory_space<vmem>> -> memref<1x128xf32, #tpu.memory_space<vmem>>
        %get3A_542 = tpu.memref_squeeze %get3A_541 : memref<1x128xf32, #tpu.memory_space<vmem>> -> memref<128xf32, #tpu.memory_space<vmem>>
        %get3A_543 = arith.constant 48 : index
        %get3A_544 = tpu.vector_load %get3A_542[%get3A_543] {strides = array<i32>} : memref<128xf32, #tpu.memory_space<vmem>>, vector<16xf32>,
        %get3A_545 = vector.shape_cast %get3A_544 : vector<16xf32> to vector<16xf32>
        %mul3A_546 = arith.constant 11.3137083 : f32
        %mul3A_547 = vector.broadcast %mul3A_546 : f32 to vector<16xf32>
        %mul3A_548 = arith.mulf %get3A_545, %mul3A_547 : vector<16xf32>
        %swap3A_549 = arith.constant 0 : i32
        %swap3A_550 = tpu.memref_slice %arg8[%add3A_491, %swap3A_549] : memref<200x128xf32, #tpu.memory_space<vmem>> -> memref<1x128xf32, #tpu.memory_space<vmem>>
        %swap3A_551 = tpu.memref_squeeze %swap3A_550 : memref<1x128xf32, #tpu.memory_space<vmem>> -> memref<128xf32, #tpu.memory_space<vmem>>
        %swap3A_552 = arith.constant 48 : index
        %swap3A_553 = tpu.vector_load %swap3A_551[%swap3A_552] {strides = array<i32>} : memref<128xf32, #tpu.memory_space<vmem>>, vector<16xf32>,
        %swap3A_554 = vector.shape_cast %swap3A_553 : vector<16xf32> to vector<16xf32>
        %swap3A_555 = vector.shape_cast %mul3A_548 : vector<16xf32> to vector<16xf32>
        tpu.vector_store %swap3A_551[%swap3A_552], %swap3A_555 {strides = array<i32>} : memref<128xf32, #tpu.memory_space<vmem>>, vector<16xf32>,
        %get3A_556 = arith.constant 0 : i32
        %get3A_557 = tpu.memref_slice %arg8[%add3A_491, %get3A_556] : memref<200x128xf32, #tpu.memory_space<vmem>> -> memref<1x128xf32, #tpu.memory_space<vmem>>
        %get3A_558 = tpu.memref_squeeze %get3A_557 : memref<1x128xf32, #tpu.memory_space<vmem>> -> memref<128xf32, #tpu.memory_space<vmem>>
        %get3A_559 = arith.constant 64 : index
        %get3A_560 = tpu.vector_load %get3A_558[%get3A_559] {strides = array<i32>} : memref<128xf32, #tpu.memory_space<vmem>>, vector<16xf32>,
        %get3A_561 = vector.shape_cast %get3A_560 : vector<16xf32> to vector<16xf32>
        %mul3A_562 = arith.constant 11.3137083 : f32
        %mul3A_563 = vector.broadcast %mul3A_562 : f32 to vector<16xf32>
        %mul3A_564 = arith.mulf %get3A_561, %mul3A_563 : vector<16xf32>
        %swap3A_565 = arith.constant 0 : i32
        %swap3A_566 = tpu.memref_slice %arg8[%add3A_491, %swap3A_565] : memref<200x128xf32, #tpu.memory_space<vmem>> -> memref<1x128xf32, #tpu.memory_space<vmem>>
        %swap3A_567 = tpu.memref_squeeze %swap3A_566 : memref<1x128xf32, #tpu.memory_space<vmem>> -> memref<128xf32, #tpu.memory_space<vmem>>
        %swap3A_568 = arith.constant 64 : index
        %swap3A_569 = tpu.vector_load %swap3A_567[%swap3A_568] {strides = array<i32>} : memref<128xf32, #tpu.memory_space<vmem>>, vector<16xf32>,
        %swap3A_570 = vector.shape_cast %swap3A_569 : vector<16xf32> to vector<16xf32>
        %swap3A_571 = vector.shape_cast %mul3A_564 : vector<16xf32> to vector<16xf32>
        tpu.vector_store %swap3A_567[%swap3A_568], %swap3A_571 {strides = array<i32>} : memref<128xf32, #tpu.memory_space<vmem>>, vector<16xf32>,
        %get3A_572 = arith.constant 0 : i32
        %get3A_573 = tpu.memref_slice %arg8[%add3A_491, %get3A_572] : memref<200x128xf32, #tpu.memory_space<vmem>> -> memref<1x128xf32, #tpu.memory_space<vmem>>
        %get3A_574 = tpu.memref_squeeze %get3A_573 : memref<1x128xf32, #tpu.memory_space<vmem>> -> memref<128xf32, #tpu.memory_space<vmem>>
        %get3A_575 = arith.constant 80 : index
        %get3A_576 = tpu.vector_load %get3A_574[%get3A_575] {strides = array<i32>} : memref<128xf32, #tpu.memory_space<vmem>>, vector<16xf32>,
        %get3A_577 = vector.shape_cast %get3A_576 : vector<16xf32> to vector<16xf32>
        %mul3A_578 = arith.constant 11.3137083 : f32
        %mul3A_579 = vector.broadcast %mul3A_578 : f32 to vector<16xf32>
        %mul3A_580 = arith.mulf %get3A_577, %mul3A_579 : vector<16xf32>
        %swap3A_581 = arith.constant 0 : i32
        %swap3A_582 = tpu.memref_slice %arg8[%add3A_491, %swap3A_581] : memref<200x128xf32, #tpu.memory_space<vmem>> -> memref<1x128xf32, #tpu.memory_space<vmem>>
        %swap3A_583 = tpu.memref_squeeze %swap3A_582 : memref<1x128xf32, #tpu.memory_space<vmem>> -> memref<128xf32, #tpu.memory_space<vmem>>
        %swap3A_584 = arith.constant 80 : index
        %swap3A_585 = tpu.vector_load %swap3A_583[%swap3A_584] {strides = array<i32>} : memref<128xf32, #tpu.memory_space<vmem>>, vector<16xf32>,
        %swap3A_586 = vector.shape_cast %swap3A_585 : vector<16xf32> to vector<16xf32>
        %swap3A_587 = vector.shape_cast %mul3A_580 : vector<16xf32> to vector<16xf32>
        tpu.vector_store %swap3A_583[%swap3A_584], %swap3A_587 {strides = array<i32>} : memref<128xf32, #tpu.memory_space<vmem>>, vector<16xf32>,
        %get3A_588 = arith.constant 0 : i32
        %get3A_589 = tpu.memref_slice %arg8[%add3A_491, %get3A_588] : memref<200x128xf32, #tpu.memory_space<vmem>> -> memref<1x128xf32, #tpu.memory_space<vmem>>
        %get3A_590 = tpu.memref_squeeze %get3A_589 : memref<1x128xf32, #tpu.memory_space<vmem>> -> memref<128xf32, #tpu.memory_space<vmem>>
        %get3A_591 = arith.constant 96 : index
        %get3A_592 = tpu.vector_load %get3A_590[%get3A_591] {strides = array<i32>} : memref<128xf32, #tpu.memory_space<vmem>>, vector<16xf32>,
        %get3A_593 = vector.shape_cast %get3A_592 : vector<16xf32> to vector<16xf32>
        %mul3A_594 = arith.constant 11.3137083 : f32
        %mul3A_595 = vector.broadcast %mul3A_594 : f32 to vector<16xf32>
        %mul3A_596 = arith.mulf %get3A_593, %mul3A_595 : vector<16xf32>
        %swap3A_597 = arith.constant 0 : i32
        %swap3A_598 = tpu.memref_slice %arg8[%add3A_491, %swap3A_597] : memref<200x128xf32, #tpu.memory_space<vmem>> -> memref<1x128xf32, #tpu.memory_space<vmem>>
        %swap3A_599 = tpu.memref_squeeze %swap3A_598 : memref<1x128xf32, #tpu.memory_space<vmem>> -> memref<128xf32, #tpu.memory_space<vmem>>
        %swap3A_600 = arith.constant 96 : index
        %swap3A_601 = tpu.vector_load %swap3A_599[%swap3A_600] {strides = array<i32>} : memref<128xf32, #tpu.memory_space<vmem>>, vector<16xf32>,
        %swap3A_602 = vector.shape_cast %swap3A_601 : vector<16xf32> to vector<16xf32>
        %swap3A_603 = vector.shape_cast %mul3A_596 : vector<16xf32> to vector<16xf32>
        tpu.vector_store %swap3A_599[%swap3A_600], %swap3A_603 {strides = array<i32>} : memref<128xf32, #tpu.memory_space<vmem>>, vector<16xf32>,
        %get3A_604 = arith.constant 0 : i32
        %get3A_605 = tpu.memref_slice %arg8[%add3A_491, %get3A_604] : memref<200x128xf32, #tpu.memory_space<vmem>> -> memref<1x128xf32, #tpu.memory_space<vmem>>
        %get3A_606 = tpu.memref_squeeze %get3A_605 : memref<1x128xf32, #tpu.memory_space<vmem>> -> memref<128xf32, #tpu.memory_space<vmem>>
        %get3A_607 = arith.constant 112 : index
        %get3A_608 = tpu.vector_load %get3A_606[%get3A_607] {strides = array<i32>} : memref<128xf32, #tpu.memory_space<vmem>>, vector<16xf32>,
        %get3A_609 = vector.shape_cast %get3A_608 : vector<16xf32> to vector<16xf32>
        %mul3A_610 = arith.constant 11.3137083 : f32
        %mul3A_611 = vector.broadcast %mul3A_610 : f32 to vector<16xf32>
        %mul3A_612 = arith.mulf %get3A_609, %mul3A_611 : vector<16xf32>
        %swap3A_613 = arith.constant 0 : i32
        %swap3A_614 = tpu.memref_slice %arg8[%add3A_491, %swap3A_613] : memref<200x128xf32, #tpu.memory_space<vmem>> -> memref<1x128xf32, #tpu.memory_space<vmem>>
        %swap3A_615 = tpu.memref_squeeze %swap3A_614 : memref<1x128xf32, #tpu.memory_space<vmem>> -> memref<128xf32, #tpu.memory_space<vmem>>
        %swap3A_616 = arith.constant 112 : index
        %swap3A_617 = tpu.vector_load %swap3A_615[%swap3A_616] {strides = array<i32>} : memref<128xf32, #tpu.memory_space<vmem>>, vector<16xf32>,
        %swap3A_618 = vector.shape_cast %swap3A_617 : vector<16xf32> to vector<16xf32>
        %swap3A_619 = vector.shape_cast %mul3A_612 : vector<16xf32> to vector<16xf32>
        tpu.vector_store %swap3A_615[%swap3A_616], %swap3A_619 {strides = array<i32>} : memref<128xf32, #tpu.memory_space<vmem>>, vector<16xf32>,
        %add3A_620 = arith.constant 3 : i32
        %add3A_621 = arith.addi %add3A_231, %add3A_620 : i32
        %get3A_622 = arith.constant 0 : i32
        %get3A_623 = tpu.memref_slice %arg8[%add3A_621, %get3A_622] : memref<200x128xf32, #tpu.memory_space<vmem>> -> memref<1x128xf32, #tpu.memory_space<vmem>>
        %get3A_624 = tpu.memref_squeeze %get3A_623 : memref<1x128xf32, #tpu.memory_space<vmem>> -> memref<128xf32, #tpu.memory_space<vmem>>
        %get3A_625 = arith.constant 0 : index
        %get3A_626 = tpu.vector_load %get3A_624[%get3A_625] {strides = array<i32>} : memref<128xf32, #tpu.memory_space<vmem>>, vector<16xf32>,
        %get3A_627 = vector.shape_cast %get3A_626 : vector<16xf32> to vector<16xf32>
        %mul3A_628 = arith.constant 11.3137083 : f32
        %mul3A_629 = vector.broadcast %mul3A_628 : f32 to vector<16xf32>
        %mul3A_630 = arith.mulf %get3A_627, %mul3A_629 : vector<16xf32>
        %swap3A_631 = arith.constant 0 : i32
        %swap3A_632 = tpu.memref_slice %arg8[%add3A_621, %swap3A_631] : memref<200x128xf32, #tpu.memory_space<vmem>> -> memref<1x128xf32, #tpu.memory_space<vmem>>
        %swap3A_633 = tpu.memref_squeeze %swap3A_632 : memref<1x128xf32, #tpu.memory_space<vmem>> -> memref<128xf32, #tpu.memory_space<vmem>>
        %swap3A_634 = arith.constant 0 : index
        %swap3A_635 = tpu.vector_load %swap3A_633[%swap3A_634] {strides = array<i32>} : memref<128xf32, #tpu.memory_space<vmem>>, vector<16xf32>,
        %swap3A_636 = vector.shape_cast %swap3A_635 : vector<16xf32> to vector<16xf32>
        %swap3A_637 = vector.shape_cast %mul3A_630 : vector<16xf32> to vector<16xf32>
        tpu.vector_store %swap3A_633[%swap3A_634], %swap3A_637 {strides = array<i32>} : memref<128xf32, #tpu.memory_space<vmem>>, vector<16xf32>,
        %get3A_638 = arith.constant 0 : i32
        %get3A_639 = tpu.memref_slice %arg8[%add3A_621, %get3A_638] : memref<200x128xf32, #tpu.memory_space<vmem>> -> memref<1x128xf32, #tpu.memory_space<vmem>>
        %get3A_640 = tpu.memref_squeeze %get3A_639 : memref<1x128xf32, #tpu.memory_space<vmem>> -> memref<128xf32, #tpu.memory_space<vmem>>
        %get3A_641 = arith.constant 16 : index
        %get3A_642 = tpu.vector_load %get3A_640[%get3A_641] {strides = array<i32>} : memref<128xf32, #tpu.memory_space<vmem>>, vector<16xf32>,
        %get3A_643 = vector.shape_cast %get3A_642 : vector<16xf32> to vector<16xf32>
        %mul3A_644 = arith.constant 11.3137083 : f32
        %mul3A_645 = vector.broadcast %mul3A_644 : f32 to vector<16xf32>
        %mul3A_646 = arith.mulf %get3A_643, %mul3A_645 : vector<16xf32>
        %swap3A_647 = arith.constant 0 : i32
        %swap3A_648 = tpu.memref_slice %arg8[%add3A_621, %swap3A_647] : memref<200x128xf32, #tpu.memory_space<vmem>> -> memref<1x128xf32, #tpu.memory_space<vmem>>
        %swap3A_649 = tpu.memref_squeeze %swap3A_648 : memref<1x128xf32, #tpu.memory_space<vmem>> -> memref<128xf32, #tpu.memory_space<vmem>>
        %swap3A_650 = arith.constant 16 : index
        %swap3A_651 = tpu.vector_load %swap3A_649[%swap3A_650] {strides = array<i32>} : memref<128xf32, #tpu.memory_space<vmem>>, vector<16xf32>,
        %swap3A_652 = vector.shape_cast %swap3A_651 : vector<16xf32> to vector<16xf32>
        %swap3A_653 = vector.shape_cast %mul3A_646 : vector<16xf32> to vector<16xf32>
        tpu.vector_store %swap3A_649[%swap3A_650], %swap3A_653 {strides = array<i32>} : memref<128xf32, #tpu.memory_space<vmem>>, vector<16xf32>,
        %get3A_654 = arith.constant 0 : i32
        %get3A_655 = tpu.memref_slice %arg8[%add3A_621, %get3A_654] : memref<200x128xf32, #tpu.memory_space<vmem>> -> memref<1x128xf32, #tpu.memory_space<vmem>>
        %get3A_656 = tpu.memref_squeeze %get3A_655 : memref<1x128xf32, #tpu.memory_space<vmem>> -> memref<128xf32, #tpu.memory_space<vmem>>
        %get3A_657 = arith.constant 32 : index
        %get3A_658 = tpu.vector_load %get3A_656[%get3A_657] {strides = array<i32>} : memref<128xf32, #tpu.memory_space<vmem>>, vector<16xf32>,
        %get3A_659 = vector.shape_cast %get3A_658 : vector<16xf32> to vector<16xf32>
        %mul3A_660 = arith.constant 11.3137083 : f32
        %mul3A_661 = vector.broadcast %mul3A_660 : f32 to vector<16xf32>
        %mul3A_662 = arith.mulf %get3A_659, %mul3A_661 : vector<16xf32>
        %swap3A_663 = arith.constant 0 : i32
        %swap3A_664 = tpu.memref_slice %arg8[%add3A_621, %swap3A_663] : memref<200x128xf32, #tpu.memory_space<vmem>> -> memref<1x128xf32, #tpu.memory_space<vmem>>
        %swap3A_665 = tpu.memref_squeeze %swap3A_664 : memref<1x128xf32, #tpu.memory_space<vmem>> -> memref<128xf32, #tpu.memory_space<vmem>>
        %swap3A_666 = arith.constant 32 : index
        %swap3A_667 = tpu.vector_load %swap3A_665[%swap3A_666] {strides = array<i32>} : memref<128xf32, #tpu.memory_space<vmem>>, vector<16xf32>,
        %swap3A_668 = vector.shape_cast %swap3A_667 : vector<16xf32> to vector<16xf32>
        %swap3A_669 = vector.shape_cast %mul3A_662 : vector<16xf32> to vector<16xf32>
        tpu.vector_store %swap3A_665[%swap3A_666], %swap3A_669 {strides = array<i32>} : memref<128xf32, #tpu.memory_space<vmem>>, vector<16xf32>,
        %get3A_670 = arith.constant 0 : i32
        %get3A_671 = tpu.memref_slice %arg8[%add3A_621, %get3A_670] : memref<200x128xf32, #tpu.memory_space<vmem>> -> memref<1x128xf32, #tpu.memory_space<vmem>>
        %get3A_672 = tpu.memref_squeeze %get3A_671 : memref<1x128xf32, #tpu.memory_space<vmem>> -> memref<128xf32, #tpu.memory_space<vmem>>
        %get3A_673 = arith.constant 48 : index
        %get3A_674 = tpu.vector_load %get3A_672[%get3A_673] {strides = array<i32>} : memref<128xf32, #tpu.memory_space<vmem>>, vector<16xf32>,
        %get3A_675 = vector.shape_cast %get3A_674 : vector<16xf32> to vector<16xf32>
        %mul3A_676 = arith.constant 11.3137083 : f32
        %mul3A_677 = vector.broadcast %mul3A_676 : f32 to vector<16xf32>
        %mul3A_678 = arith.mulf %get3A_675, %mul3A_677 : vector<16xf32>
        %swap3A_679 = arith.constant 0 : i32
        %swap3A_680 = tpu.memref_slice %arg8[%add3A_621, %swap3A_679] : memref<200x128xf32, #tpu.memory_space<vmem>> -> memref<1x128xf32, #tpu.memory_space<vmem>>
        %swap3A_681 = tpu.memref_squeeze %swap3A_680 : memref<1x128xf32, #tpu.memory_space<vmem>> -> memref<128xf32, #tpu.memory_space<vmem>>
        %swap3A_682 = arith.constant 48 : index
        %swap3A_683 = tpu.vector_load %swap3A_681[%swap3A_682] {strides = array<i32>} : memref<128xf32, #tpu.memory_space<vmem>>, vector<16xf32>,
        %swap3A_684 = vector.shape_cast %swap3A_683 : vector<16xf32> to vector<16xf32>
        %swap3A_685 = vector.shape_cast %mul3A_678 : vector<16xf32> to vector<16xf32>
        tpu.vector_store %swap3A_681[%swap3A_682], %swap3A_685 {strides = array<i32>} : memref<128xf32, #tpu.memory_space<vmem>>, vector<16xf32>,
        %get3A_686 = arith.constant 0 : i32
        %get3A_687 = tpu.memref_slice %arg8[%add3A_621, %get3A_686] : memref<200x128xf32, #tpu.memory_space<vmem>> -> memref<1x128xf32, #tpu.memory_space<vmem>>
        %get3A_688 = tpu.memref_squeeze %get3A_687 : memref<1x128xf32, #tpu.memory_space<vmem>> -> memref<128xf32, #tpu.memory_space<vmem>>
        %get3A_689 = arith.constant 64 : index
        %get3A_690 = tpu.vector_load %get3A_688[%get3A_689] {strides = array<i32>} : memref<128xf32, #tpu.memory_space<vmem>>, vector<16xf32>,
        %get3A_691 = vector.shape_cast %get3A_690 : vector<16xf32> to vector<16xf32>
        %mul3A_692 = arith.constant 11.3137083 : f32
        %mul3A_693 = vector.broadcast %mul3A_692 : f32 to vector<16xf32>
        %mul3A_694 = arith.mulf %get3A_691, %mul3A_693 : vector<16xf32>
        %swap3A_695 = arith.constant 0 : i32
        %swap3A_696 = tpu.memref_slice %arg8[%add3A_621, %swap3A_695] : memref<200x128xf32, #tpu.memory_space<vmem>> -> memref<1x128xf32, #tpu.memory_space<vmem>>
        %swap3A_697 = tpu.memref_squeeze %swap3A_696 : memref<1x128xf32, #tpu.memory_space<vmem>> -> memref<128xf32, #tpu.memory_space<vmem>>
        %swap3A_698 = arith.constant 64 : index
        %swap3A_699 = tpu.vector_load %swap3A_697[%swap3A_698] {strides = array<i32>} : memref<128xf32, #tpu.memory_space<vmem>>, vector<16xf32>,
        %swap3A_700 = vector.shape_cast %swap3A_699 : vector<16xf32> to vector<16xf32>
        %swap3A_701 = vector.shape_cast %mul3A_694 : vector<16xf32> to vector<16xf32>
        tpu.vector_store %swap3A_697[%swap3A_698], %swap3A_701 {strides = array<i32>} : memref<128xf32, #tpu.memory_space<vmem>>, vector<16xf32>,
        %get3A_702 = arith.constant 0 : i32
        %get3A_703 = tpu.memref_slice %arg8[%add3A_621, %get3A_702] : memref<200x128xf32, #tpu.memory_space<vmem>> -> memref<1x128xf32, #tpu.memory_space<vmem>>
        %get3A_704 = tpu.memref_squeeze %get3A_703 : memref<1x128xf32, #tpu.memory_space<vmem>> -> memref<128xf32, #tpu.memory_space<vmem>>
        %get3A_705 = arith.constant 80 : index
        %get3A_706 = tpu.vector_load %get3A_704[%get3A_705] {strides = array<i32>} : memref<128xf32, #tpu.memory_space<vmem>>, vector<16xf32>,
        %get3A_707 = vector.shape_cast %get3A_706 : vector<16xf32> to vector<16xf32>
        %mul3A_708 = arith.constant 11.3137083 : f32
        %mul3A_709 = vector.broadcast %mul3A_708 : f32 to vector<16xf32>
        %mul3A_710 = arith.mulf %get3A_707, %mul3A_709 : vector<16xf32>
        %swap3A_711 = arith.constant 0 : i32
        %swap3A_712 = tpu.memref_slice %arg8[%add3A_621, %swap3A_711] : memref<200x128xf32, #tpu.memory_space<vmem>> -> memref<1x128xf32, #tpu.memory_space<vmem>>
        %swap3A_713 = tpu.memref_squeeze %swap3A_712 : memref<1x128xf32, #tpu.memory_space<vmem>> -> memref<128xf32, #tpu.memory_space<vmem>>
        %swap3A_714 = arith.constant 80 : index
        %swap3A_715 = tpu.vector_load %swap3A_713[%swap3A_714] {strides = array<i32>} : memref<128xf32, #tpu.memory_space<vmem>>, vector<16xf32>,
        %swap3A_716 = vector.shape_cast %swap3A_715 : vector<16xf32> to vector<16xf32>
        %swap3A_717 = vector.shape_cast %mul3A_710 : vector<16xf32> to vector<16xf32>
        tpu.vector_store %swap3A_713[%swap3A_714], %swap3A_717 {strides = array<i32>} : memref<128xf32, #tpu.memory_space<vmem>>, vector<16xf32>,
        %get3A_718 = arith.constant 0 : i32
        %get3A_719 = tpu.memref_slice %arg8[%add3A_621, %get3A_718] : memref<200x128xf32, #tpu.memory_space<vmem>> -> memref<1x128xf32, #tpu.memory_space<vmem>>
        %get3A_720 = tpu.memref_squeeze %get3A_719 : memref<1x128xf32, #tpu.memory_space<vmem>> -> memref<128xf32, #tpu.memory_space<vmem>>
        %get3A_721 = arith.constant 96 : index
        %get3A_722 = tpu.vector_load %get3A_720[%get3A_721] {strides = array<i32>} : memref<128xf32, #tpu.memory_space<vmem>>, vector<16xf32>,
        %get3A_723 = vector.shape_cast %get3A_722 : vector<16xf32> to vector<16xf32>
        %mul3A_724 = arith.constant 11.3137083 : f32
        %mul3A_725 = vector.broadcast %mul3A_724 : f32 to vector<16xf32>
        %mul3A_726 = arith.mulf %get3A_723, %mul3A_725 : vector<16xf32>
        %swap3A_727 = arith.constant 0 : i32
        %swap3A_728 = tpu.memref_slice %arg8[%add3A_621, %swap3A_727] : memref<200x128xf32, #tpu.memory_space<vmem>> -> memref<1x128xf32, #tpu.memory_space<vmem>>
        %swap3A_729 = tpu.memref_squeeze %swap3A_728 : memref<1x128xf32, #tpu.memory_space<vmem>> -> memref<128xf32, #tpu.memory_space<vmem>>
        %swap3A_730 = arith.constant 96 : index
        %swap3A_731 = tpu.vector_load %swap3A_729[%swap3A_730] {strides = array<i32>} : memref<128xf32, #tpu.memory_space<vmem>>, vector<16xf32>,
        %swap3A_732 = vector.shape_cast %swap3A_731 : vector<16xf32> to vector<16xf32>
        %swap3A_733 = vector.shape_cast %mul3A_726 : vector<16xf32> to vector<16xf32>
        tpu.vector_store %swap3A_729[%swap3A_730], %swap3A_733 {strides = array<i32>} : memref<128xf32, #tpu.memory_space<vmem>>, vector<16xf32>,
        %get3A_734 = arith.constant 0 : i32
        %get3A_735 = tpu.memref_slice %arg8[%add3A_621, %get3A_734] : memref<200x128xf32, #tpu.memory_space<vmem>> -> memref<1x128xf32, #tpu.memory_space<vmem>>
        %get3A_736 = tpu.memref_squeeze %get3A_735 : memref<1x128xf32, #tpu.memory_space<vmem>> -> memref<128xf32, #tpu.memory_space<vmem>>
        %get3A_737 = arith.constant 112 : index
        %get3A_738 = tpu.vector_load %get3A_736[%get3A_737] {strides = array<i32>} : memref<128xf32, #tpu.memory_space<vmem>>, vector<16xf32>,
        %get3A_739 = vector.shape_cast %get3A_738 : vector<16xf32> to vector<16xf32>
        %mul3A_740 = arith.constant 11.3137083 : f32
        %mul3A_741 = vector.broadcast %mul3A_740 : f32 to vector<16xf32>
        %mul3A_742 = arith.mulf %get3A_739, %mul3A_741 : vector<16xf32>
        %swap3A_743 = arith.constant 0 : i32
        %swap3A_744 = tpu.memref_slice %arg8[%add3A_621, %swap3A_743] : memref<200x128xf32, #tpu.memory_space<vmem>> -> memref<1x128xf32, #tpu.memory_space<vmem>>
        %swap3A_745 = tpu.memref_squeeze %swap3A_744 : memref<1x128xf32, #tpu.memory_space<vmem>> -> memref<128xf32, #tpu.memory_space<vmem>>
        %swap3A_746 = arith.constant 112 : index
        %swap3A_747 = tpu.vector_load %swap3A_745[%swap3A_746] {strides = array<i32>} : memref<128xf32, #tpu.memory_space<vmem>>, vector<16xf32>,
        %swap3A_748 = vector.shape_cast %swap3A_747 : vector<16xf32> to vector<16xf32>
        %swap3A_749 = vector.shape_cast %mul3A_742 : vector<16xf32> to vector<16xf32>
        tpu.vector_store %swap3A_745[%swap3A_746], %swap3A_749 {strides = array<i32>} : memref<128xf32, #tpu.memory_space<vmem>>, vector<16xf32>,
      }
      %scan3A_180 = arith.constant 50 : i32
      %add3A_181 = arith.addi %mul3A_2, %add3A_150 : i32
      %mul3A_182 = arith.constant 200 : i32
      %mul3A_183 = arith.muli %add3A_181, %mul3A_182 : i32
      %dma_start3A_184 = arith.constant 0 : i32
      %dma_start3A_185 = tpu.memref_slice %arg4[%mul3A_183, %dma_start3A_184] : memref<204800x128xf32, #tpu.memory_space<hbm>> -> memref<200x128xf32, #tpu.memory_space<hbm>>
      %dma_start3A_186 = arith.constant 0 : i32
      %dma_start3A_187 = tpu.memref_slice %arg4[%mul3A_183, %dma_start3A_186] : memref<204800x128xf32, #tpu.memory_space<hbm>> -> memref<200x128xf32, #tpu.memory_space<hbm>>
      tpu.enqueue_dma source(%arg8 : memref<200x128xf32, #tpu.memory_space<vmem>>) target(%dma_start3A_187 : memref<200x128xf32, #tpu.memory_space<hbm>>) target_semaphore(%arg16 : memref<!tpu.dma_semaphore, #tpu.memory_space<semaphore_mem>>)
      %add3A_188 = arith.constant 3 : i32
      %add3A_189 = arith.addi %add3A_73, %add3A_188 : i32
      %add3A_190 = arith.constant 2 : i32
      %add3A_191 = arith.addi %add3A_189, %add3A_190 : i32
      %lt3A_192 = arith.constant 32 : i32
      %lt3A_193 = arith.cmpi slt, %add3A_191, %lt3A_192 : i32
      %convert_element_type3A_194 = arith.extui %lt3A_193 : i1 to i32
      %cond3A_195 = arith.constant 0 : i32
      %cond3A_196 = arith.cmpi ne, %convert_element_type3A_194, %cond3A_195 : i32
      scf.if %cond3A_196 {
        %ge3A = arith.constant 4 : i32
        %ge3A_227 = arith.cmpi sge, %add3A_191, %ge3A : i32
        %convert_element_type3A_228 = arith.extui %ge3A_227 : i1 to i32
        %cond3A_229 = arith.constant 0 : i32
        %cond3A_230 = arith.cmpi ne, %convert_element_type3A_228, %cond3A_229 : i32
        scf.if %cond3A_230 {
          %dma_wait3A_249 = arith.constant 0 : i32
          %dma_wait3A_250 = arith.constant 0 : i32
          %dma_wait3A_251 = tpu.memref_slice %arg4[%dma_wait3A_249, %dma_wait3A_250] : memref<204800x128xf32, #tpu.memory_space<hbm>> -> memref<200x128xf32, #tpu.memory_space<hbm>>
          %dma_wait3A_252 = arith.constant 0 : i32
          %dma_wait3A_253 = arith.constant 0 : i32
          %dma_wait3A_254 = tpu.memref_slice %arg4[%dma_wait3A_252, %dma_wait3A_253] : memref<204800x128xf32, #tpu.memory_space<hbm>> -> memref<200x128xf32, #tpu.memory_space<hbm>>
          tpu.wait_dma2 semaphore(%arg15 : memref<!tpu.dma_semaphore, #tpu.memory_space<semaphore_mem>>) src(%arg7 : memref<200x128xf32, #tpu.memory_space<vmem>>) dst(%dma_wait3A_254 : memref<200x128xf32, #tpu.memory_space<hbm>>)
        } else {
        }
        %dma_start3A_231 = arith.constant 0 : i32
        %dma_start3A_232 = arith.constant 0 : i32
        %dma_start3A_233 = tpu.memref_slice %arg7[%dma_start3A_231, %dma_start3A_232] : memref<200x128xf32, #tpu.memory_space<vmem>> -> memref<128x128xf32, #tpu.memory_space<vmem>>
        %dma_start3A_234 = arith.constant 0 : i32
        %dma_start3A_235 = tpu.memref_slice %arg5[%add3A_191, %dma_start3A_234] : memref<32x200xi32, #tpu.memory_space<vmem>> -> memref<1x128xi32, #tpu.memory_space<vmem>>
        %dma_start3A_236 = tpu.memref_squeeze %dma_start3A_235 : memref<1x128xi32, #tpu.memory_space<vmem>> -> memref<128xi32, #tpu.memory_space<vmem>>
        %dma_start3A_237 = arith.constant 0 : i32
        %dma_start3A_238 = arith.constant 0 : i32
        %dma_start3A_239 = tpu.memref_slice %arg2[%dma_start3A_237, %dma_start3A_238] : memref<1000000x128xf32, #tpu.memory_space<hbm>> -> memref<1000000x128xf32, #tpu.memory_space<hbm>>
        tpu.enqueue_indirect_dma source(%dma_start3A_239 : memref<1000000x128xf32, #tpu.memory_space<hbm>>) target(%dma_start3A_233 : memref<128x128xf32, #tpu.memory_space<vmem>>) offsets(%dma_start3A_236 : memref<128xi32, #tpu.memory_space<vmem>>) semaphore(%arg11 : memref<!tpu.dma_semaphore, #tpu.memory_space<semaphore_mem>>)
        %dma_start3A_240 = arith.constant 128 : i32
        %dma_start3A_241 = arith.constant 0 : i32
        %dma_start3A_242 = tpu.memref_slice %arg7[%dma_start3A_240, %dma_start3A_241] : memref<200x128xf32, #tpu.memory_space<vmem>> -> memref<72x128xf32, #tpu.memory_space<vmem>>
        %dma_start3A_243 = arith.constant 128 : i32
        %dma_start3A_244 = tpu.memref_slice %arg5[%add3A_191, %dma_start3A_243] : memref<32x200xi32, #tpu.memory_space<vmem>> -> memref<1x72xi32, #tpu.memory_space<vmem>>
        %dma_start3A_245 = tpu.memref_squeeze %dma_start3A_244 : memref<1x72xi32, #tpu.memory_space<vmem>> -> memref<72xi32, #tpu.memory_space<vmem>>
        %dma_start3A_246 = arith.constant 0 : i32
        %dma_start3A_247 = arith.constant 0 : i32
        %dma_start3A_248 = tpu.memref_slice %arg2[%dma_start3A_246, %dma_start3A_247] : memref<1000000x128xf32, #tpu.memory_space<hbm>> -> memref<1000000x128xf32, #tpu.memory_space<hbm>>
        tpu.enqueue_indirect_dma source(%dma_start3A_248 : memref<1000000x128xf32, #tpu.memory_space<hbm>>) target(%dma_start3A_242 : memref<72x128xf32, #tpu.memory_space<vmem>>) offsets(%dma_start3A_245 : memref<72xi32, #tpu.memory_space<vmem>>) semaphore(%arg11 : memref<!tpu.dma_semaphore, #tpu.memory_space<semaphore_mem>>)
      } else {
      }
      %dma_wait3A_197 = arith.constant 0 : i32
      %dma_wait3A_198 = arith.constant 0 : i32
      %dma_wait3A_199 = tpu.memref_slice %arg9[%dma_wait3A_197, %dma_wait3A_198] : memref<200x128xf32, #tpu.memory_space<vmem>> -> memref<128x128xf32, #tpu.memory_space<vmem>>
      %dma_wait3A_200 = arith.constant 0 : i32
      %dma_wait3A_201 = tpu.memref_slice %arg5[%add3A_189, %dma_wait3A_200] : memref<32x200xi32, #tpu.memory_space<vmem>> -> memref<1x128xi32, #tpu.memory_space<vmem>>
      %dma_wait3A_202 = tpu.memref_squeeze %dma_wait3A_201 : memref<1x128xi32, #tpu.memory_space<vmem>> -> memref<128xi32, #tpu.memory_space<vmem>>
      %dma_wait3A_203 = arith.constant 0 : i32
      %dma_wait3A_204 = arith.constant 0 : i32
      %dma_wait3A_205 = tpu.memref_slice %arg2[%dma_wait3A_203, %dma_wait3A_204] : memref<1000000x128xf32, #tpu.memory_space<hbm>> -> memref<1000000x128xf32, #tpu.memory_space<hbm>>
      tpu.wait_indirect_dma semaphore(%arg13 : memref<!tpu.dma_semaphore, #tpu.memory_space<semaphore_mem>>) src(%dma_wait3A_205 : memref<1000000x128xf32, #tpu.memory_space<hbm>>) dst(%dma_wait3A_199 : memref<128x128xf32, #tpu.memory_space<vmem>>)
      %dma_wait3A_206 = arith.constant 128 : i32
      %dma_wait3A_207 = arith.constant 0 : i32
      %dma_wait3A_208 = tpu.memref_slice %arg9[%dma_wait3A_206, %dma_wait3A_207] : memref<200x128xf32, #tpu.memory_space<vmem>> -> memref<72x128xf32, #tpu.memory_space<vmem>>
      %dma_wait3A_209 = arith.constant 128 : i32
      %dma_wait3A_210 = tpu.memref_slice %arg5[%add3A_189, %dma_wait3A_209] : memref<32x200xi32, #tpu.memory_space<vmem>> -> memref<1x72xi32, #tpu.memory_space<vmem>>
      %dma_wait3A_211 = tpu.memref_squeeze %dma_wait3A_210 : memref<1x72xi32, #tpu.memory_space<vmem>> -> memref<72xi32, #tpu.memory_space<vmem>>
      %dma_wait3A_212 = arith.constant 0 : i32
      %dma_wait3A_213 = arith.constant 0 : i32
      %dma_wait3A_214 = tpu.memref_slice %arg2[%dma_wait3A_212, %dma_wait3A_213] : memref<1000000x128xf32, #tpu.memory_space<hbm>> -> memref<1000000x128xf32, #tpu.memory_space<hbm>>
      tpu.wait_indirect_dma semaphore(%arg13 : memref<!tpu.dma_semaphore, #tpu.memory_space<semaphore_mem>>) src(%dma_wait3A_214 : memref<1000000x128xf32, #tpu.memory_space<hbm>>) dst(%dma_wait3A_208 : memref<72x128xf32, #tpu.memory_space<vmem>>)
      %scan3A_215 = arith.constant 0 : i32
      %scan3A_216 = arith.constant 50 : i32
      %scan3A_217 = arith.addi %scan3A_215, %scan3A_216 : i32
      %scan3A_218 = arith.constant 1 : i32
      scf.for %scan3A_227 = %scan3A_215 to %scan3A_217 step %scan3A_218  : i32 {
        %mul3A_228 = arith.constant 4 : i32
        %mul3A_229 = arith.muli %scan3A_227, %mul3A_228 : i32
        %add3A_230 = arith.constant 0 : i32
        %add3A_231 = arith.addi %add3A_230, %mul3A_229 : i32
        %add3A_232 = arith.constant 0 : i32
        %add3A_233 = arith.addi %add3A_231, %add3A_232 : i32
        %get3A = arith.constant 0 : i32
        %get3A_234 = tpu.memref_slice %arg9[%add3A_233, %get3A] : memref<200x128xf32, #tpu.memory_space<vmem>> -> memref<1x128xf32, #tpu.memory_space<vmem>>
        %get3A_235 = tpu.memref_squeeze %get3A_234 : memref<1x128xf32, #tpu.memory_space<vmem>> -> memref<128xf32, #tpu.memory_space<vmem>>
        %get3A_236 = arith.constant 0 : index
        %get3A_237 = tpu.vector_load %get3A_235[%get3A_236] {strides = array<i32>} : memref<128xf32, #tpu.memory_space<vmem>>, vector<16xf32>,
        %get3A_238 = vector.shape_cast %get3A_237 : vector<16xf32> to vector<16xf32>
        %mul3A_239 = arith.constant 11.3137083 : f32
        %mul3A_240 = vector.broadcast %mul3A_239 : f32 to vector<16xf32>
        %mul3A_241 = arith.mulf %get3A_238, %mul3A_240 : vector<16xf32>
        %swap3A = arith.constant 0 : i32
        %swap3A_242 = tpu.memref_slice %arg9[%add3A_233, %swap3A] : memref<200x128xf32, #tpu.memory_space<vmem>> -> memref<1x128xf32, #tpu.memory_space<vmem>>
        %swap3A_243 = tpu.memref_squeeze %swap3A_242 : memref<1x128xf32, #tpu.memory_space<vmem>> -> memref<128xf32, #tpu.memory_space<vmem>>
        %swap3A_244 = arith.constant 0 : index
        %swap3A_245 = tpu.vector_load %swap3A_243[%swap3A_244] {strides = array<i32>} : memref<128xf32, #tpu.memory_space<vmem>>, vector<16xf32>,
        %swap3A_246 = vector.shape_cast %swap3A_245 : vector<16xf32> to vector<16xf32>
        %swap3A_247 = vector.shape_cast %mul3A_241 : vector<16xf32> to vector<16xf32>
        tpu.vector_store %swap3A_243[%swap3A_244], %swap3A_247 {strides = array<i32>} : memref<128xf32, #tpu.memory_space<vmem>>, vector<16xf32>,
        %get3A_248 = arith.constant 0 : i32
        %get3A_249 = tpu.memref_slice %arg9[%add3A_233, %get3A_248] : memref<200x128xf32, #tpu.memory_space<vmem>> -> memref<1x128xf32, #tpu.memory_space<vmem>>
        %get3A_250 = tpu.memref_squeeze %get3A_249 : memref<1x128xf32, #tpu.memory_space<vmem>> -> memref<128xf32, #tpu.memory_space<vmem>>
        %get3A_251 = arith.constant 16 : index
        %get3A_252 = tpu.vector_load %get3A_250[%get3A_251] {strides = array<i32>} : memref<128xf32, #tpu.memory_space<vmem>>, vector<16xf32>,
        %get3A_253 = vector.shape_cast %get3A_252 : vector<16xf32> to vector<16xf32>
        %mul3A_254 = arith.constant 11.3137083 : f32
        %mul3A_255 = vector.broadcast %mul3A_254 : f32 to vector<16xf32>
        %mul3A_256 = arith.mulf %get3A_253, %mul3A_255 : vector<16xf32>
        %swap3A_257 = arith.constant 0 : i32
        %swap3A_258 = tpu.memref_slice %arg9[%add3A_233, %swap3A_257] : memref<200x128xf32, #tpu.memory_space<vmem>> -> memref<1x128xf32, #tpu.memory_space<vmem>>
        %swap3A_259 = tpu.memref_squeeze %swap3A_258 : memref<1x128xf32, #tpu.memory_space<vmem>> -> memref<128xf32, #tpu.memory_space<vmem>>
        %swap3A_260 = arith.constant 16 : index
        %swap3A_261 = tpu.vector_load %swap3A_259[%swap3A_260] {strides = array<i32>} : memref<128xf32, #tpu.memory_space<vmem>>, vector<16xf32>,
        %swap3A_262 = vector.shape_cast %swap3A_261 : vector<16xf32> to vector<16xf32>
        %swap3A_263 = vector.shape_cast %mul3A_256 : vector<16xf32> to vector<16xf32>
        tpu.vector_store %swap3A_259[%swap3A_260], %swap3A_263 {strides = array<i32>} : memref<128xf32, #tpu.memory_space<vmem>>, vector<16xf32>,
        %get3A_264 = arith.constant 0 : i32
        %get3A_265 = tpu.memref_slice %arg9[%add3A_233, %get3A_264] : memref<200x128xf32, #tpu.memory_space<vmem>> -> memref<1x128xf32, #tpu.memory_space<vmem>>
        %get3A_266 = tpu.memref_squeeze %get3A_265 : memref<1x128xf32, #tpu.memory_space<vmem>> -> memref<128xf32, #tpu.memory_space<vmem>>
        %get3A_267 = arith.constant 32 : index
        %get3A_268 = tpu.vector_load %get3A_266[%get3A_267] {strides = array<i32>} : memref<128xf32, #tpu.memory_space<vmem>>, vector<16xf32>,
        %get3A_269 = vector.shape_cast %get3A_268 : vector<16xf32> to vector<16xf32>
        %mul3A_270 = arith.constant 11.3137083 : f32
        %mul3A_271 = vector.broadcast %mul3A_270 : f32 to vector<16xf32>
        %mul3A_272 = arith.mulf %get3A_269, %mul3A_271 : vector<16xf32>
        %swap3A_273 = arith.constant 0 : i32
        %swap3A_274 = tpu.memref_slice %arg9[%add3A_233, %swap3A_273] : memref<200x128xf32, #tpu.memory_space<vmem>> -> memref<1x128xf32, #tpu.memory_space<vmem>>
        %swap3A_275 = tpu.memref_squeeze %swap3A_274 : memref<1x128xf32, #tpu.memory_space<vmem>> -> memref<128xf32, #tpu.memory_space<vmem>>
        %swap3A_276 = arith.constant 32 : index
        %swap3A_277 = tpu.vector_load %swap3A_275[%swap3A_276] {strides = array<i32>} : memref<128xf32, #tpu.memory_space<vmem>>, vector<16xf32>,
        %swap3A_278 = vector.shape_cast %swap3A_277 : vector<16xf32> to vector<16xf32>
        %swap3A_279 = vector.shape_cast %mul3A_272 : vector<16xf32> to vector<16xf32>
        tpu.vector_store %swap3A_275[%swap3A_276], %swap3A_279 {strides = array<i32>} : memref<128xf32, #tpu.memory_space<vmem>>, vector<16xf32>,
        %get3A_280 = arith.constant 0 : i32
        %get3A_281 = tpu.memref_slice %arg9[%add3A_233, %get3A_280] : memref<200x128xf32, #tpu.memory_space<vmem>> -> memref<1x128xf32, #tpu.memory_space<vmem>>
        %get3A_282 = tpu.memref_squeeze %get3A_281 : memref<1x128xf32, #tpu.memory_space<vmem>> -> memref<128xf32, #tpu.memory_space<vmem>>
        %get3A_283 = arith.constant 48 : index
        %get3A_284 = tpu.vector_load %get3A_282[%get3A_283] {strides = array<i32>} : memref<128xf32, #tpu.memory_space<vmem>>, vector<16xf32>,
        %get3A_285 = vector.shape_cast %get3A_284 : vector<16xf32> to vector<16xf32>
        %mul3A_286 = arith.constant 11.3137083 : f32
        %mul3A_287 = vector.broadcast %mul3A_286 : f32 to vector<16xf32>
        %mul3A_288 = arith.mulf %get3A_285, %mul3A_287 : vector<16xf32>
        %swap3A_289 = arith.constant 0 : i32
        %swap3A_290 = tpu.memref_slice %arg9[%add3A_233, %swap3A_289] : memref<200x128xf32, #tpu.memory_space<vmem>> -> memref<1x128xf32, #tpu.memory_space<vmem>>
        %swap3A_291 = tpu.memref_squeeze %swap3A_290 : memref<1x128xf32, #tpu.memory_space<vmem>> -> memref<128xf32, #tpu.memory_space<vmem>>
        %swap3A_292 = arith.constant 48 : index
        %swap3A_293 = tpu.vector_load %swap3A_291[%swap3A_292] {strides = array<i32>} : memref<128xf32, #tpu.memory_space<vmem>>, vector<16xf32>,
        %swap3A_294 = vector.shape_cast %swap3A_293 : vector<16xf32> to vector<16xf32>
        %swap3A_295 = vector.shape_cast %mul3A_288 : vector<16xf32> to vector<16xf32>
        tpu.vector_store %swap3A_291[%swap3A_292], %swap3A_295 {strides = array<i32>} : memref<128xf32, #tpu.memory_space<vmem>>, vector<16xf32>,
        %get3A_296 = arith.constant 0 : i32
        %get3A_297 = tpu.memref_slice %arg9[%add3A_233, %get3A_296] : memref<200x128xf32, #tpu.memory_space<vmem>> -> memref<1x128xf32, #tpu.memory_space<vmem>>
        %get3A_298 = tpu.memref_squeeze %get3A_297 : memref<1x128xf32, #tpu.memory_space<vmem>> -> memref<128xf32, #tpu.memory_space<vmem>>
        %get3A_299 = arith.constant 64 : index
        %get3A_300 = tpu.vector_load %get3A_298[%get3A_299] {strides = array<i32>} : memref<128xf32, #tpu.memory_space<vmem>>, vector<16xf32>,
        %get3A_301 = vector.shape_cast %get3A_300 : vector<16xf32> to vector<16xf32>
        %mul3A_302 = arith.constant 11.3137083 : f32
        %mul3A_303 = vector.broadcast %mul3A_302 : f32 to vector<16xf32>
        %mul3A_304 = arith.mulf %get3A_301, %mul3A_303 : vector<16xf32>
        %swap3A_305 = arith.constant 0 : i32
        %swap3A_306 = tpu.memref_slice %arg9[%add3A_233, %swap3A_305] : memref<200x128xf32, #tpu.memory_space<vmem>> -> memref<1x128xf32, #tpu.memory_space<vmem>>
        %swap3A_307 = tpu.memref_squeeze %swap3A_306 : memref<1x128xf32, #tpu.memory_space<vmem>> -> memref<128xf32, #tpu.memory_space<vmem>>
        %swap3A_308 = arith.constant 64 : index
        %swap3A_309 = tpu.vector_load %swap3A_307[%swap3A_308] {strides = array<i32>} : memref<128xf32, #tpu.memory_space<vmem>>, vector<16xf32>,
        %swap3A_310 = vector.shape_cast %swap3A_309 : vector<16xf32> to vector<16xf32>
        %swap3A_311 = vector.shape_cast %mul3A_304 : vector<16xf32> to vector<16xf32>
        tpu.vector_store %swap3A_307[%swap3A_308], %swap3A_311 {strides = array<i32>} : memref<128xf32, #tpu.memory_space<vmem>>, vector<16xf32>,
        %get3A_312 = arith.constant 0 : i32
        %get3A_313 = tpu.memref_slice %arg9[%add3A_233, %get3A_312] : memref<200x128xf32, #tpu.memory_space<vmem>> -> memref<1x128xf32, #tpu.memory_space<vmem>>
        %get3A_314 = tpu.memref_squeeze %get3A_313 : memref<1x128xf32, #tpu.memory_space<vmem>> -> memref<128xf32, #tpu.memory_space<vmem>>
        %get3A_315 = arith.constant 80 : index
        %get3A_316 = tpu.vector_load %get3A_314[%get3A_315] {strides = array<i32>} : memref<128xf32, #tpu.memory_space<vmem>>, vector<16xf32>,
        %get3A_317 = vector.shape_cast %get3A_316 : vector<16xf32> to vector<16xf32>
        %mul3A_318 = arith.constant 11.3137083 : f32
        %mul3A_319 = vector.broadcast %mul3A_318 : f32 to vector<16xf32>
        %mul3A_320 = arith.mulf %get3A_317, %mul3A_319 : vector<16xf32>
        %swap3A_321 = arith.constant 0 : i32
        %swap3A_322 = tpu.memref_slice %arg9[%add3A_233, %swap3A_321] : memref<200x128xf32, #tpu.memory_space<vmem>> -> memref<1x128xf32, #tpu.memory_space<vmem>>
        %swap3A_323 = tpu.memref_squeeze %swap3A_322 : memref<1x128xf32, #tpu.memory_space<vmem>> -> memref<128xf32, #tpu.memory_space<vmem>>
        %swap3A_324 = arith.constant 80 : index
        %swap3A_325 = tpu.vector_load %swap3A_323[%swap3A_324] {strides = array<i32>} : memref<128xf32, #tpu.memory_space<vmem>>, vector<16xf32>,
        %swap3A_326 = vector.shape_cast %swap3A_325 : vector<16xf32> to vector<16xf32>
        %swap3A_327 = vector.shape_cast %mul3A_320 : vector<16xf32> to vector<16xf32>
        tpu.vector_store %swap3A_323[%swap3A_324], %swap3A_327 {strides = array<i32>} : memref<128xf32, #tpu.memory_space<vmem>>, vector<16xf32>,
        %get3A_328 = arith.constant 0 : i32
        %get3A_329 = tpu.memref_slice %arg9[%add3A_233, %get3A_328] : memref<200x128xf32, #tpu.memory_space<vmem>> -> memref<1x128xf32, #tpu.memory_space<vmem>>
        %get3A_330 = tpu.memref_squeeze %get3A_329 : memref<1x128xf32, #tpu.memory_space<vmem>> -> memref<128xf32, #tpu.memory_space<vmem>>
        %get3A_331 = arith.constant 96 : index
        %get3A_332 = tpu.vector_load %get3A_330[%get3A_331] {strides = array<i32>} : memref<128xf32, #tpu.memory_space<vmem>>, vector<16xf32>,
        %get3A_333 = vector.shape_cast %get3A_332 : vector<16xf32> to vector<16xf32>
        %mul3A_334 = arith.constant 11.3137083 : f32
        %mul3A_335 = vector.broadcast %mul3A_334 : f32 to vector<16xf32>
        %mul3A_336 = arith.mulf %get3A_333, %mul3A_335 : vector<16xf32>
        %swap3A_337 = arith.constant 0 : i32
        %swap3A_338 = tpu.memref_slice %arg9[%add3A_233, %swap3A_337] : memref<200x128xf32, #tpu.memory_space<vmem>> -> memref<1x128xf32, #tpu.memory_space<vmem>>
        %swap3A_339 = tpu.memref_squeeze %swap3A_338 : memref<1x128xf32, #tpu.memory_space<vmem>> -> memref<128xf32, #tpu.memory_space<vmem>>
        %swap3A_340 = arith.constant 96 : index
        %swap3A_341 = tpu.vector_load %swap3A_339[%swap3A_340] {strides = array<i32>} : memref<128xf32, #tpu.memory_space<vmem>>, vector<16xf32>,
        %swap3A_342 = vector.shape_cast %swap3A_341 : vector<16xf32> to vector<16xf32>
        %swap3A_343 = vector.shape_cast %mul3A_336 : vector<16xf32> to vector<16xf32>
        tpu.vector_store %swap3A_339[%swap3A_340], %swap3A_343 {strides = array<i32>} : memref<128xf32, #tpu.memory_space<vmem>>, vector<16xf32>,
        %get3A_344 = arith.constant 0 : i32
        %get3A_345 = tpu.memref_slice %arg9[%add3A_233, %get3A_344] : memref<200x128xf32, #tpu.memory_space<vmem>> -> memref<1x128xf32, #tpu.memory_space<vmem>>
        %get3A_346 = tpu.memref_squeeze %get3A_345 : memref<1x128xf32, #tpu.memory_space<vmem>> -> memref<128xf32, #tpu.memory_space<vmem>>
        %get3A_347 = arith.constant 112 : index
        %get3A_348 = tpu.vector_load %get3A_346[%get3A_347] {strides = array<i32>} : memref<128xf32, #tpu.memory_space<vmem>>, vector<16xf32>,
        %get3A_349 = vector.shape_cast %get3A_348 : vector<16xf32> to vector<16xf32>
        %mul3A_350 = arith.constant 11.3137083 : f32
        %mul3A_351 = vector.broadcast %mul3A_350 : f32 to vector<16xf32>
        %mul3A_352 = arith.mulf %get3A_349, %mul3A_351 : vector<16xf32>
        %swap3A_353 = arith.constant 0 : i32
        %swap3A_354 = tpu.memref_slice %arg9[%add3A_233, %swap3A_353] : memref<200x128xf32, #tpu.memory_space<vmem>> -> memref<1x128xf32, #tpu.memory_space<vmem>>
        %swap3A_355 = tpu.memref_squeeze %swap3A_354 : memref<1x128xf32, #tpu.memory_space<vmem>> -> memref<128xf32, #tpu.memory_space<vmem>>
        %swap3A_356 = arith.constant 112 : index
        %swap3A_357 = tpu.vector_load %swap3A_355[%swap3A_356] {strides = array<i32>} : memref<128xf32, #tpu.memory_space<vmem>>, vector<16xf32>,
        %swap3A_358 = vector.shape_cast %swap3A_357 : vector<16xf32> to vector<16xf32>
        %swap3A_359 = vector.shape_cast %mul3A_352 : vector<16xf32> to vector<16xf32>
        tpu.vector_store %swap3A_355[%swap3A_356], %swap3A_359 {strides = array<i32>} : memref<128xf32, #tpu.memory_space<vmem>>, vector<16xf32>,
        %add3A_360 = arith.constant 1 : i32
        %add3A_361 = arith.addi %add3A_231, %add3A_360 : i32
        %get3A_362 = arith.constant 0 : i32
        %get3A_363 = tpu.memref_slice %arg9[%add3A_361, %get3A_362] : memref<200x128xf32, #tpu.memory_space<vmem>> -> memref<1x128xf32, #tpu.memory_space<vmem>>
        %get3A_364 = tpu.memref_squeeze %get3A_363 : memref<1x128xf32, #tpu.memory_space<vmem>> -> memref<128xf32, #tpu.memory_space<vmem>>
        %get3A_365 = arith.constant 0 : index
        %get3A_366 = tpu.vector_load %get3A_364[%get3A_365] {strides = array<i32>} : memref<128xf32, #tpu.memory_space<vmem>>, vector<16xf32>,
        %get3A_367 = vector.shape_cast %get3A_366 : vector<16xf32> to vector<16xf32>
        %mul3A_368 = arith.constant 11.3137083 : f32
        %mul3A_369 = vector.broadcast %mul3A_368 : f32 to vector<16xf32>
        %mul3A_370 = arith.mulf %get3A_367, %mul3A_369 : vector<16xf32>
        %swap3A_371 = arith.constant 0 : i32
        %swap3A_372 = tpu.memref_slice %arg9[%add3A_361, %swap3A_371] : memref<200x128xf32, #tpu.memory_space<vmem>> -> memref<1x128xf32, #tpu.memory_space<vmem>>
        %swap3A_373 = tpu.memref_squeeze %swap3A_372 : memref<1x128xf32, #tpu.memory_space<vmem>> -> memref<128xf32, #tpu.memory_space<vmem>>
        %swap3A_374 = arith.constant 0 : index
        %swap3A_375 = tpu.vector_load %swap3A_373[%swap3A_374] {strides = array<i32>} : memref<128xf32, #tpu.memory_space<vmem>>, vector<16xf32>,
        %swap3A_376 = vector.shape_cast %swap3A_375 : vector<16xf32> to vector<16xf32>
        %swap3A_377 = vector.shape_cast %mul3A_370 : vector<16xf32> to vector<16xf32>
        tpu.vector_store %swap3A_373[%swap3A_374], %swap3A_377 {strides = array<i32>} : memref<128xf32, #tpu.memory_space<vmem>>, vector<16xf32>,
        %get3A_378 = arith.constant 0 : i32
        %get3A_379 = tpu.memref_slice %arg9[%add3A_361, %get3A_378] : memref<200x128xf32, #tpu.memory_space<vmem>> -> memref<1x128xf32, #tpu.memory_space<vmem>>
        %get3A_380 = tpu.memref_squeeze %get3A_379 : memref<1x128xf32, #tpu.memory_space<vmem>> -> memref<128xf32, #tpu.memory_space<vmem>>
        %get3A_381 = arith.constant 16 : index
        %get3A_382 = tpu.vector_load %get3A_380[%get3A_381] {strides = array<i32>} : memref<128xf32, #tpu.memory_space<vmem>>, vector<16xf32>,
        %get3A_383 = vector.shape_cast %get3A_382 : vector<16xf32> to vector<16xf32>
        %mul3A_384 = arith.constant 11.3137083 : f32
        %mul3A_385 = vector.broadcast %mul3A_384 : f32 to vector<16xf32>
        %mul3A_386 = arith.mulf %get3A_383, %mul3A_385 : vector<16xf32>
        %swap3A_387 = arith.constant 0 : i32
        %swap3A_388 = tpu.memref_slice %arg9[%add3A_361, %swap3A_387] : memref<200x128xf32, #tpu.memory_space<vmem>> -> memref<1x128xf32, #tpu.memory_space<vmem>>
        %swap3A_389 = tpu.memref_squeeze %swap3A_388 : memref<1x128xf32, #tpu.memory_space<vmem>> -> memref<128xf32, #tpu.memory_space<vmem>>
        %swap3A_390 = arith.constant 16 : index
        %swap3A_391 = tpu.vector_load %swap3A_389[%swap3A_390] {strides = array<i32>} : memref<128xf32, #tpu.memory_space<vmem>>, vector<16xf32>,
        %swap3A_392 = vector.shape_cast %swap3A_391 : vector<16xf32> to vector<16xf32>
        %swap3A_393 = vector.shape_cast %mul3A_386 : vector<16xf32> to vector<16xf32>
        tpu.vector_store %swap3A_389[%swap3A_390], %swap3A_393 {strides = array<i32>} : memref<128xf32, #tpu.memory_space<vmem>>, vector<16xf32>,
        %get3A_394 = arith.constant 0 : i32
        %get3A_395 = tpu.memref_slice %arg9[%add3A_361, %get3A_394] : memref<200x128xf32, #tpu.memory_space<vmem>> -> memref<1x128xf32, #tpu.memory_space<vmem>>
        %get3A_396 = tpu.memref_squeeze %get3A_395 : memref<1x128xf32, #tpu.memory_space<vmem>> -> memref<128xf32, #tpu.memory_space<vmem>>
        %get3A_397 = arith.constant 32 : index
        %get3A_398 = tpu.vector_load %get3A_396[%get3A_397] {strides = array<i32>} : memref<128xf32, #tpu.memory_space<vmem>>, vector<16xf32>,
        %get3A_399 = vector.shape_cast %get3A_398 : vector<16xf32> to vector<16xf32>
        %mul3A_400 = arith.constant 11.3137083 : f32
        %mul3A_401 = vector.broadcast %mul3A_400 : f32 to vector<16xf32>
        %mul3A_402 = arith.mulf %get3A_399, %mul3A_401 : vector<16xf32>
        %swap3A_403 = arith.constant 0 : i32
        %swap3A_404 = tpu.memref_slice %arg9[%add3A_361, %swap3A_403] : memref<200x128xf32, #tpu.memory_space<vmem>> -> memref<1x128xf32, #tpu.memory_space<vmem>>
        %swap3A_405 = tpu.memref_squeeze %swap3A_404 : memref<1x128xf32, #tpu.memory_space<vmem>> -> memref<128xf32, #tpu.memory_space<vmem>>
        %swap3A_406 = arith.constant 32 : index
        %swap3A_407 = tpu.vector_load %swap3A_405[%swap3A_406] {strides = array<i32>} : memref<128xf32, #tpu.memory_space<vmem>>, vector<16xf32>,
        %swap3A_408 = vector.shape_cast %swap3A_407 : vector<16xf32> to vector<16xf32>
        %swap3A_409 = vector.shape_cast %mul3A_402 : vector<16xf32> to vector<16xf32>
        tpu.vector_store %swap3A_405[%swap3A_406], %swap3A_409 {strides = array<i32>} : memref<128xf32, #tpu.memory_space<vmem>>, vector<16xf32>,
        %get3A_410 = arith.constant 0 : i32
        %get3A_411 = tpu.memref_slice %arg9[%add3A_361, %get3A_410] : memref<200x128xf32, #tpu.memory_space<vmem>> -> memref<1x128xf32, #tpu.memory_space<vmem>>
        %get3A_412 = tpu.memref_squeeze %get3A_411 : memref<1x128xf32, #tpu.memory_space<vmem>> -> memref<128xf32, #tpu.memory_space<vmem>>
        %get3A_413 = arith.constant 48 : index
        %get3A_414 = tpu.vector_load %get3A_412[%get3A_413] {strides = array<i32>} : memref<128xf32, #tpu.memory_space<vmem>>, vector<16xf32>,
        %get3A_415 = vector.shape_cast %get3A_414 : vector<16xf32> to vector<16xf32>
        %mul3A_416 = arith.constant 11.3137083 : f32
        %mul3A_417 = vector.broadcast %mul3A_416 : f32 to vector<16xf32>
        %mul3A_418 = arith.mulf %get3A_415, %mul3A_417 : vector<16xf32>
        %swap3A_419 = arith.constant 0 : i32
        %swap3A_420 = tpu.memref_slice %arg9[%add3A_361, %swap3A_419] : memref<200x128xf32, #tpu.memory_space<vmem>> -> memref<1x128xf32, #tpu.memory_space<vmem>>
        %swap3A_421 = tpu.memref_squeeze %swap3A_420 : memref<1x128xf32, #tpu.memory_space<vmem>> -> memref<128xf32, #tpu.memory_space<vmem>>
        %swap3A_422 = arith.constant 48 : index
        %swap3A_423 = tpu.vector_load %swap3A_421[%swap3A_422] {strides = array<i32>} : memref<128xf32, #tpu.memory_space<vmem>>, vector<16xf32>,
        %swap3A_424 = vector.shape_cast %swap3A_423 : vector<16xf32> to vector<16xf32>
        %swap3A_425 = vector.shape_cast %mul3A_418 : vector<16xf32> to vector<16xf32>
        tpu.vector_store %swap3A_421[%swap3A_422], %swap3A_425 {strides = array<i32>} : memref<128xf32, #tpu.memory_space<vmem>>, vector<16xf32>,
        %get3A_426 = arith.constant 0 : i32
        %get3A_427 = tpu.memref_slice %arg9[%add3A_361, %get3A_426] : memref<200x128xf32, #tpu.memory_space<vmem>> -> memref<1x128xf32, #tpu.memory_space<vmem>>
        %get3A_428 = tpu.memref_squeeze %get3A_427 : memref<1x128xf32, #tpu.memory_space<vmem>> -> memref<128xf32, #tpu.memory_space<vmem>>
        %get3A_429 = arith.constant 64 : index
        %get3A_430 = tpu.vector_load %get3A_428[%get3A_429] {strides = array<i32>} : memref<128xf32, #tpu.memory_space<vmem>>, vector<16xf32>,
        %get3A_431 = vector.shape_cast %get3A_430 : vector<16xf32> to vector<16xf32>
        %mul3A_432 = arith.constant 11.3137083 : f32
        %mul3A_433 = vector.broadcast %mul3A_432 : f32 to vector<16xf32>
        %mul3A_434 = arith.mulf %get3A_431, %mul3A_433 : vector<16xf32>
        %swap3A_435 = arith.constant 0 : i32
        %swap3A_436 = tpu.memref_slice %arg9[%add3A_361, %swap3A_435] : memref<200x128xf32, #tpu.memory_space<vmem>> -> memref<1x128xf32, #tpu.memory_space<vmem>>
        %swap3A_437 = tpu.memref_squeeze %swap3A_436 : memref<1x128xf32, #tpu.memory_space<vmem>> -> memref<128xf32, #tpu.memory_space<vmem>>
        %swap3A_438 = arith.constant 64 : index
        %swap3A_439 = tpu.vector_load %swap3A_437[%swap3A_438] {strides = array<i32>} : memref<128xf32, #tpu.memory_space<vmem>>, vector<16xf32>,
        %swap3A_440 = vector.shape_cast %swap3A_439 : vector<16xf32> to vector<16xf32>
        %swap3A_441 = vector.shape_cast %mul3A_434 : vector<16xf32> to vector<16xf32>
        tpu.vector_store %swap3A_437[%swap3A_438], %swap3A_441 {strides = array<i32>} : memref<128xf32, #tpu.memory_space<vmem>>, vector<16xf32>,
        %get3A_442 = arith.constant 0 : i32
        %get3A_443 = tpu.memref_slice %arg9[%add3A_361, %get3A_442] : memref<200x128xf32, #tpu.memory_space<vmem>> -> memref<1x128xf32, #tpu.memory_space<vmem>>
        %get3A_444 = tpu.memref_squeeze %get3A_443 : memref<1x128xf32, #tpu.memory_space<vmem>> -> memref<128xf32, #tpu.memory_space<vmem>>
        %get3A_445 = arith.constant 80 : index
        %get3A_446 = tpu.vector_load %get3A_444[%get3A_445] {strides = array<i32>} : memref<128xf32, #tpu.memory_space<vmem>>, vector<16xf32>,
        %get3A_447 = vector.shape_cast %get3A_446 : vector<16xf32> to vector<16xf32>
        %mul3A_448 = arith.constant 11.3137083 : f32
        %mul3A_449 = vector.broadcast %mul3A_448 : f32 to vector<16xf32>
        %mul3A_450 = arith.mulf %get3A_447, %mul3A_449 : vector<16xf32>
        %swap3A_451 = arith.constant 0 : i32
        %swap3A_452 = tpu.memref_slice %arg9[%add3A_361, %swap3A_451] : memref<200x128xf32, #tpu.memory_space<vmem>> -> memref<1x128xf32, #tpu.memory_space<vmem>>
        %swap3A_453 = tpu.memref_squeeze %swap3A_452 : memref<1x128xf32, #tpu.memory_space<vmem>> -> memref<128xf32, #tpu.memory_space<vmem>>
        %swap3A_454 = arith.constant 80 : index
        %swap3A_455 = tpu.vector_load %swap3A_453[%swap3A_454] {strides = array<i32>} : memref<128xf32, #tpu.memory_space<vmem>>, vector<16xf32>,
        %swap3A_456 = vector.shape_cast %swap3A_455 : vector<16xf32> to vector<16xf32>
        %swap3A_457 = vector.shape_cast %mul3A_450 : vector<16xf32> to vector<16xf32>
        tpu.vector_store %swap3A_453[%swap3A_454], %swap3A_457 {strides = array<i32>} : memref<128xf32, #tpu.memory_space<vmem>>, vector<16xf32>,
        %get3A_458 = arith.constant 0 : i32
        %get3A_459 = tpu.memref_slice %arg9[%add3A_361, %get3A_458] : memref<200x128xf32, #tpu.memory_space<vmem>> -> memref<1x128xf32, #tpu.memory_space<vmem>>
        %get3A_460 = tpu.memref_squeeze %get3A_459 : memref<1x128xf32, #tpu.memory_space<vmem>> -> memref<128xf32, #tpu.memory_space<vmem>>
        %get3A_461 = arith.constant 96 : index
        %get3A_462 = tpu.vector_load %get3A_460[%get3A_461] {strides = array<i32>} : memref<128xf32, #tpu.memory_space<vmem>>, vector<16xf32>,
        %get3A_463 = vector.shape_cast %get3A_462 : vector<16xf32> to vector<16xf32>
        %mul3A_464 = arith.constant 11.3137083 : f32
        %mul3A_465 = vector.broadcast %mul3A_464 : f32 to vector<16xf32>
        %mul3A_466 = arith.mulf %get3A_463, %mul3A_465 : vector<16xf32>
        %swap3A_467 = arith.constant 0 : i32
        %swap3A_468 = tpu.memref_slice %arg9[%add3A_361, %swap3A_467] : memref<200x128xf32, #tpu.memory_space<vmem>> -> memref<1x128xf32, #tpu.memory_space<vmem>>
        %swap3A_469 = tpu.memref_squeeze %swap3A_468 : memref<1x128xf32, #tpu.memory_space<vmem>> -> memref<128xf32, #tpu.memory_space<vmem>>
        %swap3A_470 = arith.constant 96 : index
        %swap3A_471 = tpu.vector_load %swap3A_469[%swap3A_470] {strides = array<i32>} : memref<128xf32, #tpu.memory_space<vmem>>, vector<16xf32>,
        %swap3A_472 = vector.shape_cast %swap3A_471 : vector<16xf32> to vector<16xf32>
        %swap3A_473 = vector.shape_cast %mul3A_466 : vector<16xf32> to vector<16xf32>
        tpu.vector_store %swap3A_469[%swap3A_470], %swap3A_473 {strides = array<i32>} : memref<128xf32, #tpu.memory_space<vmem>>, vector<16xf32>,
        %get3A_474 = arith.constant 0 : i32
        %get3A_475 = tpu.memref_slice %arg9[%add3A_361, %get3A_474] : memref<200x128xf32, #tpu.memory_space<vmem>> -> memref<1x128xf32, #tpu.memory_space<vmem>>
        %get3A_476 = tpu.memref_squeeze %get3A_475 : memref<1x128xf32, #tpu.memory_space<vmem>> -> memref<128xf32, #tpu.memory_space<vmem>>
        %get3A_477 = arith.constant 112 : index
        %get3A_478 = tpu.vector_load %get3A_476[%get3A_477] {strides = array<i32>} : memref<128xf32, #tpu.memory_space<vmem>>, vector<16xf32>,
        %get3A_479 = vector.shape_cast %get3A_478 : vector<16xf32> to vector<16xf32>
        %mul3A_480 = arith.constant 11.3137083 : f32
        %mul3A_481 = vector.broadcast %mul3A_480 : f32 to vector<16xf32>
        %mul3A_482 = arith.mulf %get3A_479, %mul3A_481 : vector<16xf32>
        %swap3A_483 = arith.constant 0 : i32
        %swap3A_484 = tpu.memref_slice %arg9[%add3A_361, %swap3A_483] : memref<200x128xf32, #tpu.memory_space<vmem>> -> memref<1x128xf32, #tpu.memory_space<vmem>>
        %swap3A_485 = tpu.memref_squeeze %swap3A_484 : memref<1x128xf32, #tpu.memory_space<vmem>> -> memref<128xf32, #tpu.memory_space<vmem>>
        %swap3A_486 = arith.constant 112 : index
        %swap3A_487 = tpu.vector_load %swap3A_485[%swap3A_486] {strides = array<i32>} : memref<128xf32, #tpu.memory_space<vmem>>, vector<16xf32>,
        %swap3A_488 = vector.shape_cast %swap3A_487 : vector<16xf32> to vector<16xf32>
        %swap3A_489 = vector.shape_cast %mul3A_482 : vector<16xf32> to vector<16xf32>
        tpu.vector_store %swap3A_485[%swap3A_486], %swap3A_489 {strides = array<i32>} : memref<128xf32, #tpu.memory_space<vmem>>, vector<16xf32>,
        %add3A_490 = arith.constant 2 : i32
        %add3A_491 = arith.addi %add3A_231, %add3A_490 : i32
        %get3A_492 = arith.constant 0 : i32
        %get3A_493 = tpu.memref_slice %arg9[%add3A_491, %get3A_492] : memref<200x128xf32, #tpu.memory_space<vmem>> -> memref<1x128xf32, #tpu.memory_space<vmem>>
        %get3A_494 = tpu.memref_squeeze %get3A_493 : memref<1x128xf32, #tpu.memory_space<vmem>> -> memref<128xf32, #tpu.memory_space<vmem>>
        %get3A_495 = arith.constant 0 : index
        %get3A_496 = tpu.vector_load %get3A_494[%get3A_495] {strides = array<i32>} : memref<128xf32, #tpu.memory_space<vmem>>, vector<16xf32>,
        %get3A_497 = vector.shape_cast %get3A_496 : vector<16xf32> to vector<16xf32>
        %mul3A_498 = arith.constant 11.3137083 : f32
        %mul3A_499 = vector.broadcast %mul3A_498 : f32 to vector<16xf32>
        %mul3A_500 = arith.mulf %get3A_497, %mul3A_499 : vector<16xf32>
        %swap3A_501 = arith.constant 0 : i32
        %swap3A_502 = tpu.memref_slice %arg9[%add3A_491, %swap3A_501] : memref<200x128xf32, #tpu.memory_space<vmem>> -> memref<1x128xf32, #tpu.memory_space<vmem>>
        %swap3A_503 = tpu.memref_squeeze %swap3A_502 : memref<1x128xf32, #tpu.memory_space<vmem>> -> memref<128xf32, #tpu.memory_space<vmem>>
        %swap3A_504 = arith.constant 0 : index
        %swap3A_505 = tpu.vector_load %swap3A_503[%swap3A_504] {strides = array<i32>} : memref<128xf32, #tpu.memory_space<vmem>>, vector<16xf32>,
        %swap3A_506 = vector.shape_cast %swap3A_505 : vector<16xf32> to vector<16xf32>
        %swap3A_507 = vector.shape_cast %mul3A_500 : vector<16xf32> to vector<16xf32>
        tpu.vector_store %swap3A_503[%swap3A_504], %swap3A_507 {strides = array<i32>} : memref<128xf32, #tpu.memory_space<vmem>>, vector<16xf32>,
        %get3A_508 = arith.constant 0 : i32
        %get3A_509 = tpu.memref_slice %arg9[%add3A_491, %get3A_508] : memref<200x128xf32, #tpu.memory_space<vmem>> -> memref<1x128xf32, #tpu.memory_space<vmem>>
        %get3A_510 = tpu.memref_squeeze %get3A_509 : memref<1x128xf32, #tpu.memory_space<vmem>> -> memref<128xf32, #tpu.memory_space<vmem>>
        %get3A_511 = arith.constant 16 : index
        %get3A_512 = tpu.vector_load %get3A_510[%get3A_511] {strides = array<i32>} : memref<128xf32, #tpu.memory_space<vmem>>, vector<16xf32>,
        %get3A_513 = vector.shape_cast %get3A_512 : vector<16xf32> to vector<16xf32>
        %mul3A_514 = arith.constant 11.3137083 : f32
        %mul3A_515 = vector.broadcast %mul3A_514 : f32 to vector<16xf32>
        %mul3A_516 = arith.mulf %get3A_513, %mul3A_515 : vector<16xf32>
        %swap3A_517 = arith.constant 0 : i32
        %swap3A_518 = tpu.memref_slice %arg9[%add3A_491, %swap3A_517] : memref<200x128xf32, #tpu.memory_space<vmem>> -> memref<1x128xf32, #tpu.memory_space<vmem>>
        %swap3A_519 = tpu.memref_squeeze %swap3A_518 : memref<1x128xf32, #tpu.memory_space<vmem>> -> memref<128xf32, #tpu.memory_space<vmem>>
        %swap3A_520 = arith.constant 16 : index
        %swap3A_521 = tpu.vector_load %swap3A_519[%swap3A_520] {strides = array<i32>} : memref<128xf32, #tpu.memory_space<vmem>>, vector<16xf32>,
        %swap3A_522 = vector.shape_cast %swap3A_521 : vector<16xf32> to vector<16xf32>
        %swap3A_523 = vector.shape_cast %mul3A_516 : vector<16xf32> to vector<16xf32>
        tpu.vector_store %swap3A_519[%swap3A_520], %swap3A_523 {strides = array<i32>} : memref<128xf32, #tpu.memory_space<vmem>>, vector<16xf32>,
        %get3A_524 = arith.constant 0 : i32
        %get3A_525 = tpu.memref_slice %arg9[%add3A_491, %get3A_524] : memref<200x128xf32, #tpu.memory_space<vmem>> -> memref<1x128xf32, #tpu.memory_space<vmem>>
        %get3A_526 = tpu.memref_squeeze %get3A_525 : memref<1x128xf32, #tpu.memory_space<vmem>> -> memref<128xf32, #tpu.memory_space<vmem>>
        %get3A_527 = arith.constant 32 : index
        %get3A_528 = tpu.vector_load %get3A_526[%get3A_527] {strides = array<i32>} : memref<128xf32, #tpu.memory_space<vmem>>, vector<16xf32>,
        %get3A_529 = vector.shape_cast %get3A_528 : vector<16xf32> to vector<16xf32>
        %mul3A_530 = arith.constant 11.3137083 : f32
        %mul3A_531 = vector.broadcast %mul3A_530 : f32 to vector<16xf32>
        %mul3A_532 = arith.mulf %get3A_529, %mul3A_531 : vector<16xf32>
        %swap3A_533 = arith.constant 0 : i32
        %swap3A_534 = tpu.memref_slice %arg9[%add3A_491, %swap3A_533] : memref<200x128xf32, #tpu.memory_space<vmem>> -> memref<1x128xf32, #tpu.memory_space<vmem>>
        %swap3A_535 = tpu.memref_squeeze %swap3A_534 : memref<1x128xf32, #tpu.memory_space<vmem>> -> memref<128xf32, #tpu.memory_space<vmem>>
        %swap3A_536 = arith.constant 32 : index
        %swap3A_537 = tpu.vector_load %swap3A_535[%swap3A_536] {strides = array<i32>} : memref<128xf32, #tpu.memory_space<vmem>>, vector<16xf32>,
        %swap3A_538 = vector.shape_cast %swap3A_537 : vector<16xf32> to vector<16xf32>
        %swap3A_539 = vector.shape_cast %mul3A_532 : vector<16xf32> to vector<16xf32>
        tpu.vector_store %swap3A_535[%swap3A_536], %swap3A_539 {strides = array<i32>} : memref<128xf32, #tpu.memory_space<vmem>>, vector<16xf32>,
        %get3A_540 = arith.constant 0 : i32
        %get3A_541 = tpu.memref_slice %arg9[%add3A_491, %get3A_540] : memref<200x128xf32, #tpu.memory_space<vmem>> -> memref<1x128xf32, #tpu.memory_space<vmem>>
        %get3A_542 = tpu.memref_squeeze %get3A_541 : memref<1x128xf32, #tpu.memory_space<vmem>> -> memref<128xf32, #tpu.memory_space<vmem>>
        %get3A_543 = arith.constant 48 : index
        %get3A_544 = tpu.vector_load %get3A_542[%get3A_543] {strides = array<i32>} : memref<128xf32, #tpu.memory_space<vmem>>, vector<16xf32>,
        %get3A_545 = vector.shape_cast %get3A_544 : vector<16xf32> to vector<16xf32>
        %mul3A_546 = arith.constant 11.3137083 : f32
        %mul3A_547 = vector.broadcast %mul3A_546 : f32 to vector<16xf32>
        %mul3A_548 = arith.mulf %get3A_545, %mul3A_547 : vector<16xf32>
        %swap3A_549 = arith.constant 0 : i32
        %swap3A_550 = tpu.memref_slice %arg9[%add3A_491, %swap3A_549] : memref<200x128xf32, #tpu.memory_space<vmem>> -> memref<1x128xf32, #tpu.memory_space<vmem>>
        %swap3A_551 = tpu.memref_squeeze %swap3A_550 : memref<1x128xf32, #tpu.memory_space<vmem>> -> memref<128xf32, #tpu.memory_space<vmem>>
        %swap3A_552 = arith.constant 48 : index
        %swap3A_553 = tpu.vector_load %swap3A_551[%swap3A_552] {strides = array<i32>} : memref<128xf32, #tpu.memory_space<vmem>>, vector<16xf32>,
        %swap3A_554 = vector.shape_cast %swap3A_553 : vector<16xf32> to vector<16xf32>
        %swap3A_555 = vector.shape_cast %mul3A_548 : vector<16xf32> to vector<16xf32>
        tpu.vector_store %swap3A_551[%swap3A_552], %swap3A_555 {strides = array<i32>} : memref<128xf32, #tpu.memory_space<vmem>>, vector<16xf32>,
        %get3A_556 = arith.constant 0 : i32
        %get3A_557 = tpu.memref_slice %arg9[%add3A_491, %get3A_556] : memref<200x128xf32, #tpu.memory_space<vmem>> -> memref<1x128xf32, #tpu.memory_space<vmem>>
        %get3A_558 = tpu.memref_squeeze %get3A_557 : memref<1x128xf32, #tpu.memory_space<vmem>> -> memref<128xf32, #tpu.memory_space<vmem>>
        %get3A_559 = arith.constant 64 : index
        %get3A_560 = tpu.vector_load %get3A_558[%get3A_559] {strides = array<i32>} : memref<128xf32, #tpu.memory_space<vmem>>, vector<16xf32>,
        %get3A_561 = vector.shape_cast %get3A_560 : vector<16xf32> to vector<16xf32>
        %mul3A_562 = arith.constant 11.3137083 : f32
        %mul3A_563 = vector.broadcast %mul3A_562 : f32 to vector<16xf32>
        %mul3A_564 = arith.mulf %get3A_561, %mul3A_563 : vector<16xf32>
        %swap3A_565 = arith.constant 0 : i32
        %swap3A_566 = tpu.memref_slice %arg9[%add3A_491, %swap3A_565] : memref<200x128xf32, #tpu.memory_space<vmem>> -> memref<1x128xf32, #tpu.memory_space<vmem>>
        %swap3A_567 = tpu.memref_squeeze %swap3A_566 : memref<1x128xf32, #tpu.memory_space<vmem>> -> memref<128xf32, #tpu.memory_space<vmem>>
        %swap3A_568 = arith.constant 64 : index
        %swap3A_569 = tpu.vector_load %swap3A_567[%swap3A_568] {strides = array<i32>} : memref<128xf32, #tpu.memory_space<vmem>>, vector<16xf32>,
        %swap3A_570 = vector.shape_cast %swap3A_569 : vector<16xf32> to vector<16xf32>
        %swap3A_571 = vector.shape_cast %mul3A_564 : vector<16xf32> to vector<16xf32>
        tpu.vector_store %swap3A_567[%swap3A_568], %swap3A_571 {strides = array<i32>} : memref<128xf32, #tpu.memory_space<vmem>>, vector<16xf32>,
        %get3A_572 = arith.constant 0 : i32
        %get3A_573 = tpu.memref_slice %arg9[%add3A_491, %get3A_572] : memref<200x128xf32, #tpu.memory_space<vmem>> -> memref<1x128xf32, #tpu.memory_space<vmem>>
        %get3A_574 = tpu.memref_squeeze %get3A_573 : memref<1x128xf32, #tpu.memory_space<vmem>> -> memref<128xf32, #tpu.memory_space<vmem>>
        %get3A_575 = arith.constant 80 : index
        %get3A_576 = tpu.vector_load %get3A_574[%get3A_575] {strides = array<i32>} : memref<128xf32, #tpu.memory_space<vmem>>, vector<16xf32>,
        %get3A_577 = vector.shape_cast %get3A_576 : vector<16xf32> to vector<16xf32>
        %mul3A_578 = arith.constant 11.3137083 : f32
        %mul3A_579 = vector.broadcast %mul3A_578 : f32 to vector<16xf32>
        %mul3A_580 = arith.mulf %get3A_577, %mul3A_579 : vector<16xf32>
        %swap3A_581 = arith.constant 0 : i32
        %swap3A_582 = tpu.memref_slice %arg9[%add3A_491, %swap3A_581] : memref<200x128xf32, #tpu.memory_space<vmem>> -> memref<1x128xf32, #tpu.memory_space<vmem>>
        %swap3A_583 = tpu.memref_squeeze %swap3A_582 : memref<1x128xf32, #tpu.memory_space<vmem>> -> memref<128xf32, #tpu.memory_space<vmem>>
        %swap3A_584 = arith.constant 80 : index
        %swap3A_585 = tpu.vector_load %swap3A_583[%swap3A_584] {strides = array<i32>} : memref<128xf32, #tpu.memory_space<vmem>>, vector<16xf32>,
        %swap3A_586 = vector.shape_cast %swap3A_585 : vector<16xf32> to vector<16xf32>
        %swap3A_587 = vector.shape_cast %mul3A_580 : vector<16xf32> to vector<16xf32>
        tpu.vector_store %swap3A_583[%swap3A_584], %swap3A_587 {strides = array<i32>} : memref<128xf32, #tpu.memory_space<vmem>>, vector<16xf32>,
        %get3A_588 = arith.constant 0 : i32
        %get3A_589 = tpu.memref_slice %arg9[%add3A_491, %get3A_588] : memref<200x128xf32, #tpu.memory_space<vmem>> -> memref<1x128xf32, #tpu.memory_space<vmem>>
        %get3A_590 = tpu.memref_squeeze %get3A_589 : memref<1x128xf32, #tpu.memory_space<vmem>> -> memref<128xf32, #tpu.memory_space<vmem>>
        %get3A_591 = arith.constant 96 : index
        %get3A_592 = tpu.vector_load %get3A_590[%get3A_591] {strides = array<i32>} : memref<128xf32, #tpu.memory_space<vmem>>, vector<16xf32>,
        %get3A_593 = vector.shape_cast %get3A_592 : vector<16xf32> to vector<16xf32>
        %mul3A_594 = arith.constant 11.3137083 : f32
        %mul3A_595 = vector.broadcast %mul3A_594 : f32 to vector<16xf32>
        %mul3A_596 = arith.mulf %get3A_593, %mul3A_595 : vector<16xf32>
        %swap3A_597 = arith.constant 0 : i32
        %swap3A_598 = tpu.memref_slice %arg9[%add3A_491, %swap3A_597] : memref<200x128xf32, #tpu.memory_space<vmem>> -> memref<1x128xf32, #tpu.memory_space<vmem>>
        %swap3A_599 = tpu.memref_squeeze %swap3A_598 : memref<1x128xf32, #tpu.memory_space<vmem>> -> memref<128xf32, #tpu.memory_space<vmem>>
        %swap3A_600 = arith.constant 96 : index
        %swap3A_601 = tpu.vector_load %swap3A_599[%swap3A_600] {strides = array<i32>} : memref<128xf32, #tpu.memory_space<vmem>>, vector<16xf32>,
        %swap3A_602 = vector.shape_cast %swap3A_601 : vector<16xf32> to vector<16xf32>
        %swap3A_603 = vector.shape_cast %mul3A_596 : vector<16xf32> to vector<16xf32>
        tpu.vector_store %swap3A_599[%swap3A_600], %swap3A_603 {strides = array<i32>} : memref<128xf32, #tpu.memory_space<vmem>>, vector<16xf32>,
        %get3A_604 = arith.constant 0 : i32
        %get3A_605 = tpu.memref_slice %arg9[%add3A_491, %get3A_604] : memref<200x128xf32, #tpu.memory_space<vmem>> -> memref<1x128xf32, #tpu.memory_space<vmem>>
        %get3A_606 = tpu.memref_squeeze %get3A_605 : memref<1x128xf32, #tpu.memory_space<vmem>> -> memref<128xf32, #tpu.memory_space<vmem>>
        %get3A_607 = arith.constant 112 : index
        %get3A_608 = tpu.vector_load %get3A_606[%get3A_607] {strides = array<i32>} : memref<128xf32, #tpu.memory_space<vmem>>, vector<16xf32>,
        %get3A_609 = vector.shape_cast %get3A_608 : vector<16xf32> to vector<16xf32>
        %mul3A_610 = arith.constant 11.3137083 : f32
        %mul3A_611 = vector.broadcast %mul3A_610 : f32 to vector<16xf32>
        %mul3A_612 = arith.mulf %get3A_609, %mul3A_611 : vector<16xf32>
        %swap3A_613 = arith.constant 0 : i32
        %swap3A_614 = tpu.memref_slice %arg9[%add3A_491, %swap3A_613] : memref<200x128xf32, #tpu.memory_space<vmem>> -> memref<1x128xf32, #tpu.memory_space<vmem>>
        %swap3A_615 = tpu.memref_squeeze %swap3A_614 : memref<1x128xf32, #tpu.memory_space<vmem>> -> memref<128xf32, #tpu.memory_space<vmem>>
        %swap3A_616 = arith.constant 112 : index
        %swap3A_617 = tpu.vector_load %swap3A_615[%swap3A_616] {strides = array<i32>} : memref<128xf32, #tpu.memory_space<vmem>>, vector<16xf32>,
        %swap3A_618 = vector.shape_cast %swap3A_617 : vector<16xf32> to vector<16xf32>
        %swap3A_619 = vector.shape_cast %mul3A_612 : vector<16xf32> to vector<16xf32>
        tpu.vector_store %swap3A_615[%swap3A_616], %swap3A_619 {strides = array<i32>} : memref<128xf32, #tpu.memory_space<vmem>>, vector<16xf32>,
        %add3A_620 = arith.constant 3 : i32
        %add3A_621 = arith.addi %add3A_231, %add3A_620 : i32
        %get3A_622 = arith.constant 0 : i32
        %get3A_623 = tpu.memref_slice %arg9[%add3A_621, %get3A_622] : memref<200x128xf32, #tpu.memory_space<vmem>> -> memref<1x128xf32, #tpu.memory_space<vmem>>
        %get3A_624 = tpu.memref_squeeze %get3A_623 : memref<1x128xf32, #tpu.memory_space<vmem>> -> memref<128xf32, #tpu.memory_space<vmem>>
        %get3A_625 = arith.constant 0 : index
        %get3A_626 = tpu.vector_load %get3A_624[%get3A_625] {strides = array<i32>} : memref<128xf32, #tpu.memory_space<vmem>>, vector<16xf32>,
        %get3A_627 = vector.shape_cast %get3A_626 : vector<16xf32> to vector<16xf32>
        %mul3A_628 = arith.constant 11.3137083 : f32
        %mul3A_629 = vector.broadcast %mul3A_628 : f32 to vector<16xf32>
        %mul3A_630 = arith.mulf %get3A_627, %mul3A_629 : vector<16xf32>
        %swap3A_631 = arith.constant 0 : i32
        %swap3A_632 = tpu.memref_slice %arg9[%add3A_621, %swap3A_631] : memref<200x128xf32, #tpu.memory_space<vmem>> -> memref<1x128xf32, #tpu.memory_space<vmem>>
        %swap3A_633 = tpu.memref_squeeze %swap3A_632 : memref<1x128xf32, #tpu.memory_space<vmem>> -> memref<128xf32, #tpu.memory_space<vmem>>
        %swap3A_634 = arith.constant 0 : index
        %swap3A_635 = tpu.vector_load %swap3A_633[%swap3A_634] {strides = array<i32>} : memref<128xf32, #tpu.memory_space<vmem>>, vector<16xf32>,
        %swap3A_636 = vector.shape_cast %swap3A_635 : vector<16xf32> to vector<16xf32>
        %swap3A_637 = vector.shape_cast %mul3A_630 : vector<16xf32> to vector<16xf32>
        tpu.vector_store %swap3A_633[%swap3A_634], %swap3A_637 {strides = array<i32>} : memref<128xf32, #tpu.memory_space<vmem>>, vector<16xf32>,
        %get3A_638 = arith.constant 0 : i32
        %get3A_639 = tpu.memref_slice %arg9[%add3A_621, %get3A_638] : memref<200x128xf32, #tpu.memory_space<vmem>> -> memref<1x128xf32, #tpu.memory_space<vmem>>
        %get3A_640 = tpu.memref_squeeze %get3A_639 : memref<1x128xf32, #tpu.memory_space<vmem>> -> memref<128xf32, #tpu.memory_space<vmem>>
        %get3A_641 = arith.constant 16 : index
        %get3A_642 = tpu.vector_load %get3A_640[%get3A_641] {strides = array<i32>} : memref<128xf32, #tpu.memory_space<vmem>>, vector<16xf32>,
        %get3A_643 = vector.shape_cast %get3A_642 : vector<16xf32> to vector<16xf32>
        %mul3A_644 = arith.constant 11.3137083 : f32
        %mul3A_645 = vector.broadcast %mul3A_644 : f32 to vector<16xf32>
        %mul3A_646 = arith.mulf %get3A_643, %mul3A_645 : vector<16xf32>
        %swap3A_647 = arith.constant 0 : i32
        %swap3A_648 = tpu.memref_slice %arg9[%add3A_621, %swap3A_647] : memref<200x128xf32, #tpu.memory_space<vmem>> -> memref<1x128xf32, #tpu.memory_space<vmem>>
        %swap3A_649 = tpu.memref_squeeze %swap3A_648 : memref<1x128xf32, #tpu.memory_space<vmem>> -> memref<128xf32, #tpu.memory_space<vmem>>
        %swap3A_650 = arith.constant 16 : index
        %swap3A_651 = tpu.vector_load %swap3A_649[%swap3A_650] {strides = array<i32>} : memref<128xf32, #tpu.memory_space<vmem>>, vector<16xf32>,
        %swap3A_652 = vector.shape_cast %swap3A_651 : vector<16xf32> to vector<16xf32>
        %swap3A_653 = vector.shape_cast %mul3A_646 : vector<16xf32> to vector<16xf32>
        tpu.vector_store %swap3A_649[%swap3A_650], %swap3A_653 {strides = array<i32>} : memref<128xf32, #tpu.memory_space<vmem>>, vector<16xf32>,
        %get3A_654 = arith.constant 0 : i32
        %get3A_655 = tpu.memref_slice %arg9[%add3A_621, %get3A_654] : memref<200x128xf32, #tpu.memory_space<vmem>> -> memref<1x128xf32, #tpu.memory_space<vmem>>
        %get3A_656 = tpu.memref_squeeze %get3A_655 : memref<1x128xf32, #tpu.memory_space<vmem>> -> memref<128xf32, #tpu.memory_space<vmem>>
        %get3A_657 = arith.constant 32 : index
        %get3A_658 = tpu.vector_load %get3A_656[%get3A_657] {strides = array<i32>} : memref<128xf32, #tpu.memory_space<vmem>>, vector<16xf32>,
        %get3A_659 = vector.shape_cast %get3A_658 : vector<16xf32> to vector<16xf32>
        %mul3A_660 = arith.constant 11.3137083 : f32
        %mul3A_661 = vector.broadcast %mul3A_660 : f32 to vector<16xf32>
        %mul3A_662 = arith.mulf %get3A_659, %mul3A_661 : vector<16xf32>
        %swap3A_663 = arith.constant 0 : i32
        %swap3A_664 = tpu.memref_slice %arg9[%add3A_621, %swap3A_663] : memref<200x128xf32, #tpu.memory_space<vmem>> -> memref<1x128xf32, #tpu.memory_space<vmem>>
        %swap3A_665 = tpu.memref_squeeze %swap3A_664 : memref<1x128xf32, #tpu.memory_space<vmem>> -> memref<128xf32, #tpu.memory_space<vmem>>
        %swap3A_666 = arith.constant 32 : index
        %swap3A_667 = tpu.vector_load %swap3A_665[%swap3A_666] {strides = array<i32>} : memref<128xf32, #tpu.memory_space<vmem>>, vector<16xf32>,
        %swap3A_668 = vector.shape_cast %swap3A_667 : vector<16xf32> to vector<16xf32>
        %swap3A_669 = vector.shape_cast %mul3A_662 : vector<16xf32> to vector<16xf32>
        tpu.vector_store %swap3A_665[%swap3A_666], %swap3A_669 {strides = array<i32>} : memref<128xf32, #tpu.memory_space<vmem>>, vector<16xf32>,
        %get3A_670 = arith.constant 0 : i32
        %get3A_671 = tpu.memref_slice %arg9[%add3A_621, %get3A_670] : memref<200x128xf32, #tpu.memory_space<vmem>> -> memref<1x128xf32, #tpu.memory_space<vmem>>
        %get3A_672 = tpu.memref_squeeze %get3A_671 : memref<1x128xf32, #tpu.memory_space<vmem>> -> memref<128xf32, #tpu.memory_space<vmem>>
        %get3A_673 = arith.constant 48 : index
        %get3A_674 = tpu.vector_load %get3A_672[%get3A_673] {strides = array<i32>} : memref<128xf32, #tpu.memory_space<vmem>>, vector<16xf32>,
        %get3A_675 = vector.shape_cast %get3A_674 : vector<16xf32> to vector<16xf32>
        %mul3A_676 = arith.constant 11.3137083 : f32
        %mul3A_677 = vector.broadcast %mul3A_676 : f32 to vector<16xf32>
        %mul3A_678 = arith.mulf %get3A_675, %mul3A_677 : vector<16xf32>
        %swap3A_679 = arith.constant 0 : i32
        %swap3A_680 = tpu.memref_slice %arg9[%add3A_621, %swap3A_679] : memref<200x128xf32, #tpu.memory_space<vmem>> -> memref<1x128xf32, #tpu.memory_space<vmem>>
        %swap3A_681 = tpu.memref_squeeze %swap3A_680 : memref<1x128xf32, #tpu.memory_space<vmem>> -> memref<128xf32, #tpu.memory_space<vmem>>
        %swap3A_682 = arith.constant 48 : index
        %swap3A_683 = tpu.vector_load %swap3A_681[%swap3A_682] {strides = array<i32>} : memref<128xf32, #tpu.memory_space<vmem>>, vector<16xf32>,
        %swap3A_684 = vector.shape_cast %swap3A_683 : vector<16xf32> to vector<16xf32>
        %swap3A_685 = vector.shape_cast %mul3A_678 : vector<16xf32> to vector<16xf32>
        tpu.vector_store %swap3A_681[%swap3A_682], %swap3A_685 {strides = array<i32>} : memref<128xf32, #tpu.memory_space<vmem>>, vector<16xf32>,
        %get3A_686 = arith.constant 0 : i32
        %get3A_687 = tpu.memref_slice %arg9[%add3A_621, %get3A_686] : memref<200x128xf32, #tpu.memory_space<vmem>> -> memref<1x128xf32, #tpu.memory_space<vmem>>
        %get3A_688 = tpu.memref_squeeze %get3A_687 : memref<1x128xf32, #tpu.memory_space<vmem>> -> memref<128xf32, #tpu.memory_space<vmem>>
        %get3A_689 = arith.constant 64 : index
        %get3A_690 = tpu.vector_load %get3A_688[%get3A_689] {strides = array<i32>} : memref<128xf32, #tpu.memory_space<vmem>>, vector<16xf32>,
        %get3A_691 = vector.shape_cast %get3A_690 : vector<16xf32> to vector<16xf32>
        %mul3A_692 = arith.constant 11.3137083 : f32
        %mul3A_693 = vector.broadcast %mul3A_692 : f32 to vector<16xf32>
        %mul3A_694 = arith.mulf %get3A_691, %mul3A_693 : vector<16xf32>
        %swap3A_695 = arith.constant 0 : i32
        %swap3A_696 = tpu.memref_slice %arg9[%add3A_621, %swap3A_695] : memref<200x128xf32, #tpu.memory_space<vmem>> -> memref<1x128xf32, #tpu.memory_space<vmem>>
        %swap3A_697 = tpu.memref_squeeze %swap3A_696 : memref<1x128xf32, #tpu.memory_space<vmem>> -> memref<128xf32, #tpu.memory_space<vmem>>
        %swap3A_698 = arith.constant 64 : index
        %swap3A_699 = tpu.vector_load %swap3A_697[%swap3A_698] {strides = array<i32>} : memref<128xf32, #tpu.memory_space<vmem>>, vector<16xf32>,
        %swap3A_700 = vector.shape_cast %swap3A_699 : vector<16xf32> to vector<16xf32>
        %swap3A_701 = vector.shape_cast %mul3A_694 : vector<16xf32> to vector<16xf32>
        tpu.vector_store %swap3A_697[%swap3A_698], %swap3A_701 {strides = array<i32>} : memref<128xf32, #tpu.memory_space<vmem>>, vector<16xf32>,
        %get3A_702 = arith.constant 0 : i32
        %get3A_703 = tpu.memref_slice %arg9[%add3A_621, %get3A_702] : memref<200x128xf32, #tpu.memory_space<vmem>> -> memref<1x128xf32, #tpu.memory_space<vmem>>
        %get3A_704 = tpu.memref_squeeze %get3A_703 : memref<1x128xf32, #tpu.memory_space<vmem>> -> memref<128xf32, #tpu.memory_space<vmem>>
        %get3A_705 = arith.constant 80 : index
        %get3A_706 = tpu.vector_load %get3A_704[%get3A_705] {strides = array<i32>} : memref<128xf32, #tpu.memory_space<vmem>>, vector<16xf32>,
        %get3A_707 = vector.shape_cast %get3A_706 : vector<16xf32> to vector<16xf32>
        %mul3A_708 = arith.constant 11.3137083 : f32
        %mul3A_709 = vector.broadcast %mul3A_708 : f32 to vector<16xf32>
        %mul3A_710 = arith.mulf %get3A_707, %mul3A_709 : vector<16xf32>
        %swap3A_711 = arith.constant 0 : i32
        %swap3A_712 = tpu.memref_slice %arg9[%add3A_621, %swap3A_711] : memref<200x128xf32, #tpu.memory_space<vmem>> -> memref<1x128xf32, #tpu.memory_space<vmem>>
        %swap3A_713 = tpu.memref_squeeze %swap3A_712 : memref<1x128xf32, #tpu.memory_space<vmem>> -> memref<128xf32, #tpu.memory_space<vmem>>
        %swap3A_714 = arith.constant 80 : index
        %swap3A_715 = tpu.vector_load %swap3A_713[%swap3A_714] {strides = array<i32>} : memref<128xf32, #tpu.memory_space<vmem>>, vector<16xf32>,
        %swap3A_716 = vector.shape_cast %swap3A_715 : vector<16xf32> to vector<16xf32>
        %swap3A_717 = vector.shape_cast %mul3A_710 : vector<16xf32> to vector<16xf32>
        tpu.vector_store %swap3A_713[%swap3A_714], %swap3A_717 {strides = array<i32>} : memref<128xf32, #tpu.memory_space<vmem>>, vector<16xf32>,
        %get3A_718 = arith.constant 0 : i32
        %get3A_719 = tpu.memref_slice %arg9[%add3A_621, %get3A_718] : memref<200x128xf32, #tpu.memory_space<vmem>> -> memref<1x128xf32, #tpu.memory_space<vmem>>
        %get3A_720 = tpu.memref_squeeze %get3A_719 : memref<1x128xf32, #tpu.memory_space<vmem>> -> memref<128xf32, #tpu.memory_space<vmem>>
        %get3A_721 = arith.constant 96 : index
        %get3A_722 = tpu.vector_load %get3A_720[%get3A_721] {strides = array<i32>} : memref<128xf32, #tpu.memory_space<vmem>>, vector<16xf32>,
        %get3A_723 = vector.shape_cast %get3A_722 : vector<16xf32> to vector<16xf32>
        %mul3A_724 = arith.constant 11.3137083 : f32
        %mul3A_725 = vector.broadcast %mul3A_724 : f32 to vector<16xf32>
        %mul3A_726 = arith.mulf %get3A_723, %mul3A_725 : vector<16xf32>
        %swap3A_727 = arith.constant 0 : i32
        %swap3A_728 = tpu.memref_slice %arg9[%add3A_621, %swap3A_727] : memref<200x128xf32, #tpu.memory_space<vmem>> -> memref<1x128xf32, #tpu.memory_space<vmem>>
        %swap3A_729 = tpu.memref_squeeze %swap3A_728 : memref<1x128xf32, #tpu.memory_space<vmem>> -> memref<128xf32, #tpu.memory_space<vmem>>
        %swap3A_730 = arith.constant 96 : index
        %swap3A_731 = tpu.vector_load %swap3A_729[%swap3A_730] {strides = array<i32>} : memref<128xf32, #tpu.memory_space<vmem>>, vector<16xf32>,
        %swap3A_732 = vector.shape_cast %swap3A_731 : vector<16xf32> to vector<16xf32>
        %swap3A_733 = vector.shape_cast %mul3A_726 : vector<16xf32> to vector<16xf32>
        tpu.vector_store %swap3A_729[%swap3A_730], %swap3A_733 {strides = array<i32>} : memref<128xf32, #tpu.memory_space<vmem>>, vector<16xf32>,
        %get3A_734 = arith.constant 0 : i32
        %get3A_735 = tpu.memref_slice %arg9[%add3A_621, %get3A_734] : memref<200x128xf32, #tpu.memory_space<vmem>> -> memref<1x128xf32, #tpu.memory_space<vmem>>
        %get3A_736 = tpu.memref_squeeze %get3A_735 : memref<1x128xf32, #tpu.memory_space<vmem>> -> memref<128xf32, #tpu.memory_space<vmem>>
        %get3A_737 = arith.constant 112 : index
        %get3A_738 = tpu.vector_load %get3A_736[%get3A_737] {strides = array<i32>} : memref<128xf32, #tpu.memory_space<vmem>>, vector<16xf32>,
        %get3A_739 = vector.shape_cast %get3A_738 : vector<16xf32> to vector<16xf32>
        %mul3A_740 = arith.constant 11.3137083 : f32
        %mul3A_741 = vector.broadcast %mul3A_740 : f32 to vector<16xf32>
        %mul3A_742 = arith.mulf %get3A_739, %mul3A_741 : vector<16xf32>
        %swap3A_743 = arith.constant 0 : i32
        %swap3A_744 = tpu.memref_slice %arg9[%add3A_621, %swap3A_743] : memref<200x128xf32, #tpu.memory_space<vmem>> -> memref<1x128xf32, #tpu.memory_space<vmem>>
        %swap3A_745 = tpu.memref_squeeze %swap3A_744 : memref<1x128xf32, #tpu.memory_space<vmem>> -> memref<128xf32, #tpu.memory_space<vmem>>
        %swap3A_746 = arith.constant 112 : index
        %swap3A_747 = tpu.vector_load %swap3A_745[%swap3A_746] {strides = array<i32>} : memref<128xf32, #tpu.memory_space<vmem>>, vector<16xf32>,
        %swap3A_748 = vector.shape_cast %swap3A_747 : vector<16xf32> to vector<16xf32>
        %swap3A_749 = vector.shape_cast %mul3A_742 : vector<16xf32> to vector<16xf32>
        tpu.vector_store %swap3A_745[%swap3A_746], %swap3A_749 {strides = array<i32>} : memref<128xf32, #tpu.memory_space<vmem>>, vector<16xf32>,
      }
      %scan3A_219 = arith.constant 50 : i32
      %add3A_220 = arith.addi %mul3A_2, %add3A_189 : i32
      %mul3A_221 = arith.constant 200 : i32
      %mul3A_222 = arith.muli %add3A_220, %mul3A_221 : i32
      %dma_start3A_223 = arith.constant 0 : i32
      %dma_start3A_224 = tpu.memref_slice %arg4[%mul3A_222, %dma_start3A_223] : memref<204800x128xf32, #tpu.memory_space<hbm>> -> memref<200x128xf32, #tpu.memory_space<hbm>>
      %dma_start3A_225 = arith.constant 0 : i32
      %dma_start3A_226 = tpu.memref_slice %arg4[%mul3A_222, %dma_start3A_225] : memref<204800x128xf32, #tpu.memory_space<hbm>> -> memref<200x128xf32, #tpu.memory_space<hbm>>
      tpu.enqueue_dma source(%arg9 : memref<200x128xf32, #tpu.memory_space<vmem>>) target(%dma_start3A_226 : memref<200x128xf32, #tpu.memory_space<hbm>>) target_semaphore(%arg17 : memref<!tpu.dma_semaphore, #tpu.memory_space<semaphore_mem>>)
    }
    %scan3A_45 = arith.constant 8 : i32
    %dma_wait3A = arith.constant 0 : i32
    %dma_wait3A_46 = arith.constant 0 : i32
    %dma_wait3A_47 = tpu.memref_slice %arg4[%dma_wait3A, %dma_wait3A_46] : memref<204800x128xf32, #tpu.memory_space<hbm>> -> memref<200x128xf32, #tpu.memory_space<hbm>>
    %dma_wait3A_48 = arith.constant 0 : i32
    %dma_wait3A_49 = arith.constant 0 : i32
    %dma_wait3A_50 = tpu.memref_slice %arg4[%dma_wait3A_48, %dma_wait3A_49] : memref<204800x128xf32, #tpu.memory_space<hbm>> -> memref<200x128xf32, #tpu.memory_space<hbm>>
    tpu.wait_dma2 semaphore(%arg14 : memref<!tpu.dma_semaphore, #tpu.memory_space<semaphore_mem>>) src(%arg6 : memref<200x128xf32, #tpu.memory_space<vmem>>) dst(%dma_wait3A_50 : memref<200x128xf32, #tpu.memory_space<hbm>>)
    %dma_wait3A_51 = arith.constant 0 : i32
    %dma_wait3A_52 = arith.constant 0 : i32
    %dma_wait3A_53 = tpu.memref_slice %arg4[%dma_wait3A_51, %dma_wait3A_52] : memref<204800x128xf32, #tpu.memory_space<hbm>> -> memref<200x128xf32, #tpu.memory_space<hbm>>
    %dma_wait3A_54 = arith.constant 0 : i32
    %dma_wait3A_55 = arith.constant 0 : i32
    %dma_wait3A_56 = tpu.memref_slice %arg4[%dma_wait3A_54, %dma_wait3A_55] : memref<204800x128xf32, #tpu.memory_space<hbm>> -> memref<200x128xf32, #tpu.memory_space<hbm>>
    tpu.wait_dma2 semaphore(%arg15 : memref<!tpu.dma_semaphore, #tpu.memory_space<semaphore_mem>>) src(%arg7 : memref<200x128xf32, #tpu.memory_space<vmem>>) dst(%dma_wait3A_56 : memref<200x128xf32, #tpu.memory_space<hbm>>)
    %dma_wait3A_57 = arith.constant 0 : i32
    %dma_wait3A_58 = arith.constant 0 : i32
    %dma_wait3A_59 = tpu.memref_slice %arg4[%dma_wait3A_57, %dma_wait3A_58] : memref<204800x128xf32, #tpu.memory_space<hbm>> -> memref<200x128xf32, #tpu.memory_space<hbm>>
    %dma_wait3A_60 = arith.constant 0 : i32
    %dma_wait3A_61 = arith.constant 0 : i32
    %dma_wait3A_62 = tpu.memref_slice %arg4[%dma_wait3A_60, %dma_wait3A_61] : memref<204800x128xf32, #tpu.memory_space<hbm>> -> memref<200x128xf32, #tpu.memory_space<hbm>>
    tpu.wait_dma2 semaphore(%arg16 : memref<!tpu.dma_semaphore, #tpu.memory_space<semaphore_mem>>) src(%arg8 : memref<200x128xf32, #tpu.memory_space<vmem>>) dst(%dma_wait3A_62 : memref<200x128xf32, #tpu.memory_space<hbm>>)
    %dma_wait3A_63 = arith.constant 0 : i32
    %dma_wait3A_64 = arith.constant 0 : i32
    %dma_wait3A_65 = tpu.memref_slice %arg4[%dma_wait3A_63, %dma_wait3A_64] : memref<204800x128xf32, #tpu.memory_space<hbm>> -> memref<200x128xf32, #tpu.memory_space<hbm>>
    %dma_wait3A_66 = arith.constant 0 : i32
    %dma_wait3A_67 = arith.constant 0 : i32
    %dma_wait3A_68 = tpu.memref_slice %arg4[%dma_wait3A_66, %dma_wait3A_67] : memref<204800x128xf32, #tpu.memory_space<hbm>> -> memref<200x128xf32, #tpu.memory_space<hbm>>
    tpu.wait_dma2 semaphore(%arg17 : memref<!tpu.dma_semaphore, #tpu.memory_space<semaphore_mem>>) src(%arg9 : memref<200x128xf32, #tpu.memory_space<vmem>>) dst(%dma_wait3A_68 : memref<200x128xf32, #tpu.memory_space<hbm>>)
    return
  }
}

</mosaic_0001>

<sc_bundles>
// kernel: kernel.3.cloned.1.call-start
scs
__scs_entry_jumppad:
0x0: {  	(pc) =	sbr.rel $0x88, $3  }
0x1: {  	(tag) =	ssettag $0x0;
	lr =	simm.s32 $0x1  }
0x2: {  	[smem:$0x3F9F] =	sst lr;
	_ =	strace $0xD0000000  }
0x3: {  	_ = 	snop  }
0x4: {  	_ = 	snop  }
0x5: {  	_ = 	snop  }
0x6: {  	_ = 	snop  }
0x7: {  	_ = 	snop  }
__scs_overlays_trampoline_lowered:
0x8: {  	[smem:$0x3FAE] =	sst s0  }
0x9: {  	[smem:$0x3FAF] =	sst s1  }
0xa: {  	[smem:$0x3FB0] =	sst s2  }
0xb: {  	[smem:$0x3FB1] =	sst s3  }
0xc: {  	[smem:$0x3FB2] =	sst s4  }
0xd: {  	[smem:$0x3FB3] =	sst s5  }
0xe: {  	[smem:$0x3FB4] =	sst s6  }
0xf: {  	[smem:$0x3FB5] =	sst s7  }
0x10: {  	[smem:$0x3FB6] =	sst s8  }
0x11: {  	[smem:$0x3FB7] =	sst s9;
	s0 =	simm.s32 @!p0 $0x0  }
0x12: {  	s1 =	sld [smem:$0x3F9D];
	s0 =	simm.s32 @p0 $0x1  }
0x13: {  	[smem:$0x3FB8] =	sst s0;
	s0 =	simm.s32 @!p1 $0x0  }
0x14: {  	s2 =	sld [smem:$0x3F9C];
	s0 =	simm.s32 @p1 $0x1  }
0x15: {  	[smem:$0x3FB9] =	sst s0;
	s0 =	simm.s32 @!p2 $0x0  }
0x16: {  	s3 =	sld [smem:$0x3FDB];
	s0 =	simm.s32 @p2 $0x1  }
0x17: {  	s4 =	simm.s32 $0x1BF5;
	[smem:$0x3FBB] =	sst s0  }
0x18: {  	s0 =	sld [smem:$0x3F9E];
	_ =	swait.ge [sflag:s4], $0x0  }
0x19: {  	s7 =	sld [smem:$0x3F9F]  }
0x1a: {  	s8 =	sadd.s32 $0xFFFFE003, lr  }
0x1b: {  	s9 =	sadd.s32 $0xFFFFFEF7, lr;
	s5 =	simm.s32 $0xFFFFFFFF;
	p2 =	slt.u32 s8, $0xFFFFF086  }
0x1c: {  	p1 =	slt.u32 s9, $0xF7A;
	s5 =	simm.s32 @!p2 $0x0  }
0x1d: {  	s5 =	simm.s32 @p1 $0x1;
	p0 =	seq.s32 s7, s2  }
0x1e: {  	s7 =	smul.u32 @!p0 $0xF7A, s2;
	p2 =	seq.s32 @!p0 s5, $0x0  }
0x1f: {  	s9 =	smul.u32 $0xF7A, s1;
	s8 =	simm.s32 @!p0 $0x1BF5;
	p2 =	por !p2, p0  }
0x20: {  	[sflag:s8] =	ssyncset.s32 @!p0 $0xFFFFF086;
	s6 =	sadd.s32 @!p0 s3, s7;
	s7 =	simm.s32 @!p0 $0x108  }
0x21: {  	s3 =	sadd.s32 s3, s9;
	s6 =	sadd.s32 @!p0 $0x88, s6;
	s7 =	simm.s32 @p2 $0x1082  }
0x22: {  	[simem:s7], [sflag:s8] =	dma.local @!p0 [hbm:s6], $0xF7A  }
0x23: {  	s9 =	sor.u32 $0xD0000000, s2;
	s6 =	simm.s32 $0x108;
	_ =	swait.ge @!p0 [sflag:s8], $0x0  }
0x24: {  	s3 =	sadd.s32 $0x88, s3;
	s6 =	simm.s32 @!p1 $0x1082;
	[sflag:s4] =	ssyncset.s32 $0xFFFFF086  }
0x25: {  	[simem:s6], [sflag:s4] =	dma.local [hbm:s3], $0xF7A  }
0x26: {  	[smem:$0x3F9F] =	sst s1;
	(tag) =	ssettag s2;
	_ =	strace s9  }
0x27: {  	s1 =	sld [smem:$0x3FAF]  }
0x28: {  	s2 =	sld [smem:$0x3FB0]  }
0x29: {  	s4 =	sld [smem:$0x3FB2]  }
0x2a: {  	p0 =	seq.s32 s5, $0x0;
	s5 =	sld [smem:$0x3FB3]  }
0x2b: {  	s6 =	sld [smem:$0x3FB4]  }
0x2c: {  	s7 =	sld [smem:$0x3FB5]  }
0x2d: {  	s3 =	simm.s32 $0x108;
	s8 =	sld [smem:$0x3FB6]  }
0x2e: {  	s3 =	simm.s32 @!p0 $0x1082;
	s9 =	sld [smem:$0x3FB7]  }
0x2f: {  	lr =	sadd.s32 s0, s3;
	s0 =	sld [smem:$0x3FAE]  }
0x30: {  	s3 =	sld [smem:$0x3FB1]  }
0x31: {  	[smem:$0x3FBA] =	sst s10  }
0x32: {  	s10 =	sld [smem:$0x3FB8];
	_ =	sdelay $0x3  }
0x33: {  	p0 =	seq.s32 s10, $0x1;
	s10 =	sld [smem:$0x3FBA];
	_ =	sdelay $0x3  }
0x34: {  	[smem:$0x3FBA] =	sst s10  }
0x35: {  	s10 =	sld [smem:$0x3FB9];
	_ =	sdelay $0x3  }
0x36: {  	p1 =	seq.s32 s10, $0x1;
	s10 =	sld [smem:$0x3FBA];
	_ =	sdelay $0x3  }
0x37: {  	[smem:$0x3FBA] =	sst s10  }
0x38: {  	s10 =	sld [smem:$0x3FBB]  }
0x39: {  	_ = 	snop;
	(pc) =	sbr.ind lr, $3  }
0x3a: {  	_ = 	snop  }
0x3b: {  	_ = 	snop  }
0x3c: {  	p2 =	seq.s32 s10, $0x1;
	s10 =	sld [smem:$0x3FBA]  }
0x3d: {  	_ =	shalt  }
0x3e: {  	_ =	shalt  }
0x3f: {  	_ =	shalt  }
0x40: {  	_ =	shalt  }
0x41: {  	_ =	shalt  }
0x42: {  	_ =	shalt  }
0x43: {  	_ =	shalt  }
0x44: {  	_ =	shalt  }
0x45: {  	_ =	shalt  }
0x46: {  	_ =	shalt  }
0x47: {  	_ =	shalt  }
0x48: {  	_ =	shalt  }
0x49: {  	_ =	shalt  }
0x4a: {  	_ =	shalt  }
0x4b: {  	_ =	shalt  }
0x4c: {  	_ =	shalt  }
0x4d: {  	_ =	shalt  }
0x4e: {  	_ =	shalt  }
0x4f: {  	_ =	shalt  }
0x50: {  	_ =	shalt  }
0x51: {  	_ =	shalt  }
0x52: {  	_ =	shalt  }
0x53: {  	_ =	shalt  }
0x54: {  	_ =	shalt  }
0x55: {  	_ =	shalt  }
0x56: {  	_ =	shalt  }
0x57: {  	_ =	shalt  }
0x58: {  	_ =	shalt  }
0x59: {  	_ =	shalt  }
0x5a: {  	_ =	shalt  }
0x5b: {  	_ =	shalt  }
0x5c: {  	_ =	shalt  }
0x5d: {  	_ =	shalt  }
0x5e: {  	_ =	shalt  }
0x5f: {  	_ =	shalt  }
0x60: {  	_ =	shalt  }
0x61: {  	_ =	shalt  }
0x62: {  	_ =	shalt  }
0x63: {  	_ =	shalt  }
0x64: {  	_ =	shalt  }
0x65: {  	_ =	shalt  }
0x66: {  	_ =	shalt  }
0x67: {  	_ =	shalt  }
0x68: {  	_ =	shalt  }
0x69: {  	_ =	shalt  }
0x6a: {  	_ =	shalt  }
0x6b: {  	_ =	shalt  }
0x6c: {  	_ =	shalt  }
0x6d: {  	_ =	shalt  }
0x6e: {  	_ =	shalt  }
0x6f: {  	_ =	shalt  }
0x70: {  	_ =	shalt  }
0x71: {  	_ =	shalt  }
0x72: {  	_ =	shalt  }
0x73: {  	_ =	shalt  }
0x74: {  	_ =	shalt  }
0x75: {  	_ =	shalt  }
0x76: {  	_ =	shalt  }
0x77: {  	_ =	shalt  }
0x78: {  	_ =	shalt  }
0x79: {  	_ =	shalt  }
0x7a: {  	_ =	shalt  }
0x7b: {  	_ =	shalt  }
0x7c: {  	_ =	shalt  }
0x7d: {  	_ =	shalt  }
0x7e: {  	_ =	shalt  }
0x7f: {  	_ =	shalt  }
0x80: {  	_ =	shalt  }
0x81: {  	_ =	shalt  }
0x82: {  	_ =	shalt  }
0x83: {  	_ =	shalt  }
0x84: {  	_ =	shalt  }
0x85: {  	_ =	shalt  }
0x86: {  	_ =	shalt  }
0x87: {  	_ =	shalt  }
.Lfunc_end0:
.L_simem_size_0:
called_computation_lowered:
.L_overlay_start_0:
0x88: {  	s2 =	sld [smem:$0x3FD9]  }
0x89: {  	s3 =	sld [smem:$0x3FFE];
	_ =	sdelay $0x1  }
0x8a: {  	s1 =	srdreg.scid  }
0x8b: {  	s0 =	sand.u32 $0x1, s1  }
0x8c: {  	s17 =	sshll.u32 s0, $0xA;
	s2 =	sadd.s32 s3, s2  }
0x8d: {  	s2 =	sadd.s32 s2, s17  }
0x8e: {  	[smem:$0x3FC6] =	sst s2  }
0x8f: {  	_ = 	snop  }
0x90: {  	s2 =	sld [smem:$0x3FC8]  }
0x91: {  	s18 =	sld [smem:$0x3FD0];
	(tm) =	ssettm $0x1  }
0x92: {  	s4 =	sld [smem:$0x3FFB];
	_ =	sdelay $0x3  }
0x93: {  	_ =	strace s4  }
0x94: {  	s4 =	sld [smem:$0x3FFC];
	_ =	sdelay $0x3  }
0x95: {  	_ =	strace s4  }
0x96: {  	s4 =	sld [smem:$0x3FFD];
	_ =	sdelay $0x3  }
0x97: {  	_ =	strace s4  }
0x98: {  	_ =	strace $0x8FFFFFFF  }
0x99: {  	s19 =	sld [smem:$0x3FDB];
	_ =	sdelay $0x1  }
0x9a: {  	s5 =	simm.s32 $_scs_section_size  }
0x9b: {  	s6 =	simm.s32 $_size__tile_overlayer_lowered;
	s7 =	simm.s32 $_tile_overlayer_lowered  }
0x9c: {  	s22 =	simm.s32 $0x1BFF;
	s21 =	sshll.u32 s7, $0x1;
	s4 =	sadd.s32 s5, s19  }
0x9d: {  	s8 =	simm.s32 $0x0;
	s20 =	sshll.u32 s6, $0x1;
	s6 =	sadd.s32 s21, s4  }
0x9e: {  	[timem:s8], [sflag:s22] =	dma.local [hbm:s6], s20  }
0x9f: {  	_ =	swait.ge [sflag:s22], s20  }
0xa0: {  	s5 =	ssub.s32 $0x0, s20;
	[sflag:s22] =	ssyncset.done $0x0  }
0xa1: {  	[sflag:s22] =	ssyncadd.s32 s5;
	_ =	sdelay $0x1  }
0xa2: {  	s23 =	simm.s32 $0x1B8B  }
0xa3: {  	_ =	swait.ge [sflag:s23], $0x1  }
0xa4: {  	[sflag:s23] =	ssyncset.done $0x0  }
0xa5: {  	s25 =	simm.s32 $0x1B8E;
	s24 =	sld [smem:$0x3FFE];
	[sflag:s23] =	ssyncadd.s32 $0xFFFFFFFF  }
0xa6: {  	s26 =	simm.s32 $execute0_lowered;
	[smem:$0x3FD2] =	sst s25  }
0xa7: {  	s6 =	sshll.u32 s26, $0x1;
	_ =	strace $0x80000046;
	[dreg:$0x1] =	wrdreg $0xFFFFFFFF  }
0xa8: {  	s28 =	simm.s32 $_size_execute0_lowered;
	s4 =	sadd.s32 s4, s6;
	[dreg:$0x0] =	wrdreg $0x0  }
0xa9: {  	s6 =	sshll.u32 s28, $0x1;
	[dreg:$0x2] =	wrdreg s4  }
0xaa: {  	[dreg:$0x3] =	wrdreg s6  }
0xab: {  	[dreg:$0x4] =	wrdreg $0xC0  }
0xac: {  	_ =	task [dreg:s8], $0x5FFFF  }
0xad: {  	[dreg:$0x1] =	wrdreg $0xFFFFFFFF  }
0xae: {  	[dreg:$0x0] =	wrdreg $0x60  }
0xaf: {  	[dreg:$0x2] =	wrdreg s2  }
0xb0: {  	[dreg:$0x3] =	wrdreg s24  }
0xb1: {  	[dreg:$0x4] =	wrdreg s18  }
0xb2: {  	[dreg:$0x5] =	wrdreg $0x9  }
0xb3: {  	_ =	task.clear_ibuf [dreg:s8], $0x6FFFF;
	_ =	strace $0x90000046  }
0xb4: {  	s29 =	simm.s32 $0x9;
	_ =	strace $0x80000048  }
0xb5: {  	_ =	swait.ge [sflag:s29], $0x1  }
0xb6: {  	[sflag:s29] =	ssyncadd.s32 $0xFFFFFFFF  }
0xb7: {  	_ =	strace $0x90000048  }
0xb8: {  	_ =	sfence  }
0xb9: {  	s30 =	sld [smem:$0x0];
	_ =	sdelay $0x2  }
0xba: {  	s31 =	sshll.u32 s1, $0xD;
	s1 =	sshrl.u32 s1, $0x2  }
0xbb: {  	s3 =	sand.u32 $0x4000, s31;
	s1 =	sadd.s32 s1, s30  }
0xbc: {  	s0 =	sor.u32 s3, s0;
	s1 =	sshll.u32 s1, $0x11  }
0xbd: {  	s0 =	sor.u32 s1, s0  }
0xbe: {  	s0 =	sadd.s32 $0x8F2B, s0  }
0xbf: {  	[sflag:s0] =	ssyncadd.remote.s32 $0x1  }
0xc0: {  	_ =	sfence.sel $0xFFFF  }
0xc1: {  	[dreg:$0x0] =	wrdreg $0xFFFFFFFF;
	(pc) =	sbr.abs _section_cstart, $3  }
0xc2: {  	[dreg:$0x1] =	wrdreg $0xFFFFFFFF  }
0xc3: {  	_ =	task.clear_ibuf [dreg:s8], $0x2FFFF;
	_ =	strace $0x9FFFFFFF  }
0xc4: {  	(tm) =	ssettm $0x7FFFFFFF  }
0xc5: {  	_ =	shalt  }
tec
execute0_lowered:
.L_overlay_start_1:
0x0: {  	(tag) =	ssettag $0x1  }
0x1: {  	s2 =	rddreg [dreg:$0x0]  }
0x2: {  	s0 =	rddreg [dreg:$0x1];
	s1 =	srdreg.scid  }
0x3: {  	s3 =	rddreg [dreg:$0x2];
	s4 =	stileid.u32;
	s8 =	simm.s32 $0x9  }
0x4: {  	s9 =	simm.s32 $0x80;
	s10 =	simm.s32 $0x2000;
	s11 =	simm.s32 $0x48  }
0x5: {  	s14 =	simm.s32 $0x8400;
	s17 =	simm.s32 $0xE800;
	s18 =	simm.s32 $0x12800  }
0x6: {  	s19 =	simm.s32 $0x1;
	s20 =	simm.s32 $0x14C00;
	s21 =	simm.s32 $0x18C00  }
0x7: {  	s22 =	simm.s32 $0x2;
	s23 =	simm.s32 $0x3;
	s24 =	simm.s32 $0x4  }
0x8: {  	s25 =	simm.s32 $0x5;
	s26 =	simm.s32 $0x6;
	s1 =	sand.u32 $0x1, s1  }
0x9: {  	s5 =	sshll.u32 s4, $0x6;
	s6 =	sshll.u32 s1, $0x5;
	s1 =	ssub.s32 $0x2, s1  }
0xa: {  	s28 =	simm.s32 $0x7;
	s5 =	sor.u32 s6, s5;
	s7 =	sshrl.u32 s1, $0x1  }
0xb: {  	s4 =	simm.s32 $0x0;
	s6 =	sshll.u32 s5, $0x5;
	s1 =	ssub.s32 s1, s7  }
0xc: {  	[smem:$0x7FF] =	sst s4;
	s0 =	sadd.s32 s6, s0;
	s31 =	smax.u32 s1, $0x1  }
0xd: {  	_ =	strace $0x80000047;
	s0 =	sadd.s32 $0x400, s0;
	[dreg:$0x5] =	wrdreg s31  }
0xe: {  	s29 =	simm.s32 $0x8;
	s30 =	simm.s32 $0x0;
	[dreg:$0x4] =	wrdreg s0  }
.LBB2_1:
0xf: {  	s0 =	rddreg [dreg:$0x4]  }
0x10: {  	[tilespmem:s4], [sflag:$0x9] =	stream.linear.gather [hbm4b:s0+s4], $0x2000, $0x38;
	[tilespmem:$0x1B000] =	vst v63  }
0x11: {  	_ =	swait.ge [sflag:s8], $0x2000  }
0x12: {  	[sflag:s8] =	ssyncset.done $0x0  }
0x13: {  	[sflag:s8] =	ssyncadd.s32 $0xFFFFE000  }
0x14: {  	[tilespmem:s10], [sflag:$0x1] =	stream.indirect.gather [hbm4b:s2+s9], $0x80, s4, s9, $0xb8;
	[tilespmem:$0x1B000] =	vst v63  }
0x15: {  	s13 =	simm.s32 $0x400;
	s1 =	simm.s32 $0x6000  }
0x16: {  	[tilespmem:s1], [sflag:$0x1] =	stream.indirect.gather [hbm4b:s2+s11], $0x80, s13, s11, $0xb8;
	[tilespmem:$0x1B000] =	vst v63  }
0x17: {  	_ = 	snop  }
0x18: {  	[tilespmem:s14], [sflag:$0x2] =	stream.indirect.gather [hbm4b:s2+s9], $0x80, s9, s9, $0xb8;
	[tilespmem:$0x1B000] =	vst v63  }
0x19: {  	s15 =	simm.s32 $0x480;
	s16 =	simm.s32 $0xC400;
	s31 =	simm.s32 $0x0  }
0x1a: {  	[tilespmem:s16], [sflag:$0x2] =	stream.indirect.gather [hbm4b:s2+s11], $0x80, s15, s11, $0xb8;
	[tilespmem:$0x1B000] =	vst v63  }
.LBB2_2:
0x1b: {  	s0 =	sshll.u32 s31, $0x2;
	p0 =	seq.s32 s31, $0x0  }
0x1c: {  	s12 =	sor.u32 $0x2, s0;
	s1 =	simm.s32 @!p0 $0x7  }
0x1d: {  	s13 =	sshll.u32 s31, $0xA;
	_ =	swait.ge @!p0 [sflag:s1], $0x6400;
	s16 =	sshll.u32 s12, $0x7  }
0x1e: {  	s15 =	sand.u32 $0x1800, s13;
	[sflag:s1] =	ssyncset.done @!p0 $0x0;
	s16 =	sand.u32 $0x300, s16  }
0x1f: {  	[sflag:s1] =	ssyncadd.s32 @!p0 $0xFFFF9C00;
	s7 =	sor.u32 s16, s15;
	s16 =	sor.u32 s16, s13  }
0x20: {  	[tilespmem:s17], [sflag:$0x3] =	stream.indirect.gather [hbm4b:s2+s9], $0x80, s7, s9, $0xb8;
	[tilespmem:$0x1B000] =	vst v63  }
0x21: {  	s1 =	sor.u32 $0x400, s16  }
0x22: {  	[tilespmem:s18], [sflag:$0x3] =	stream.indirect.gather [hbm4b:s2+s11], $0x80, s1, s11, $0xb8;
	[tilespmem:$0x1B000] =	vst v63  }
0x23: {  	_ =	swait.ge [sflag:s19], $0x4000  }
0x24: {  	[sflag:s19] =	ssyncset.done $0x0  }
0x25: {  	[sflag:s19] =	ssyncadd.s32 $0xFFFFC000  }
0x26: {  	_ =	swait.ge [sflag:s19], $0x2400  }
0x27: {  	[sflag:s19] =	ssyncset.done $0x0  }
0x28: {  	s1 =	simm.s32 $0x1F0;
	[sflag:s19] =	ssyncadd.s32 $0xFFFFDC00  }
0x29: {  	v0 =	vld [tilespmem:s1+$0x1E10]  }
0x2a: {  	v1 =	vld [tilespmem:s1+$0x1E20]  }
0x2b: {  	v2 =	vld [tilespmem:s1+$0x1E30]  }
0x2c: {  	v3 =	vld [tilespmem:s1+$0x1E40]  }
0x2d: {  	v4 =	vld [tilespmem:s1+$0x1E50]  }
0x2e: {  	v5 =	vld [tilespmem:s1+$0x1E60];
	v0 =	vmul.f32 $1.131370830e+01, v0  }
0x2f: {  	v6 =	vld [tilespmem:s1+$0x1E70];
	v1 =	vmul.f32 $1.131370830e+01, v1  }
0x30: {  	v2 =	vmul.f32 $1.131370830e+01, v2;
	[tilespmem:s1+$0x1E10] =	vst v0;
	v0 =	vld [tilespmem:s1+$0x1E80]  }
0x31: {  	v3 =	vmul.f32 $1.131370830e+01, v3;
	[tilespmem:s1+$0x1E20] =	vst v1;
	v1 =	vld [tilespmem:s1+$0x1E90]  }
0x32: {  	v4 =	vmul.f32 $1.131370830e+01, v4;
	[tilespmem:s1+$0x1E30] =	vst v2;
	v2 =	vld [tilespmem:s1+$0x1EA0]  }
0x33: {  	v5 =	vmul.f32 $1.131370830e+01, v5;
	[tilespmem:s1+$0x1E40] =	vst v3;
	v3 =	vld [tilespmem:s1+$0x1EB0]  }
0x34: {  	v6 =	vmul.f32 $1.131370830e+01, v6;
	[tilespmem:s1+$0x1E50] =	vst v4;
	v4 =	vld [tilespmem:s1+$0x1EC0]  }
0x35: {  	[tilespmem:s1+$0x1E60] =	vst v5;
	v5 =	vld [tilespmem:s1+$0x1ED0];
	v0 =	vmul.f32 $1.131370830e+01, v0  }
0x36: {  	[tilespmem:s1+$0x1E70] =	vst v6;
	v6 =	vld [tilespmem:s1+$0x1EE0];
	v1 =	vmul.f32 $1.131370830e+01, v1  }
0x37: {  	v2 =	vmul.f32 $1.131370830e+01, v2;
	[tilespmem:s1+$0x1E80] =	vst v0;
	v0 =	vld [tilespmem:s1+$0x1EF0]  }
0x38: {  	v3 =	vmul.f32 $1.131370830e+01, v3;
	[tilespmem:s1+$0x1E90] =	vst v1;
	v1 =	vld [tilespmem:s1+$0x1F00]  }
0x39: {  	v4 =	vmul.f32 $1.131370830e+01, v4;
	[tilespmem:s1+$0x1EA0] =	vst v2;
	v2 =	vld [tilespmem:s1+$0x1F10]  }
0x3a: {  	v5 =	vmul.f32 $1.131370830e+01, v5;
	[tilespmem:s1+$0x1EB0] =	vst v3;
	v3 =	vld [tilespmem:s1+$0x1F20]  }
0x3b: {  	v6 =	vmul.f32 $1.131370830e+01, v6;
	[tilespmem:s1+$0x1EC0] =	vst v4;
	v4 =	vld [tilespmem:s1+$0x1F30]  }
0x3c: {  	[tilespmem:s1+$0x1ED0] =	vst v5;
	v5 =	vld [tilespmem:s1+$0x1F40];
	v0 =	vmul.f32 $1.131370830e+01, v0  }
0x3d: {  	[tilespmem:s1+$0x1EE0] =	vst v6;
	v6 =	vld [tilespmem:s1+$0x1F50]  }
0x3e: {  	v1 =	vmul.f32 $1.131370830e+01, v1;
	[tilespmem:s1+$0x1EF0] =	vst v0;
	v0 =	vld [tilespmem:s1+$0x1F60]  }
0x3f: {  	v2 =	vmul.f32 $1.131370830e+01, v2  }
0x40: {  	[tilespmem:s1+$0x1F00] =	vst v1;
	v1 =	vmul.f32 $1.131370830e+01, v3;
	v3 =	vld [tilespmem:s1+$0x1F80]  }
0x41: {  	v7 =	vld [tilespmem:s1+$0x1F70];
	[tilespmem:s1+$0x1F10] =	vst v2;
	v2 =	vmul.f32 $1.131370830e+01, v4  }
0x42: {  	v4 =	vld [tilespmem:s1+$0x1F90];
	[tilespmem:s1+$0x1F20] =	vst v1;
	v1 =	vmul.f32 $1.131370830e+01, v5  }
0x43: {  	[tilespmem:s1+$0x1F30] =	vst v2;
	v5 =	vld [tilespmem:s1+$0x1FA0];
	v2 =	vmul.f32 $1.131370830e+01, v6;
	v6 =	vmul.f32 $1.131370830e+01, v0  }
0x44: {  	[tilespmem:s1+$0x1F40] =	vst v1;
	v1 =	vld [tilespmem:s1+$0x1FB0]  }
0x45: {  	v0 =	vld [tilespmem:s1+$0x1FC0];
	[tilespmem:s1+$0x1F60] =	vst v6;
	v6 =	vmul.f32 $1.131370830e+01, v3  }
0x46: {  	v7 =	vmul.f32 $1.131370830e+01, v7;
	[tilespmem:s1+$0x1F50] =	vst v2;
	v2 =	vld [tilespmem:s1+$0x1FD0]  }
0x47: {  	v3 =	vld [tilespmem:s1+$0x1FE0];
	[tilespmem:s1+$0x1F80] =	vst v6;
	v6 =	vmul.f32 $1.131370830e+01, v4  }
0x48: {  	s16 =	simm.s32 $0xFC0;
	[tilespmem:s1+$0x1F70] =	vst v7;
	v5 =	vmul.f32 $1.131370830e+01, v5;
	v4 =	vld [tilespmem:s1+$0x1FF0]  }
.LBB2_3:
0x49: {  	s6 =	sshra.s32 s16, $0x2;
	p1 =	sne.s32 s16, $0x18FC0;
	[tilespmem:s1+$0x1F90] =	vst v6;
	v1 =	vmul.f32 $1.131370830e+01, v1;
	v6 =	vld [tilespmem:s1+$0x2000]  }
0x4a: {  	v7 =	vld [tilespmem:s6+$0x1E10];
	[tilespmem:s1+$0x1FA0] =	vst v5;
	v0 =	vmul.f32 $1.131370830e+01, v0  }
0x4b: {  	v5 =	vld [tilespmem:s6+$0x1E20];
	[tilespmem:s1+$0x1FB0] =	vst v1;
	v1 =	vmul.f32 $1.131370830e+01, v2  }
0x4c: {  	v2 =	vld [tilespmem:s6+$0x1E30];
	[tilespmem:s1+$0x1FC0] =	vst v0;
	v0 =	vmul.f32 $1.131370830e+01, v3  }
0x4d: {  	v3 =	vld [tilespmem:s6+$0x1E40];
	[tilespmem:s1+$0x1FD0] =	vst v1;
	v1 =	vmul.f32 $1.131370830e+01, v4  }
0x4e: {  	v4 =	vld [tilespmem:s6+$0x1E50];
	[tilespmem:s1+$0x1FE0] =	vst v0;
	v0 =	vmul.f32 $1.131370830e+01, v6  }
0x4f: {  	v6 =	vmul.f32 $1.131370830e+01, v7;
	v7 =	vld [tilespmem:s6+$0x1E60];
	[tilespmem:s1+$0x1FF0] =	vst v1  }
0x50: {  	v1 =	vmul.f32 $1.131370830e+01, v5;
	v5 =	vld [tilespmem:s6+$0x1E70];
	[tilespmem:s1+$0x2000] =	vst v0;
	s1 =	smov.u32 s6  }
0x51: {  	[tilespmem:s1+$0x1E10] =	vst v6;
	v0 =	vmul.f32 $1.131370830e+01, v2;
	v2 =	vld [tilespmem:s1+$0x1E80]  }
0x52: {  	[tilespmem:s1+$0x1E20] =	vst v1;
	v1 =	vmul.f32 $1.131370830e+01, v3;
	v3 =	vld [tilespmem:s1+$0x1E90]  }
0x53: {  	[tilespmem:s1+$0x1E30] =	vst v0;
	v0 =	vmul.f32 $1.131370830e+01, v4;
	v4 =	vld [tilespmem:s1+$0x1EA0]  }
0x54: {  	[tilespmem:s1+$0x1E40] =	vst v1;
	v1 =	vmul.f32 $1.131370830e+01, v7;
	v6 =	vld [tilespmem:s1+$0x1EB0]  }
0x55: {  	[tilespmem:s1+$0x1E50] =	vst v0;
	v0 =	vmul.f32 $1.131370830e+01, v5;
	v5 =	vld [tilespmem:s1+$0x1EC0]  }
0x56: {  	[tilespmem:s1+$0x1E60] =	vst v1;
	v1 =	vmul.f32 $1.131370830e+01, v2;
	v2 =	vld [tilespmem:s1+$0x1ED0]  }
0x57: {  	[tilespmem:s1+$0x1E70] =	vst v0;
	v0 =	vmul.f32 $1.131370830e+01, v3;
	v3 =	vld [tilespmem:s1+$0x1EE0]  }
0x58: {  	[tilespmem:s1+$0x1E80] =	vst v1;
	v1 =	vmul.f32 $1.131370830e+01, v4;
	v4 =	vld [tilespmem:s1+$0x1EF0]  }
0x59: {  	[tilespmem:s1+$0x1E90] =	vst v0;
	v0 =	vmul.f32 $1.131370830e+01, v6;
	v6 =	vld [tilespmem:s1+$0x1F00]  }
0x5a: {  	[tilespmem:s1+$0x1EA0] =	vst v1;
	v1 =	vmul.f32 $1.131370830e+01, v5;
	v5 =	vld [tilespmem:s1+$0x1F10]  }
0x5b: {  	[tilespmem:s1+$0x1EB0] =	vst v0;
	v0 =	vmul.f32 $1.131370830e+01, v2;
	v2 =	vld [tilespmem:s1+$0x1F20]  }
0x5c: {  	[tilespmem:s1+$0x1EC0] =	vst v1;
	v1 =	vmul.f32 $1.131370830e+01, v3;
	v3 =	vld [tilespmem:s1+$0x1F30]  }
0x5d: {  	[tilespmem:s1+$0x1ED0] =	vst v0;
	v0 =	vmul.f32 $1.131370830e+01, v4;
	v4 =	vld [tilespmem:s1+$0x1F40]  }
0x5e: {  	[tilespmem:s1+$0x1EE0] =	vst v1;
	v1 =	vmul.f32 $1.131370830e+01, v6;
	v6 =	vld [tilespmem:s1+$0x1F50]  }
0x5f: {  	[tilespmem:s1+$0x1EF0] =	vst v0;
	v0 =	vmul.f32 $1.131370830e+01, v5;
	v5 =	vld [tilespmem:s1+$0x1F60]  }
0x60: {  	[tilespmem:s1+$0x1F00] =	vst v1;
	v1 =	vmul.f32 $1.131370830e+01, v2;
	v2 =	vld [tilespmem:s1+$0x1F70]  }
0x61: {  	[tilespmem:s1+$0x1F10] =	vst v0;
	v0 =	vmul.f32 $1.131370830e+01, v3;
	v3 =	vld [tilespmem:s1+$0x1F80]  }
0x62: {  	[tilespmem:s1+$0x1F20] =	vst v1;
	v1 =	vmul.f32 $1.131370830e+01, v4;
	v4 =	vld [tilespmem:s1+$0x1F90]  }
0x63: {  	[tilespmem:s1+$0x1F30] =	vst v0;
	v0 =	vmul.f32 $1.131370830e+01, v6;
	v7 =	vld [tilespmem:s1+$0x1FA0]  }
.Ltmp0:
0x64: {  	[tilespmem:s1+$0x1F40] =	vst v1;
	v5 =	vmul.f32 $1.131370830e+01, v5;
	v1 =	vld [tilespmem:s1+$0x1FB0];
	(pc) =	sbr.rel @p1 .LBB2_3-.Ltmp0, $4  }
0x65: {  	[tilespmem:s1+$0x1F50] =	vst v0;
	v6 =	vmul.f32 $1.131370830e+01, v2;
	v0 =	vld [tilespmem:s1+$0x1FC0]  }
0x66: {  	[tilespmem:s1+$0x1F60] =	vst v5;
	v5 =	vmul.f32 $1.131370830e+01, v3;
	v2 =	vld [tilespmem:s1+$0x1FD0]  }
0x67: {  	[tilespmem:s1+$0x1F70] =	vst v6;
	v6 =	vmul.f32 $1.131370830e+01, v4;
	v3 =	vld [tilespmem:s1+$0x1FE0]  }
0x68: {  	s16 =	sadd.s32 $0x800, s16;
	[tilespmem:s1+$0x1F80] =	vst v5;
	v5 =	vmul.f32 $1.131370830e+01, v7;
	v4 =	vld [tilespmem:s1+$0x1FF0]  }
0x69: {  	[tilespmem:s1+$0x1F90] =	vst v6;
	v1 =	vmul.f32 $1.131370830e+01, v1;
	v6 =	vld [tilespmem:s1+$0x2000]  }
0x6a: {  	[tilespmem:s1+$0x1FA0] =	vst v5;
	v0 =	vmul.f32 $1.131370830e+01, v0  }
0x6b: {  	[tilespmem:s1+$0x1FB0] =	vst v1;
	v1 =	vmul.f32 $1.131370830e+01, v2  }
0x6c: {  	[tilespmem:s1+$0x1FC0] =	vst v0;
	v0 =	vmul.f32 $1.131370830e+01, v3  }
0x6d: {  	s6 =	sadd.s32 s5, s0;
	[tilespmem:s1+$0x1FD0] =	vst v1;
	v1 =	vmul.f32 $1.131370830e+01, v4  }
0x6e: {  	s6 =	smul.u32 $0xC80, s6;
	[tilespmem:s1+$0x1FE0] =	vst v0;
	v0 =	vmul.f32 $1.131370830e+01, v6  }
0x6f: {  	[tilespmem:s1+$0x1FF0] =	vst v1  }
0x70: {  	s7 =	sadd.s32 s3, s6;
	s6 =	simm.s32 @!p0 $0x8;
	[tilespmem:s1+$0x2000] =	vst v0;
	s1 =	sor.u32 $0x3, s0  }
0x71: {  	[hbm4b:s7+s4] =	stream.linear.scatter [tilespmem:s10], [sflag:$0x5], $0x6400, $0x38;
	[tilespmem:$0x1B000] =	vst v63  }
0x72: {  	s16 =	sshll.u32 s1, $0x7;
	_ =	swait.ge @!p0 [sflag:s6], $0x6400  }
0x73: {  	s16 =	sand.u32 $0x380, s16;
	[sflag:s6] =	ssyncset.done @!p0 $0x0  }
0x74: {  	s15 =	sadd.s32 s16, s15;
	s16 =	sor.u32 s16, s13;
	[sflag:s6] =	ssyncadd.s32 @!p0 $0xFFFF9C00  }
0x75: {  	[tilespmem:s20], [sflag:$0x4] =	stream.indirect.gather [hbm4b:s2+s9], $0x80, s15, s9, $0xb8;
	[tilespmem:$0x1B000] =	vst v63  }
0x76: {  	s6 =	sor.u32 $0x400, s16  }
0x77: {  	[tilespmem:s21], [sflag:$0x4] =	stream.indirect.gather [hbm4b:s2+s11], $0x80, s6, s11, $0xb8;
	[tilespmem:$0x1B000] =	vst v63  }
0x78: {  	_ =	swait.ge [sflag:s22], $0x4000  }
0x79: {  	[sflag:s22] =	ssyncset.done $0x0  }
0x7a: {  	[sflag:s22] =	ssyncadd.s32 $0xFFFFC000  }
0x7b: {  	_ =	swait.ge [sflag:s22], $0x2400  }
0x7c: {  	[sflag:s22] =	ssyncset.done $0x0  }
0x7d: {  	s13 =	simm.s32 $0x1F0;
	[sflag:s22] =	ssyncadd.s32 $0xFFFFDC00  }
0x7e: {  	v0 =	vld [tilespmem:s13+$0x8210]  }
0x7f: {  	v1 =	vld [tilespmem:s13+$0x8220]  }
0x80: {  	v2 =	vld [tilespmem:s13+$0x8230]  }
0x81: {  	v3 =	vld [tilespmem:s13+$0x8240]  }
0x82: {  	v4 =	vld [tilespmem:s13+$0x8250]  }
0x83: {  	v5 =	vld [tilespmem:s13+$0x8260];
	v0 =	vmul.f32 $1.131370830e+01, v0  }
0x84: {  	v6 =	vld [tilespmem:s13+$0x8270];
	v1 =	vmul.f32 $1.131370830e+01, v1  }
0x85: {  	v2 =	vmul.f32 $1.131370830e+01, v2;
	[tilespmem:s13+$0x8210] =	vst v0;
	v0 =	vld [tilespmem:s13+$0x8280]  }
0x86: {  	v3 =	vmul.f32 $1.131370830e+01, v3;
	[tilespmem:s13+$0x8220] =	vst v1;
	v1 =	vld [tilespmem:s13+$0x8290]  }
0x87: {  	v4 =	vmul.f32 $1.131370830e+01, v4;
	[tilespmem:s13+$0x8230] =	vst v2;
	v2 =	vld [tilespmem:s13+$0x82A0]  }
0x88: {  	v5 =	vmul.f32 $1.131370830e+01, v5;
	[tilespmem:s13+$0x8240] =	vst v3;
	v3 =	vld [tilespmem:s13+$0x82B0]  }
0x89: {  	v6 =	vmul.f32 $1.131370830e+01, v6;
	[tilespmem:s13+$0x8250] =	vst v4;
	v4 =	vld [tilespmem:s13+$0x82C0]  }
0x8a: {  	[tilespmem:s13+$0x8260] =	vst v5;
	v5 =	vld [tilespmem:s13+$0x82D0];
	v0 =	vmul.f32 $1.131370830e+01, v0  }
0x8b: {  	[tilespmem:s13+$0x8270] =	vst v6;
	v6 =	vld [tilespmem:s13+$0x82E0];
	v1 =	vmul.f32 $1.131370830e+01, v1  }
0x8c: {  	v2 =	vmul.f32 $1.131370830e+01, v2;
	[tilespmem:s13+$0x8280] =	vst v0;
	v0 =	vld [tilespmem:s13+$0x82F0]  }
0x8d: {  	v3 =	vmul.f32 $1.131370830e+01, v3;
	[tilespmem:s13+$0x8290] =	vst v1;
	v1 =	vld [tilespmem:s13+$0x8300]  }
0x8e: {  	v4 =	vmul.f32 $1.131370830e+01, v4;
	[tilespmem:s13+$0x82A0] =	vst v2;
	v2 =	vld [tilespmem:s13+$0x8310]  }
0x8f: {  	v5 =	vmul.f32 $1.131370830e+01, v5;
	[tilespmem:s13+$0x82B0] =	vst v3;
	v3 =	vld [tilespmem:s13+$0x8320]  }
0x90: {  	v6 =	vmul.f32 $1.131370830e+01, v6;
	[tilespmem:s13+$0x82C0] =	vst v4;
	v4 =	vld [tilespmem:s13+$0x8330]  }
0x91: {  	[tilespmem:s13+$0x82D0] =	vst v5;
	v5 =	vld [tilespmem:s13+$0x8340];
	v0 =	vmul.f32 $1.131370830e+01, v0  }
0x92: {  	[tilespmem:s13+$0x82E0] =	vst v6;
	v6 =	vld [tilespmem:s13+$0x8350]  }
0x93: {  	v1 =	vmul.f32 $1.131370830e+01, v1;
	[tilespmem:s13+$0x82F0] =	vst v0;
	v0 =	vld [tilespmem:s13+$0x8360]  }
0x94: {  	v2 =	vmul.f32 $1.131370830e+01, v2  }
0x95: {  	[tilespmem:s13+$0x8300] =	vst v1;
	v1 =	vmul.f32 $1.131370830e+01, v3;
	v3 =	vld [tilespmem:s13+$0x8380]  }
0x96: {  	v7 =	vld [tilespmem:s13+$0x8370];
	[tilespmem:s13+$0x8310] =	vst v2;
	v2 =	vmul.f32 $1.131370830e+01, v4  }
0x97: {  	v4 =	vld [tilespmem:s13+$0x8390];
	[tilespmem:s13+$0x8320] =	vst v1;
	v1 =	vmul.f32 $1.131370830e+01, v5  }
0x98: {  	[tilespmem:s13+$0x8330] =	vst v2;
	v5 =	vld [tilespmem:s13+$0x83A0];
	v2 =	vmul.f32 $1.131370830e+01, v6;
	v6 =	vmul.f32 $1.131370830e+01, v0  }
0x99: {  	[tilespmem:s13+$0x8340] =	vst v1;
	v1 =	vld [tilespmem:s13+$0x83B0]  }
0x9a: {  	v0 =	vld [tilespmem:s13+$0x83C0];
	[tilespmem:s13+$0x8360] =	vst v6;
	v6 =	vmul.f32 $1.131370830e+01, v3  }
0x9b: {  	v7 =	vmul.f32 $1.131370830e+01, v7;
	[tilespmem:s13+$0x8350] =	vst v2;
	v2 =	vld [tilespmem:s13+$0x83D0]  }
0x9c: {  	v3 =	vld [tilespmem:s13+$0x83E0];
	[tilespmem:s13+$0x8380] =	vst v6;
	v6 =	vmul.f32 $1.131370830e+01, v4  }
0x9d: {  	s16 =	simm.s32 $0xFC0;
	s15 =	sor.u32 $0x1, s0;
	[tilespmem:s13+$0x8370] =	vst v7;
	v5 =	vmul.f32 $1.131370830e+01, v5;
	v4 =	vld [tilespmem:s13+$0x83F0]  }
.LBB2_5:
0x9e: {  	s6 =	sshra.s32 s16, $0x2;
	p0 =	sne.s32 s16, $0x18FC0;
	[tilespmem:s13+$0x8390] =	vst v6;
	v1 =	vmul.f32 $1.131370830e+01, v1;
	v6 =	vld [tilespmem:s13+$0x8400]  }
0x9f: {  	v7 =	vld [tilespmem:s6+$0x8210];
	[tilespmem:s13+$0x83A0] =	vst v5;
	v0 =	vmul.f32 $1.131370830e+01, v0  }
0xa0: {  	v5 =	vld [tilespmem:s6+$0x8220];
	[tilespmem:s13+$0x83B0] =	vst v1;
	v1 =	vmul.f32 $1.131370830e+01, v2  }
0xa1: {  	v2 =	vld [tilespmem:s6+$0x8230];
	[tilespmem:s13+$0x83C0] =	vst v0;
	v0 =	vmul.f32 $1.131370830e+01, v3  }
0xa2: {  	v3 =	vld [tilespmem:s6+$0x8240];
	[tilespmem:s13+$0x83D0] =	vst v1;
	v1 =	vmul.f32 $1.131370830e+01, v4  }
0xa3: {  	v4 =	vld [tilespmem:s6+$0x8250];
	[tilespmem:s13+$0x83E0] =	vst v0;
	v0 =	vmul.f32 $1.131370830e+01, v6  }
0xa4: {  	v6 =	vmul.f32 $1.131370830e+01, v7;
	v7 =	vld [tilespmem:s6+$0x8260];
	[tilespmem:s13+$0x83F0] =	vst v1  }
0xa5: {  	v1 =	vmul.f32 $1.131370830e+01, v5;
	v5 =	vld [tilespmem:s6+$0x8270];
	[tilespmem:s13+$0x8400] =	vst v0;
	s13 =	smov.u32 s6  }
0xa6: {  	[tilespmem:s13+$0x8210] =	vst v6;
	v0 =	vmul.f32 $1.131370830e+01, v2;
	v2 =	vld [tilespmem:s13+$0x8280]  }
0xa7: {  	[tilespmem:s13+$0x8220] =	vst v1;
	v1 =	vmul.f32 $1.131370830e+01, v3;
	v3 =	vld [tilespmem:s13+$0x8290]  }
0xa8: {  	[tilespmem:s13+$0x8230] =	vst v0;
	v0 =	vmul.f32 $1.131370830e+01, v4;
	v4 =	vld [tilespmem:s13+$0x82A0]  }
0xa9: {  	[tilespmem:s13+$0x8240] =	vst v1;
	v1 =	vmul.f32 $1.131370830e+01, v7;
	v6 =	vld [tilespmem:s13+$0x82B0]  }
0xaa: {  	[tilespmem:s13+$0x8250] =	vst v0;
	v0 =	vmul.f32 $1.131370830e+01, v5;
	v5 =	vld [tilespmem:s13+$0x82C0]  }
0xab: {  	[tilespmem:s13+$0x8260] =	vst v1;
	v1 =	vmul.f32 $1.131370830e+01, v2;
	v2 =	vld [tilespmem:s13+$0x82D0]  }
0xac: {  	[tilespmem:s13+$0x8270] =	vst v0;
	v0 =	vmul.f32 $1.131370830e+01, v3;
	v3 =	vld [tilespmem:s13+$0x82E0]  }
0xad: {  	[tilespmem:s13+$0x8280] =	vst v1;
	v1 =	vmul.f32 $1.131370830e+01, v4;
	v4 =	vld [tilespmem:s13+$0x82F0]  }
0xae: {  	[tilespmem:s13+$0x8290] =	vst v0;
	v0 =	vmul.f32 $1.131370830e+01, v6;
	v6 =	vld [tilespmem:s13+$0x8300]  }
0xaf: {  	[tilespmem:s13+$0x82A0] =	vst v1;
	v1 =	vmul.f32 $1.131370830e+01, v5;
	v5 =	vld [tilespmem:s13+$0x8310]  }
0xb0: {  	[tilespmem:s13+$0x82B0] =	vst v0;
	v0 =	vmul.f32 $1.131370830e+01, v2;
	v2 =	vld [tilespmem:s13+$0x8320]  }
0xb1: {  	[tilespmem:s13+$0x82C0] =	vst v1;
	v1 =	vmul.f32 $1.131370830e+01, v3;
	v3 =	vld [tilespmem:s13+$0x8330]  }
0xb2: {  	[tilespmem:s13+$0x82D0] =	vst v0;
	v0 =	vmul.f32 $1.131370830e+01, v4;
	v4 =	vld [tilespmem:s13+$0x8340]  }
0xb3: {  	[tilespmem:s13+$0x82E0] =	vst v1;
	v1 =	vmul.f32 $1.131370830e+01, v6;
	v6 =	vld [tilespmem:s13+$0x8350]  }
0xb4: {  	[tilespmem:s13+$0x82F0] =	vst v0;
	v0 =	vmul.f32 $1.131370830e+01, v5;
	v5 =	vld [tilespmem:s13+$0x8360]  }
0xb5: {  	[tilespmem:s13+$0x8300] =	vst v1;
	v1 =	vmul.f32 $1.131370830e+01, v2;
	v2 =	vld [tilespmem:s13+$0x8370]  }
0xb6: {  	[tilespmem:s13+$0x8310] =	vst v0;
	v0 =	vmul.f32 $1.131370830e+01, v3;
	v3 =	vld [tilespmem:s13+$0x8380]  }
0xb7: {  	[tilespmem:s13+$0x8320] =	vst v1;
	v1 =	vmul.f32 $1.131370830e+01, v4;
	v4 =	vld [tilespmem:s13+$0x8390]  }
0xb8: {  	[tilespmem:s13+$0x8330] =	vst v0;
	v0 =	vmul.f32 $1.131370830e+01, v6;
	v7 =	vld [tilespmem:s13+$0x83A0]  }
.Ltmp1:
0xb9: {  	[tilespmem:s13+$0x8340] =	vst v1;
	v5 =	vmul.f32 $1.131370830e+01, v5;
	v1 =	vld [tilespmem:s13+$0x83B0];
	(pc) =	sbr.rel @p0 .LBB2_5-.Ltmp1, $4  }
0xba: {  	[tilespmem:s13+$0x8350] =	vst v0;
	v6 =	vmul.f32 $1.131370830e+01, v2;
	v0 =	vld [tilespmem:s13+$0x83C0]  }
0xbb: {  	[tilespmem:s13+$0x8360] =	vst v5;
	v5 =	vmul.f32 $1.131370830e+01, v3;
	v2 =	vld [tilespmem:s13+$0x83D0]  }
0xbc: {  	[tilespmem:s13+$0x8370] =	vst v6;
	v6 =	vmul.f32 $1.131370830e+01, v4;
	v3 =	vld [tilespmem:s13+$0x83E0]  }
0xbd: {  	s16 =	sadd.s32 $0x800, s16;
	[tilespmem:s13+$0x8380] =	vst v5;
	v5 =	vmul.f32 $1.131370830e+01, v7;
	v4 =	vld [tilespmem:s13+$0x83F0]  }
0xbe: {  	[tilespmem:s13+$0x8390] =	vst v6;
	v1 =	vmul.f32 $1.131370830e+01, v1;
	v6 =	vld [tilespmem:s13+$0x8400]  }
0xbf: {  	[tilespmem:s13+$0x83A0] =	vst v5;
	v0 =	vmul.f32 $1.131370830e+01, v0  }
0xc0: {  	[tilespmem:s13+$0x83B0] =	vst v1;
	v1 =	vmul.f32 $1.131370830e+01, v2  }
0xc1: {  	[tilespmem:s13+$0x83C0] =	vst v0;
	v0 =	vmul.f32 $1.131370830e+01, v3  }
0xc2: {  	s6 =	sadd.s32 s5, s15;
	[tilespmem:s13+$0x83D0] =	vst v1;
	v1 =	vmul.f32 $1.131370830e+01, v4  }
0xc3: {  	s6 =	smul.u32 $0xC80, s6;
	[tilespmem:s13+$0x83E0] =	vst v0;
	v0 =	vmul.f32 $1.131370830e+01, v6  }
0xc4: {  	[tilespmem:s13+$0x83F0] =	vst v1  }
0xc5: {  	p0 =	seq.s32 s31, $0x7;
	s6 =	sadd.s32 s3, s6;
	[tilespmem:s13+$0x8400] =	vst v0  }
0xc6: {  	[hbm4b:s6+s4] =	stream.linear.scatter [tilespmem:s14], [sflag:$0x6], $0x6400, $0x38;
	[tilespmem:$0x1B000] =	vst v63  }
0xc7: {  	s6 =	simm.s32 @!p0 $0x5  }
0xc8: {  	s13 =	sadd.s32 @!p0 $0x4, s0;
	_ =	swait.ge @!p0 [sflag:s6], $0x6400  }
0xc9: {  	s15 =	sshll.u32 @!p0 s13, $0x8;
	s13 =	sshll.u32 @!p0 s13, $0x7;
	[sflag:s6] =	ssyncset.done @!p0 $0x0  }
0xca: {  	s13 =	sand.u32 @!p0 $0x200, s13;
	[sflag:s6] =	ssyncadd.s32 @!p0 $0xFFFF9C00;
	s6 =	sand.u32 @!p0 $0x3800, s15  }
0xcb: {  	s16 =	simm.s32 @!p0 $0x80;
	s7 =	simm.s32 @!p0 $0x2000;
	s6 =	sor.u32 @!p0 s13, s6  }
0xcc: {  	[tilespmem:s7], [sflag:$0x1] =	stream.indirect.gather @!p0 [hbm4b:s2+s16], $0x80, s6, s16, $0xb8;
	[tilespmem:$0x1B000] =	vst v63  }
0xcd: {  	s6 =	sor.u32 @!p0 s13, s15  }
0xce: {  	s7 =	simm.s32 @!p0 $0x48;
	s13 =	simm.s32 @!p0 $0x6000;
	s6 =	sor.u32 @!p0 $0x400, s6  }
0xcf: {  	[tilespmem:s13], [sflag:$0x1] =	stream.indirect.gather @!p0 [hbm4b:s2+s7], $0x80, s6, s7, $0xb8;
	[tilespmem:$0x1B000] =	vst v63  }
0xd0: {  	_ =	swait.ge [sflag:s23], $0x4000  }
0xd1: {  	[sflag:s23] =	ssyncset.done $0x0  }
0xd2: {  	[sflag:s23] =	ssyncadd.s32 $0xFFFFC000  }
0xd3: {  	_ =	swait.ge [sflag:s23], $0x2400  }
0xd4: {  	[sflag:s23] =	ssyncset.done $0x0  }
0xd5: {  	s13 =	simm.s32 $0x1F0;
	[sflag:s23] =	ssyncadd.s32 $0xFFFFDC00  }
0xd6: {  	v0 =	vld [tilespmem:s13+$0xE610]  }
0xd7: {  	v1 =	vld [tilespmem:s13+$0xE620]  }
0xd8: {  	v2 =	vld [tilespmem:s13+$0xE630]  }
0xd9: {  	v3 =	vld [tilespmem:s13+$0xE640]  }
0xda: {  	v4 =	vld [tilespmem:s13+$0xE650]  }
0xdb: {  	v5 =	vld [tilespmem:s13+$0xE660];
	v0 =	vmul.f32 $1.131370830e+01, v0  }
0xdc: {  	v6 =	vld [tilespmem:s13+$0xE670];
	v1 =	vmul.f32 $1.131370830e+01, v1  }
0xdd: {  	v2 =	vmul.f32 $1.131370830e+01, v2;
	[tilespmem:s13+$0xE610] =	vst v0;
	v0 =	vld [tilespmem:s13+$0xE680]  }
0xde: {  	v3 =	vmul.f32 $1.131370830e+01, v3;
	[tilespmem:s13+$0xE620] =	vst v1;
	v1 =	vld [tilespmem:s13+$0xE690]  }
0xdf: {  	v4 =	vmul.f32 $1.131370830e+01, v4;
	[tilespmem:s13+$0xE630] =	vst v2;
	v2 =	vld [tilespmem:s13+$0xE6A0]  }
0xe0: {  	v5 =	vmul.f32 $1.131370830e+01, v5;
	[tilespmem:s13+$0xE640] =	vst v3;
	v3 =	vld [tilespmem:s13+$0xE6B0]  }
0xe1: {  	v6 =	vmul.f32 $1.131370830e+01, v6;
	[tilespmem:s13+$0xE650] =	vst v4;
	v4 =	vld [tilespmem:s13+$0xE6C0]  }
0xe2: {  	[tilespmem:s13+$0xE660] =	vst v5;
	v5 =	vld [tilespmem:s13+$0xE6D0];
	v0 =	vmul.f32 $1.131370830e+01, v0  }
0xe3: {  	[tilespmem:s13+$0xE670] =	vst v6;
	v6 =	vld [tilespmem:s13+$0xE6E0];
	v1 =	vmul.f32 $1.131370830e+01, v1  }
0xe4: {  	v2 =	vmul.f32 $1.131370830e+01, v2;
	[tilespmem:s13+$0xE680] =	vst v0;
	v0 =	vld [tilespmem:s13+$0xE6F0]  }
0xe5: {  	v3 =	vmul.f32 $1.131370830e+01, v3;
	[tilespmem:s13+$0xE690] =	vst v1;
	v1 =	vld [tilespmem:s13+$0xE700]  }
0xe6: {  	v4 =	vmul.f32 $1.131370830e+01, v4;
	[tilespmem:s13+$0xE6A0] =	vst v2;
	v2 =	vld [tilespmem:s13+$0xE710]  }
0xe7: {  	v5 =	vmul.f32 $1.131370830e+01, v5;
	[tilespmem:s13+$0xE6B0] =	vst v3;
	v3 =	vld [tilespmem:s13+$0xE720]  }
0xe8: {  	v6 =	vmul.f32 $1.131370830e+01, v6;
	[tilespmem:s13+$0xE6C0] =	vst v4;
	v4 =	vld [tilespmem:s13+$0xE730]  }
0xe9: {  	[tilespmem:s13+$0xE6D0] =	vst v5;
	v5 =	vld [tilespmem:s13+$0xE740];
	v0 =	vmul.f32 $1.131370830e+01, v0  }
0xea: {  	[tilespmem:s13+$0xE6E0] =	vst v6;
	v6 =	vld [tilespmem:s13+$0xE750]  }
0xeb: {  	v1 =	vmul.f32 $1.131370830e+01, v1;
	[tilespmem:s13+$0xE6F0] =	vst v0;
	v0 =	vld [tilespmem:s13+$0xE760]  }
0xec: {  	v2 =	vmul.f32 $1.131370830e+01, v2  }
0xed: {  	[tilespmem:s13+$0xE700] =	vst v1;
	v1 =	vmul.f32 $1.131370830e+01, v3;
	v3 =	vld [tilespmem:s13+$0xE780]  }
0xee: {  	v7 =	vld [tilespmem:s13+$0xE770];
	[tilespmem:s13+$0xE710] =	vst v2;
	v2 =	vmul.f32 $1.131370830e+01, v4  }
0xef: {  	v4 =	vld [tilespmem:s13+$0xE790];
	[tilespmem:s13+$0xE720] =	vst v1;
	v1 =	vmul.f32 $1.131370830e+01, v5  }
0xf0: {  	[tilespmem:s13+$0xE730] =	vst v2;
	v5 =	vld [tilespmem:s13+$0xE7A0];
	v2 =	vmul.f32 $1.131370830e+01, v6;
	v6 =	vmul.f32 $1.131370830e+01, v0  }
0xf1: {  	[tilespmem:s13+$0xE740] =	vst v1;
	v1 =	vld [tilespmem:s13+$0xE7B0]  }
0xf2: {  	v0 =	vld [tilespmem:s13+$0xE7C0];
	[tilespmem:s13+$0xE760] =	vst v6;
	v6 =	vmul.f32 $1.131370830e+01, v3  }
0xf3: {  	v7 =	vmul.f32 $1.131370830e+01, v7;
	[tilespmem:s13+$0xE750] =	vst v2;
	v2 =	vld [tilespmem:s13+$0xE7D0]  }
0xf4: {  	v3 =	vld [tilespmem:s13+$0xE7E0];
	[tilespmem:s13+$0xE780] =	vst v6;
	v6 =	vmul.f32 $1.131370830e+01, v4  }
0xf5: {  	s15 =	simm.s32 $0xFC0;
	[tilespmem:s13+$0xE770] =	vst v7;
	v5 =	vmul.f32 $1.131370830e+01, v5;
	v4 =	vld [tilespmem:s13+$0xE7F0]  }
.LBB2_7:
0xf6: {  	s6 =	sshra.s32 s15, $0x2;
	p1 =	sne.s32 s15, $0x18FC0;
	[tilespmem:s13+$0xE790] =	vst v6;
	v1 =	vmul.f32 $1.131370830e+01, v1;
	v6 =	vld [tilespmem:s13+$0xE800]  }
0xf7: {  	v7 =	vld [tilespmem:s6+$0xE610];
	[tilespmem:s13+$0xE7A0] =	vst v5;
	v0 =	vmul.f32 $1.131370830e+01, v0  }
0xf8: {  	v5 =	vld [tilespmem:s6+$0xE620];
	[tilespmem:s13+$0xE7B0] =	vst v1;
	v1 =	vmul.f32 $1.131370830e+01, v2  }
0xf9: {  	v2 =	vld [tilespmem:s6+$0xE630];
	[tilespmem:s13+$0xE7C0] =	vst v0;
	v0 =	vmul.f32 $1.131370830e+01, v3  }
0xfa: {  	v3 =	vld [tilespmem:s6+$0xE640];
	[tilespmem:s13+$0xE7D0] =	vst v1;
	v1 =	vmul.f32 $1.131370830e+01, v4  }
0xfb: {  	v4 =	vld [tilespmem:s6+$0xE650];
	[tilespmem:s13+$0xE7E0] =	vst v0;
	v0 =	vmul.f32 $1.131370830e+01, v6  }
0xfc: {  	v6 =	vmul.f32 $1.131370830e+01, v7;
	v7 =	vld [tilespmem:s6+$0xE660];
	[tilespmem:s13+$0xE7F0] =	vst v1  }
0xfd: {  	v1 =	vmul.f32 $1.131370830e+01, v5;
	v5 =	vld [tilespmem:s6+$0xE670];
	[tilespmem:s13+$0xE800] =	vst v0;
	s13 =	smov.u32 s6  }
0xfe: {  	[tilespmem:s13+$0xE610] =	vst v6;
	v0 =	vmul.f32 $1.131370830e+01, v2;
	v2 =	vld [tilespmem:s13+$0xE680]  }
0xff: {  	[tilespmem:s13+$0xE620] =	vst v1;
	v1 =	vmul.f32 $1.131370830e+01, v3;
	v3 =	vld [tilespmem:s13+$0xE690]  }
0x100: {  	[tilespmem:s13+$0xE630] =	vst v0;
	v0 =	vmul.f32 $1.131370830e+01, v4;
	v4 =	vld [tilespmem:s13+$0xE6A0]  }
0x101: {  	[tilespmem:s13+$0xE640] =	vst v1;
	v1 =	vmul.f32 $1.131370830e+01, v7;
	v6 =	vld [tilespmem:s13+$0xE6B0]  }
0x102: {  	[tilespmem:s13+$0xE650] =	vst v0;
	v0 =	vmul.f32 $1.131370830e+01, v5;
	v5 =	vld [tilespmem:s13+$0xE6C0]  }
0x103: {  	[tilespmem:s13+$0xE660] =	vst v1;
	v1 =	vmul.f32 $1.131370830e+01, v2;
	v2 =	vld [tilespmem:s13+$0xE6D0]  }
0x104: {  	[tilespmem:s13+$0xE670] =	vst v0;
	v0 =	vmul.f32 $1.131370830e+01, v3;
	v3 =	vld [tilespmem:s13+$0xE6E0]  }
0x105: {  	[tilespmem:s13+$0xE680] =	vst v1;
	v1 =	vmul.f32 $1.131370830e+01, v4;
	v4 =	vld [tilespmem:s13+$0xE6F0]  }
0x106: {  	[tilespmem:s13+$0xE690] =	vst v0;
	v0 =	vmul.f32 $1.131370830e+01, v6;
	v6 =	vld [tilespmem:s13+$0xE700]  }
0x107: {  	[tilespmem:s13+$0xE6A0] =	vst v1;
	v1 =	vmul.f32 $1.131370830e+01, v5;
	v5 =	vld [tilespmem:s13+$0xE710]  }
0x108: {  	[tilespmem:s13+$0xE6B0] =	vst v0;
	v0 =	vmul.f32 $1.131370830e+01, v2;
	v2 =	vld [tilespmem:s13+$0xE720]  }
0x109: {  	[tilespmem:s13+$0xE6C0] =	vst v1;
	v1 =	vmul.f32 $1.131370830e+01, v3;
	v3 =	vld [tilespmem:s13+$0xE730]  }
0x10a: {  	[tilespmem:s13+$0xE6D0] =	vst v0;
	v0 =	vmul.f32 $1.131370830e+01, v4;
	v4 =	vld [tilespmem:s13+$0xE740]  }
0x10b: {  	[tilespmem:s13+$0xE6E0] =	vst v1;
	v1 =	vmul.f32 $1.131370830e+01, v6;
	v6 =	vld [tilespmem:s13+$0xE750]  }
0x10c: {  	[tilespmem:s13+$0xE6F0] =	vst v0;
	v0 =	vmul.f32 $1.131370830e+01, v5;
	v5 =	vld [tilespmem:s13+$0xE760]  }
0x10d: {  	[tilespmem:s13+$0xE700] =	vst v1;
	v1 =	vmul.f32 $1.131370830e+01, v2;
	v2 =	vld [tilespmem:s13+$0xE770]  }
0x10e: {  	[tilespmem:s13+$0xE710] =	vst v0;
	v0 =	vmul.f32 $1.131370830e+01, v3;
	v3 =	vld [tilespmem:s13+$0xE780]  }
0x10f: {  	[tilespmem:s13+$0xE720] =	vst v1;
	v1 =	vmul.f32 $1.131370830e+01, v4;
	v4 =	vld [tilespmem:s13+$0xE790]  }
0x110: {  	[tilespmem:s13+$0xE730] =	vst v0;
	v0 =	vmul.f32 $1.131370830e+01, v6;
	v7 =	vld [tilespmem:s13+$0xE7A0]  }
.Ltmp2:
0x111: {  	[tilespmem:s13+$0xE740] =	vst v1;
	v5 =	vmul.f32 $1.131370830e+01, v5;
	v1 =	vld [tilespmem:s13+$0xE7B0];
	(pc) =	sbr.rel @p1 .LBB2_7-.Ltmp2, $4  }
0x112: {  	[tilespmem:s13+$0xE750] =	vst v0;
	v6 =	vmul.f32 $1.131370830e+01, v2;
	v0 =	vld [tilespmem:s13+$0xE7C0]  }
0x113: {  	[tilespmem:s13+$0xE760] =	vst v5;
	v5 =	vmul.f32 $1.131370830e+01, v3;
	v2 =	vld [tilespmem:s13+$0xE7D0]  }
0x114: {  	[tilespmem:s13+$0xE770] =	vst v6;
	v6 =	vmul.f32 $1.131370830e+01, v4;
	v3 =	vld [tilespmem:s13+$0xE7E0]  }
0x115: {  	s15 =	sadd.s32 $0x800, s15;
	[tilespmem:s13+$0xE780] =	vst v5;
	v5 =	vmul.f32 $1.131370830e+01, v7;
	v4 =	vld [tilespmem:s13+$0xE7F0]  }
0x116: {  	[tilespmem:s13+$0xE790] =	vst v6;
	v1 =	vmul.f32 $1.131370830e+01, v1;
	v6 =	vld [tilespmem:s13+$0xE800]  }
0x117: {  	[tilespmem:s13+$0xE7A0] =	vst v5;
	v0 =	vmul.f32 $1.131370830e+01, v0  }
0x118: {  	[tilespmem:s13+$0xE7B0] =	vst v1;
	v1 =	vmul.f32 $1.131370830e+01, v2  }
0x119: {  	[tilespmem:s13+$0xE7C0] =	vst v0;
	v0 =	vmul.f32 $1.131370830e+01, v3  }
0x11a: {  	s6 =	sadd.s32 s5, s12;
	[tilespmem:s13+$0xE7D0] =	vst v1;
	v1 =	vmul.f32 $1.131370830e+01, v4  }
0x11b: {  	s6 =	smul.u32 $0xC80, s6;
	[tilespmem:s13+$0xE7E0] =	vst v0;
	v0 =	vmul.f32 $1.131370830e+01, v6  }
0x11c: {  	[tilespmem:s13+$0xE7F0] =	vst v1  }
0x11d: {  	s6 =	sadd.s32 s3, s6;
	[tilespmem:s13+$0xE800] =	vst v0  }
0x11e: {  	[hbm4b:s6+s4] =	stream.linear.scatter [tilespmem:s17], [sflag:$0x7], $0x6400, $0x38;
	[tilespmem:$0x1B000] =	vst v63  }
0x11f: {  	s6 =	simm.s32 @!p0 $0x6  }
0x120: {  	s0 =	sadd.s32 @!p0 $0x5, s0;
	_ =	swait.ge @!p0 [sflag:s6], $0x6400  }
0x121: {  	s7 =	sshll.u32 @!p0 s0, $0x8;
	s0 =	sshll.u32 @!p0 s0, $0x7;
	[sflag:s6] =	ssyncset.done @!p0 $0x0  }
0x122: {  	s0 =	sand.u32 @!p0 $0x280, s0;
	[sflag:s6] =	ssyncadd.s32 @!p0 $0xFFFF9C00;
	s6 =	sand.u32 @!p0 $0x3800, s7  }
0x123: {  	s7 =	simm.s32 @!p0 $0x8400;
	s0 =	sor.u32 @!p0 s0, s6;
	s6 =	simm.s32 @!p0 $0x80  }
0x124: {  	[tilespmem:s7], [sflag:$0x2] =	stream.indirect.gather @!p0 [hbm4b:s2+s6], $0x80, s0, s6, $0xb8;
	[tilespmem:$0x1B000] =	vst v63  }
0x125: {  	s0 =	sor.u32 @!p0 $0x400, s0;
	s6 =	simm.s32 @!p0 $0x48;
	s7 =	simm.s32 @!p0 $0xC400  }
0x126: {  	[tilespmem:s7], [sflag:$0x2] =	stream.indirect.gather @!p0 [hbm4b:s2+s6], $0x80, s0, s6, $0xb8;
	[tilespmem:$0x1B000] =	vst v63  }
0x127: {  	_ =	swait.ge [sflag:s24], $0x4000  }
0x128: {  	[sflag:s24] =	ssyncset.done $0x0  }
0x129: {  	[sflag:s24] =	ssyncadd.s32 $0xFFFFC000  }
0x12a: {  	_ =	swait.ge [sflag:s24], $0x2400  }
0x12b: {  	[sflag:s24] =	ssyncset.done $0x0  }
0x12c: {  	s0 =	simm.s32 $0x1F0;
	[sflag:s24] =	ssyncadd.s32 $0xFFFFDC00  }
0x12d: {  	v0 =	vld [tilespmem:s0+$0x14A10]  }
0x12e: {  	v1 =	vld [tilespmem:s0+$0x14A20]  }
0x12f: {  	v2 =	vld [tilespmem:s0+$0x14A30]  }
0x130: {  	v3 =	vld [tilespmem:s0+$0x14A40]  }
0x131: {  	v4 =	vld [tilespmem:s0+$0x14A50]  }
0x132: {  	v5 =	vld [tilespmem:s0+$0x14A60];
	v0 =	vmul.f32 $1.131370830e+01, v0  }
0x133: {  	v6 =	vld [tilespmem:s0+$0x14A70];
	v1 =	vmul.f32 $1.131370830e+01, v1  }
0x134: {  	v2 =	vmul.f32 $1.131370830e+01, v2;
	[tilespmem:s0+$0x14A10] =	vst v0;
	v0 =	vld [tilespmem:s0+$0x14A80]  }
0x135: {  	v3 =	vmul.f32 $1.131370830e+01, v3;
	[tilespmem:s0+$0x14A20] =	vst v1;
	v1 =	vld [tilespmem:s0+$0x14A90]  }
0x136: {  	v4 =	vmul.f32 $1.131370830e+01, v4;
	[tilespmem:s0+$0x14A30] =	vst v2;
	v2 =	vld [tilespmem:s0+$0x14AA0]  }
0x137: {  	v5 =	vmul.f32 $1.131370830e+01, v5;
	[tilespmem:s0+$0x14A40] =	vst v3;
	v3 =	vld [tilespmem:s0+$0x14AB0]  }
0x138: {  	v6 =	vmul.f32 $1.131370830e+01, v6;
	[tilespmem:s0+$0x14A50] =	vst v4;
	v4 =	vld [tilespmem:s0+$0x14AC0]  }
0x139: {  	[tilespmem:s0+$0x14A60] =	vst v5;
	v5 =	vld [tilespmem:s0+$0x14AD0];
	v0 =	vmul.f32 $1.131370830e+01, v0  }
0x13a: {  	[tilespmem:s0+$0x14A70] =	vst v6;
	v6 =	vld [tilespmem:s0+$0x14AE0];
	v1 =	vmul.f32 $1.131370830e+01, v1  }
0x13b: {  	v2 =	vmul.f32 $1.131370830e+01, v2;
	[tilespmem:s0+$0x14A80] =	vst v0;
	v0 =	vld [tilespmem:s0+$0x14AF0]  }
0x13c: {  	v3 =	vmul.f32 $1.131370830e+01, v3;
	[tilespmem:s0+$0x14A90] =	vst v1;
	v1 =	vld [tilespmem:s0+$0x14B00]  }
0x13d: {  	v4 =	vmul.f32 $1.131370830e+01, v4;
	[tilespmem:s0+$0x14AA0] =	vst v2;
	v2 =	vld [tilespmem:s0+$0x14B10]  }
0x13e: {  	v5 =	vmul.f32 $1.131370830e+01, v5;
	[tilespmem:s0+$0x14AB0] =	vst v3;
	v3 =	vld [tilespmem:s0+$0x14B20]  }
0x13f: {  	v6 =	vmul.f32 $1.131370830e+01, v6;
	[tilespmem:s0+$0x14AC0] =	vst v4;
	v4 =	vld [tilespmem:s0+$0x14B30]  }
0x140: {  	[tilespmem:s0+$0x14AD0] =	vst v5;
	v5 =	vld [tilespmem:s0+$0x14B40];
	v0 =	vmul.f32 $1.131370830e+01, v0  }
0x141: {  	[tilespmem:s0+$0x14AE0] =	vst v6;
	v6 =	vld [tilespmem:s0+$0x14B50]  }
0x142: {  	v1 =	vmul.f32 $1.131370830e+01, v1;
	[tilespmem:s0+$0x14AF0] =	vst v0;
	v0 =	vld [tilespmem:s0+$0x14B60]  }
0x143: {  	v2 =	vmul.f32 $1.131370830e+01, v2  }
0x144: {  	[tilespmem:s0+$0x14B00] =	vst v1;
	v1 =	vmul.f32 $1.131370830e+01, v3;
	v3 =	vld [tilespmem:s0+$0x14B80]  }
0x145: {  	v7 =	vld [tilespmem:s0+$0x14B70];
	[tilespmem:s0+$0x14B10] =	vst v2;
	v2 =	vmul.f32 $1.131370830e+01, v4  }
0x146: {  	v4 =	vld [tilespmem:s0+$0x14B90];
	[tilespmem:s0+$0x14B20] =	vst v1;
	v1 =	vmul.f32 $1.131370830e+01, v5  }
0x147: {  	[tilespmem:s0+$0x14B30] =	vst v2;
	v5 =	vld [tilespmem:s0+$0x14BA0];
	v2 =	vmul.f32 $1.131370830e+01, v6;
	v6 =	vmul.f32 $1.131370830e+01, v0  }
0x148: {  	[tilespmem:s0+$0x14B40] =	vst v1;
	v1 =	vld [tilespmem:s0+$0x14BB0]  }
0x149: {  	v0 =	vld [tilespmem:s0+$0x14BC0];
	[tilespmem:s0+$0x14B60] =	vst v6;
	v6 =	vmul.f32 $1.131370830e+01, v3  }
0x14a: {  	v7 =	vmul.f32 $1.131370830e+01, v7;
	[tilespmem:s0+$0x14B50] =	vst v2;
	v2 =	vld [tilespmem:s0+$0x14BD0]  }
0x14b: {  	v3 =	vld [tilespmem:s0+$0x14BE0];
	[tilespmem:s0+$0x14B80] =	vst v6;
	v6 =	vmul.f32 $1.131370830e+01, v4  }
0x14c: {  	s12 =	simm.s32 $0xFC0;
	[tilespmem:s0+$0x14B70] =	vst v7;
	v5 =	vmul.f32 $1.131370830e+01, v5;
	v4 =	vld [tilespmem:s0+$0x14BF0]  }
.LBB2_9:
0x14d: {  	s6 =	sshra.s32 s12, $0x2;
	p0 =	sne.s32 s12, $0x18FC0;
	[tilespmem:s0+$0x14B90] =	vst v6;
	v1 =	vmul.f32 $1.131370830e+01, v1;
	v6 =	vld [tilespmem:s0+$0x14C00]  }
0x14e: {  	v7 =	vld [tilespmem:s6+$0x14A10];
	[tilespmem:s0+$0x14BA0] =	vst v5;
	v0 =	vmul.f32 $1.131370830e+01, v0  }
0x14f: {  	v5 =	vld [tilespmem:s6+$0x14A20];
	[tilespmem:s0+$0x14BB0] =	vst v1;
	v1 =	vmul.f32 $1.131370830e+01, v2  }
0x150: {  	v2 =	vld [tilespmem:s6+$0x14A30];
	[tilespmem:s0+$0x14BC0] =	vst v0;
	v0 =	vmul.f32 $1.131370830e+01, v3  }
0x151: {  	v3 =	vld [tilespmem:s6+$0x14A40];
	[tilespmem:s0+$0x14BD0] =	vst v1;
	v1 =	vmul.f32 $1.131370830e+01, v4  }
0x152: {  	v4 =	vld [tilespmem:s6+$0x14A50];
	[tilespmem:s0+$0x14BE0] =	vst v0;
	v0 =	vmul.f32 $1.131370830e+01, v6  }
0x153: {  	v6 =	vmul.f32 $1.131370830e+01, v7;
	v7 =	vld [tilespmem:s6+$0x14A60];
	[tilespmem:s0+$0x14BF0] =	vst v1  }
0x154: {  	v1 =	vmul.f32 $1.131370830e+01, v5;
	v5 =	vld [tilespmem:s6+$0x14A70];
	[tilespmem:s0+$0x14C00] =	vst v0;
	s0 =	smov.u32 s6  }
0x155: {  	[tilespmem:s0+$0x14A10] =	vst v6;
	v0 =	vmul.f32 $1.131370830e+01, v2;
	v2 =	vld [tilespmem:s0+$0x14A80]  }
0x156: {  	[tilespmem:s0+$0x14A20] =	vst v1;
	v1 =	vmul.f32 $1.131370830e+01, v3;
	v3 =	vld [tilespmem:s0+$0x14A90]  }
0x157: {  	[tilespmem:s0+$0x14A30] =	vst v0;
	v0 =	vmul.f32 $1.131370830e+01, v4;
	v4 =	vld [tilespmem:s0+$0x14AA0]  }
0x158: {  	[tilespmem:s0+$0x14A40] =	vst v1;
	v1 =	vmul.f32 $1.131370830e+01, v7;
	v6 =	vld [tilespmem:s0+$0x14AB0]  }
0x159: {  	[tilespmem:s0+$0x14A50] =	vst v0;
	v0 =	vmul.f32 $1.131370830e+01, v5;
	v5 =	vld [tilespmem:s0+$0x14AC0]  }
0x15a: {  	[tilespmem:s0+$0x14A60] =	vst v1;
	v1 =	vmul.f32 $1.131370830e+01, v2;
	v2 =	vld [tilespmem:s0+$0x14AD0]  }
0x15b: {  	[tilespmem:s0+$0x14A70] =	vst v0;
	v0 =	vmul.f32 $1.131370830e+01, v3;
	v3 =	vld [tilespmem:s0+$0x14AE0]  }
0x15c: {  	[tilespmem:s0+$0x14A80] =	vst v1;
	v1 =	vmul.f32 $1.131370830e+01, v4;
	v4 =	vld [tilespmem:s0+$0x14AF0]  }
0x15d: {  	[tilespmem:s0+$0x14A90] =	vst v0;
	v0 =	vmul.f32 $1.131370830e+01, v6;
	v6 =	vld [tilespmem:s0+$0x14B00]  }
0x15e: {  	[tilespmem:s0+$0x14AA0] =	vst v1;
	v1 =	vmul.f32 $1.131370830e+01, v5;
	v5 =	vld [tilespmem:s0+$0x14B10]  }
0x15f: {  	[tilespmem:s0+$0x14AB0] =	vst v0;
	v0 =	vmul.f32 $1.131370830e+01, v2;
	v2 =	vld [tilespmem:s0+$0x14B20]  }
0x160: {  	[tilespmem:s0+$0x14AC0] =	vst v1;
	v1 =	vmul.f32 $1.131370830e+01, v3;
	v3 =	vld [tilespmem:s0+$0x14B30]  }
0x161: {  	[tilespmem:s0+$0x14AD0] =	vst v0;
	v0 =	vmul.f32 $1.131370830e+01, v4;
	v4 =	vld [tilespmem:s0+$0x14B40]  }
0x162: {  	[tilespmem:s0+$0x14AE0] =	vst v1;
	v1 =	vmul.f32 $1.131370830e+01, v6;
	v6 =	vld [tilespmem:s0+$0x14B50]  }
0x163: {  	[tilespmem:s0+$0x14AF0] =	vst v0;
	v0 =	vmul.f32 $1.131370830e+01, v5;
	v5 =	vld [tilespmem:s0+$0x14B60]  }
0x164: {  	[tilespmem:s0+$0x14B00] =	vst v1;
	v1 =	vmul.f32 $1.131370830e+01, v2;
	v2 =	vld [tilespmem:s0+$0x14B70]  }
0x165: {  	[tilespmem:s0+$0x14B10] =	vst v0;
	v0 =	vmul.f32 $1.131370830e+01, v3;
	v3 =	vld [tilespmem:s0+$0x14B80]  }
0x166: {  	[tilespmem:s0+$0x14B20] =	vst v1;
	v1 =	vmul.f32 $1.131370830e+01, v4;
	v4 =	vld [tilespmem:s0+$0x14B90]  }
0x167: {  	[tilespmem:s0+$0x14B30] =	vst v0;
	v0 =	vmul.f32 $1.131370830e+01, v6;
	v7 =	vld [tilespmem:s0+$0x14BA0]  }
.Ltmp3:
0x168: {  	[tilespmem:s0+$0x14B40] =	vst v1;
	v5 =	vmul.f32 $1.131370830e+01, v5;
	v1 =	vld [tilespmem:s0+$0x14BB0];
	(pc) =	sbr.rel @p0 .LBB2_9-.Ltmp3, $4  }
0x169: {  	[tilespmem:s0+$0x14B50] =	vst v0;
	v6 =	vmul.f32 $1.131370830e+01, v2;
	v0 =	vld [tilespmem:s0+$0x14BC0]  }
0x16a: {  	[tilespmem:s0+$0x14B60] =	vst v5;
	v5 =	vmul.f32 $1.131370830e+01, v3;
	v2 =	vld [tilespmem:s0+$0x14BD0]  }
0x16b: {  	[tilespmem:s0+$0x14B70] =	vst v6;
	v6 =	vmul.f32 $1.131370830e+01, v4;
	v3 =	vld [tilespmem:s0+$0x14BE0]  }
0x16c: {  	s12 =	sadd.s32 $0x800, s12;
	[tilespmem:s0+$0x14B80] =	vst v5;
	v5 =	vmul.f32 $1.131370830e+01, v7;
	v4 =	vld [tilespmem:s0+$0x14BF0]  }
0x16d: {  	[tilespmem:s0+$0x14B90] =	vst v6;
	v1 =	vmul.f32 $1.131370830e+01, v1;
	v59 =	vld [tilespmem:s0+$0x14C00]  }
0x16e: {  	[tilespmem:s0+$0x14BA0] =	vst v5;
	v0 =	vmul.f32 $1.131370830e+01, v0  }
0x16f: {  	s31 =	sadd.s32 $0x1, s31;
	[tilespmem:s0+$0x14BB0] =	vst v1;
	v60 =	vmul.f32 $1.131370830e+01, v2  }
0x170: {  	p0 =	sne.s32 s31, $0x8;
	[tilespmem:s0+$0x14BC0] =	vst v0;
	v61 =	vmul.f32 $1.131370830e+01, v3  }
.Ltmp4:
0x171: {  	s1 =	sadd.s32 s5, s1;
	[tilespmem:s0+$0x14BD0] =	vst v60;
	v62 =	vmul.f32 $1.131370830e+01, v4;
	(pc) =	sbr.rel @p0 .LBB2_2-.Ltmp4, $4  }
0x172: {  	s1 =	smul.u32 $0xC80, s1;
	[tilespmem:s0+$0x14BE0] =	vst v61;
	v63 =	vmul.f32 $1.131370830e+01, v59  }
0x173: {  	[tilespmem:s0+$0x14BF0] =	vst v62  }
0x174: {  	s16 =	sadd.s32 s3, s1;
	[tilespmem:s0+$0x14C00] =	vst v63  }
0x175: {  	[hbm4b:s16+s4] =	stream.linear.scatter [tilespmem:s20], [sflag:$0x8], $0x6400, $0x38;
	[tilespmem:$0x1B000] =	vst v63  }
0x176: {  	_ =	swait.ge [sflag:s25], $0x6400  }
0x177: {  	[sflag:s25] =	ssyncset.done $0x0  }
0x178: {  	[sflag:s25] =	ssyncadd.s32 $0xFFFF9C00  }
0x179: {  	_ =	swait.ge [sflag:s26], $0x6400  }
0x17a: {  	[sflag:s26] =	ssyncset.done $0x0  }
0x17b: {  	[sflag:s26] =	ssyncadd.s32 $0xFFFF9C00  }
0x17c: {  	_ =	swait.ge [sflag:s28], $0x6400  }
0x17d: {  	[sflag:s28] =	ssyncset.done $0x0  }
0x17e: {  	[sflag:s28] =	ssyncadd.s32 $0xFFFF9C00  }
0x17f: {  	_ =	swait.ge [sflag:s29], $0x6400  }
0x180: {  	s30 =	sadd.s32 $0x1, s30;
	s0 =	rddreg [dreg:$0x5]  }
0x181: {  	p0 =	sne.s32 s30, s0  }
.Ltmp5:
0x182: {  	_ = 	snop;
	(pc) =	sbr.rel @p0 .LBB2_1-.Ltmp5, $3  }
0x183: {  	_ =	sdelay $0x1  }
0x184: {  	[sflag:s29] =	ssyncset.done $0x0  }
0x185: {  	[sflag:s29] =	ssyncadd.s32 $0xFFFF9C00  }
0x186: {  	_ =	sfence.sel $0x180000  }
0x187: {  	[bflag:$0x0] =	sbarrier.arrive $0xFFFF  }
0x188: {  	_ =	strace $0x90000047  }
0x189: {  	s0 =	stileid.u32;
	[bflag:$0x2] =	sbarrier.arrive $0xFFFF  }
0x18a: {  	p0 =	sne.s32 s0, $0x0;
	s0 =	rddreg [dreg:$0x3]  }
0x18b: {  	s0 =	sadd.s32 @!p0 $0x100000, s0  }
0x18c: {  	[sflag:s0] =	ssyncadd.tile.s32 @!p0 $0x1;
	_ =	shalt  }
.Lfunc_end2:
_tile_overlayer_lowered:
.L_overlay_start_2:
0x18d: {  	(tag) =	ssettag $0x2  }
0x18e: {  	s0 =	rddreg [dreg:$0x0];
	s2 =	stileid.u32  }
0x18f: {  	s1 =	rddreg [dreg:$0x1];
	p0 =	sne.s32 s2, $0x0  }
0x190: {  	s3 =	rddreg [dreg:$0x2];
	[bflag:$0x3] =	sbarrier.arrive $0xFFFF;
	s2 =	simm.s32 @!p0 $0x1C09  }
0x191: {  	[timem:s3], [sflag:s2] =	dma.local @!p0 [hbm:s0], s1  }
0x192: {  	s0 =	simm.s32 @!p0 $0x9  }
0x193: {  	_ =	swait.ge @!p0 [sflag:s0], s1  }
0x194: {  	s1 =	ssub.s32 @!p0 $0x0, s1;
	[sflag:s0] =	ssyncset.done @!p0 $0x0  }
0x195: {  	[sflag:s0] =	ssyncadd.s32 @!p0 s1  }
0x196: {  	[bflag:$0x3] =	sbarrier.arrive $0xFFFF  }
0x197: {  	_ =	shalt  }

</sc_bundles>
